<compile_context>
chip_gen: v7x
topology: tpu7x:2x2x1
jax: 0.10.2.dev20260603
libtpu: 0.0.44.dev20260713+nightly
codegen_flags: <defaults>
</compile_context>

<pallas_src>
import functools

import jax
import jax.numpy as jnp
from jax import lax
from jax.experimental import pallas as pl
from jax.experimental.pallas import tpu as pltpu
from jax.experimental.pallas import tpu_sc as plsc

NN = 10000
NPAD = 10240
FD = 128
EE = 320000
NC, NS = 2, 16
CHUNK = 128
BLKC = 16
NBLK = 5
CHC = NBLK * BLKC
EPAD = NC * NS * CHC * CHUNK
ROWS_PT = NPAD // NS
EPS = 1e-5

_sc_mesh = plsc.VectorSubcoreMesh(
    core_axis_name="c", subcore_axis_name="s", num_cores=NC, num_subcores=NS)



@functools.partial(
    pl.kernel,
    out_type=jax.ShapeDtypeStruct((NC, NPAD), jnp.float32),
    mesh=_sc_mesh,
    scratch_types=[
        pltpu.VMEM_SHARED((NPAD,), jnp.float32),
        pltpu.VMEM((CHC, CHUNK), jnp.int32),
        pltpu.VMEM((ROWS_PT,), jnp.float32),
        pltpu.VMEM((CHUNK,), jnp.float32),
    ],
)
def _deg_kernel(dst_hbm, out_hbm, deg_sp, dst_v, stage_v, ones_v):
    c = lax.axis_index("c")
    s = lax.axis_index("s")
    r0 = s * ROWS_PT

    def zero_body(i, carry):
        stage_v[pl.ds(i * 16, 16)] = jnp.zeros((16,), jnp.float32)
        return carry

    lax.fori_loop(0, ROWS_PT // 16, zero_body, 0)

    def ones_body(i, carry):
        ones_v[pl.ds(i * 16, 16)] = jnp.ones((16,), jnp.float32)
        return carry

    lax.fori_loop(0, CHUNK // 16, ones_body, 0)
    pltpu.sync_copy(stage_v, deg_sp.at[pl.ds(r0, ROWS_PT)])
    pltpu.sync_copy(dst_hbm.at[c, s], dst_v)
    plsc.subcore_barrier()

    def body(j, carry):
        pltpu.sync_copy(ones_v, deg_sp.at[dst_v.at[j]], add=True)
        return carry

    lax.fori_loop(0, CHC, body, 0)
    plsc.subcore_barrier()
    pltpu.sync_copy(deg_sp.at[pl.ds(r0, ROWS_PT)],
                    out_hbm.at[c, pl.ds(r0, ROWS_PT)])


@functools.partial(
    pl.kernel,
    out_type=jax.ShapeDtypeStruct((NC, NPAD, FD), jnp.float32),
    mesh=_sc_mesh,
    scratch_types=[
        pltpu.VMEM_SHARED((NPAD, FD), jnp.float32),
        pltpu.VMEM((2, BLKC, CHUNK), jnp.int32),
        pltpu.VMEM((2, BLKC, CHUNK), jnp.int32),
        pltpu.VMEM((2, CHUNK, FD), jnp.float32),
        pltpu.SemaphoreType.DMA((2,)),
        pltpu.SemaphoreType.DMA,
    ],
)
def _agg_kernel(h_hbm, src_hbm, dst_hbm, out_hbm,
                acc_sp, src_v, dst_v, rows_v, gsem, isem):
    c = lax.axis_index("c")
    s = lax.axis_index("s")
    r0 = s * ROWS_PT
    @pl.when(c == 0)
    def _():
        pltpu.sync_copy(h_hbm.at[pl.ds(r0, ROWS_PT), :],
                        acc_sp.at[pl.ds(r0, ROWS_PT), :])

    @pl.when(c == 1)
    def _():
        def zrow(i, carry):
            def zcol(k, carry2):
                rows_v[0, i, pl.ds(k * 16, 16)] = jnp.zeros((16,), jnp.float32)
                return carry2
            return lax.fori_loop(0, FD // 16, zcol, carry)
        lax.fori_loop(0, CHUNK, zrow, 0)
        def zcopy(k, carry):
            pltpu.sync_copy(rows_v.at[0],
                            acc_sp.at[pl.ds(r0 + k * CHUNK, CHUNK), :])
            return carry
        lax.fori_loop(0, ROWS_PT // CHUNK, zcopy, 0)

    pltpu.sync_copy(src_hbm.at[c, s, 0], src_v.at[0])
    pltpu.sync_copy(dst_hbm.at[c, s, 0], dst_v.at[0])
    plsc.subcore_barrier()

    def blk_body(k, carry):
        p = lax.rem(k, 2)
        q = 1 - p

        @pl.when(k + 1 < NBLK)
        def _():
            pltpu.async_copy(src_hbm.at[c, s, k + 1], src_v.at[q], isem)
            pltpu.async_copy(dst_hbm.at[c, s, k + 1], dst_v.at[q], isem)

        pltpu.async_copy(h_hbm.at[src_v.at[p, 0]], rows_v.at[0], gsem.at[0])

        def chunk_body(i, carry2):
            b = lax.rem(i, 2)
            bn = 1 - b
            pltpu.make_async_copy(
                h_hbm.at[src_v.at[p, i]], rows_v.at[b], gsem.at[b]).wait()

            @pl.when(i + 1 < BLKC)
            def _():
                pltpu.async_copy(
                    h_hbm.at[src_v.at[p, i + 1]], rows_v.at[bn], gsem.at[bn])

            pltpu.sync_copy(rows_v.at[b], acc_sp.at[dst_v.at[p, i]], add=True)
            return carry2

        lax.fori_loop(0, BLKC, chunk_body, 0)

        @pl.when(k + 1 < NBLK)
        def _():
            pltpu.make_async_copy(
                src_hbm.at[c, s, k + 1], src_v.at[q], isem).wait()
            pltpu.make_async_copy(
                dst_hbm.at[c, s, k + 1], dst_v.at[q], isem).wait()

        return carry

    lax.fori_loop(0, NBLK, blk_body, 0)
    plsc.subcore_barrier()
    pltpu.sync_copy(acc_sp.at[pl.ds(r0, ROWS_PT), :],
                    out_hbm.at[c, pl.ds(r0, ROWS_PT), :])



def _tc1_body(xp_ref, w_ref, dpt_ref, v_ref, dinv_ref):
    deg = jnp.sum(dpt_ref[...], axis=1, keepdims=True) + 1.0
    dinv = lax.rsqrt(jnp.maximum(deg, 1.0))
    u = jnp.dot(xp_ref[...], w_ref[...], preferred_element_type=jnp.float32)
    row = lax.broadcasted_iota(jnp.int32, (NPAD, 1), 0)
    v_ref[...] = jnp.where(row < NN, u * dinv, 0.0)
    dinv_ref[...] = dinv


def _tc_mid_body(agg_ref, dinv_ref, g_ref, b_ref, w_ref, v_ref):
    dinv = dinv_ref[...]
    z = (agg_ref[0] + agg_ref[1]) * dinv
    mu = jnp.sum(z, axis=0, keepdims=True) * (1.0 / NN)
    ex2 = jnp.sum(z * z, axis=0, keepdims=True) * (1.0 / NN)
    var = ex2 - mu * mu
    zn = (z - mu) * lax.rsqrt(var + EPS) * g_ref[...] + b_ref[...]
    h = jnp.maximum(zn, 0.0)
    row = lax.broadcasted_iota(jnp.int32, (NPAD, 1), 0)
    h = jnp.where(row < NN, h, 0.0)
    v_ref[...] = jnp.dot(h, w_ref[...],
                         preferred_element_type=jnp.float32) * dinv


def _tc_out_body(agg_ref, dinv_ref, b_ref, out_ref):
    z = agg_ref[0, pl.ds(0, NN), :] + agg_ref[1, pl.ds(0, NN), :]
    z = z * dinv_ref[pl.ds(0, NN), :] + b_ref[...]
    m = jnp.max(z, axis=1, keepdims=True)
    lse = jnp.log(jnp.sum(jnp.exp(z - m), axis=1, keepdims=True)) + m
    out_ref[...] = z - lse


_tc1 = pl.pallas_call(
    _tc1_body,
    out_shape=[jax.ShapeDtypeStruct((NPAD, FD), jnp.float32),
               jax.ShapeDtypeStruct((NPAD, 1), jnp.float32)])

_tc_mid = pl.pallas_call(
    _tc_mid_body,
    out_shape=jax.ShapeDtypeStruct((NPAD, FD), jnp.float32))

_tc_out = pl.pallas_call(
    _tc_out_body,
    out_shape=jax.ShapeDtypeStruct((NN, FD), jnp.float32))



def kernel(x, edge_index, W1, b1, gamma1, beta1, W2, b2, gamma2, beta2,
           W3, b3):
    src = edge_index[0].astype(jnp.int32)
    dst = edge_index[1].astype(jnp.int32)
    pad_ids = NN + (jnp.arange(EPAD - EE, dtype=jnp.int32) % (NPAD - NN))
    srcf = jnp.concatenate([src, pad_ids])
    dstf = jnp.concatenate([dst, pad_ids])
    srcp = srcf.reshape(NC, NS, NBLK, BLKC, CHUNK)
    dstp = dstf.reshape(NC, NS, NBLK, BLKC, CHUNK)
    dstd = dstf.reshape(NC, NS, CHC, CHUNK)
    xp = jnp.zeros((NPAD, FD), jnp.float32).at[:NN].set(x)

    deg_parts = _deg_kernel(dstd)
    dpt = deg_parts.T

    v1, dinv = _tc1(xp, W1, dpt)
    a1 = _agg_kernel(v1, srcp, dstp)
    v2 = _tc_mid(a1, dinv, gamma1.reshape(1, FD), beta1.reshape(1, FD), W2)
    a2 = _agg_kernel(v2, srcp, dstp)
    v3 = _tc_mid(a2, dinv, gamma2.reshape(1, FD), beta2.reshape(1, FD), W3)
    a3 = _agg_kernel(v3, srcp, dstp)
    return _tc_out(a3, dinv, b3.reshape(1, FD))

# --- scband reference (transcript-rebuilt; emitter-appended) ---
"""Pipeline reference for scband-gcn-10539849744653 (READ-ONLY COPY).

The authoritative reference and input builder live on the scoring server;
editing this copy changes nothing except your own understanding.
"""

import jax, jax.numpy as jnp
import numpy as np

N = 10000
E = 320000
D = 128
H = 128
O = 128
EPS = 1e-5


def setup_inputs(seed: int = 0) -> dict:
    key = jax.random.key(seed)
    ks = jax.random.split(key, 8)
    x = jax.random.normal(ks[0], (N, D), dtype=jnp.float32)
    edge_index = jax.random.randint(ks[1], (2, E), 0, N).astype(jnp.int64)
    W1 = jax.random.normal(ks[2], (D, H), dtype=jnp.float32) / np.sqrt(D)
    b1 = jnp.zeros((H,), dtype=jnp.float32)
    W2 = jax.random.normal(ks[3], (H, H), dtype=jnp.float32) / np.sqrt(H)
    b2 = jnp.zeros((H,), dtype=jnp.float32)
    W3 = jax.random.normal(ks[4], (H, O), dtype=jnp.float32) / np.sqrt(H)
    b3 = jnp.zeros((O,), dtype=jnp.float32)
    gamma1 = jnp.ones((H,), dtype=jnp.float32)
    beta1 = jnp.zeros((H,), dtype=jnp.float32)
    gamma2 = jnp.ones((H,), dtype=jnp.float32)
    beta2 = jnp.zeros((H,), dtype=jnp.float32)
    return {"x": x, "edge_index": edge_index,
            "W1": W1, "b1": b1, "gamma1": gamma1, "beta1": beta1,
            "W2": W2, "b2": b2, "gamma2": gamma2, "beta2": beta2,
            "W3": W3, "b3": b3}


def gcn_conv(x, edge_index, W, b):
    # GCNConv: D^{-1/2} (A + I) D^{-1/2} X W + b
    loop = jnp.arange(N, dtype=edge_index.dtype)
    src = jnp.concatenate([edge_index[0], loop])
    dst = jnp.concatenate([edge_index[1], loop])
    deg = jnp.zeros((N,), dtype=jnp.float32).at[dst].add(1.0)
    dinv = 1.0 / jnp.sqrt(jnp.clip(deg, 1.0))
    norm = dinv[src] * dinv[dst]
    h = x @ W
    msg = h[src] * norm[:, None]
    out = jnp.zeros((N, W.shape[1]), dtype=jnp.float32).at[dst].add(msg)
    return out + b


def batch_norm(x, gamma, beta):
    mu = jnp.mean(x, axis=0)
    var = jnp.var(x, axis=0)
    return (x - mu) / jnp.sqrt(var + EPS) * gamma + beta


def reference(x, edge_index, W1, b1, gamma1, beta1, W2, b2, gamma2, beta2, W3, b3):
    h = jax.nn.relu(batch_norm(gcn_conv(x, edge_index, W1, b1), gamma1, beta1))
    h = jax.nn.relu(batch_norm(gcn_conv(h, edge_index, W2, b2), gamma2, beta2))
    h = gcn_conv(h, edge_index, W3, b3)
    return jax.nn.log_softmax(h, axis=-1)

if __name__ == "__main__":
    import jax
    _d = setup_inputs()
    print(jax.jit(kernel)(*tuple(_d.values())))

</pallas_src>

<mosaic_0001>
#map = affine_map<(d0, d1) -> (0, 0)>
#map1 = affine_map<(d0, d1) -> (0, 0, 0, 0, 0)>
#map2 = affine_map<(d0, d1) -> (0, 0, 0)>
module attributes {stable_mosaic.version = 14 : i64} {
  func.func @_agg_kernel(%arg0: i32, %arg1: i32, %arg2: memref<10240x128xf32, #tpu.memory_space<hbm>>, %arg3: memref<2x16x5x16x128xi32, #tpu.memory_space<hbm>>, %arg4: memref<2x16x5x16x128xi32, #tpu.memory_space<hbm>>, %arg5: memref<2x10240x128xf32, #tpu.memory_space<hbm>>, %arg6: memref<10240x128xf32, #tpu.memory_space<vmem_shared>>, %arg7: memref<2x16x128xi32, #tpu.memory_space<vmem>>, %arg8: memref<2x16x128xi32, #tpu.memory_space<vmem>>, %arg9: memref<2x128x128xf32, #tpu.memory_space<vmem>>, %arg10: memref<2x!tpu.dma_semaphore, #tpu.memory_space<semaphore_mem>>, %arg11: memref<!tpu.dma_semaphore, #tpu.memory_space<semaphore_mem>>) attributes {dimension_semantics = [#tpu.dimension_semantics<core_parallel>, #tpu.dimension_semantics<subcore_parallel>], iteration_bounds = array<i64: 2, 16>, scalar_prefetch = 0 : i64, scratch_operands = 6 : i64, tpu.core_type = #tpu.core_type<sc_vector_subcore>, window_params = [{transform_indices = #map}, {transform_indices = #map1}, {transform_indices = #map1}, {transform_indices = #map2}]} {
    %mul3A = arith.constant 640 : i32
    %mul3A_0 = arith.muli %arg1, %mul3A : i32
    %eq3A = arith.constant 0 : i32
    %eq3A_1 = arith.cmpi eq, %arg0, %eq3A : i32
    %convert_element_type3A = arith.extui %eq3A_1 : i1 to i32
    %cond3A = arith.constant 0 : i32
    %cond3A_2 = arith.cmpi ne, %convert_element_type3A, %cond3A : i32
    scf.if %cond3A_2 {
      "tpu.region"() ({
        %run_scoped3A_17 = tpu.sem_alloc : memref<!tpu.dma_semaphore, #tpu.memory_space<semaphore_mem>>
        %dma_start3A = arith.constant 0 : i32
        %dma_start3A_18 = tpu.memref_slice %arg6[%mul3A_0, %dma_start3A] : memref<10240x128xf32, #tpu.memory_space<vmem_shared>> -> memref<640x128xf32, #tpu.memory_space<vmem_shared>>
        %dma_start3A_19 = arith.constant 0 : i32
        %dma_start3A_20 = tpu.memref_slice %arg2[%mul3A_0, %dma_start3A_19] : memref<10240x128xf32, #tpu.memory_space<hbm>> -> memref<640x128xf32, #tpu.memory_space<hbm>>
        tpu.enqueue_dma source(%dma_start3A_20 : memref<640x128xf32, #tpu.memory_space<hbm>>) target(%dma_start3A_18 : memref<640x128xf32, #tpu.memory_space<vmem_shared>>) target_semaphore(%run_scoped3A_17 : memref<!tpu.dma_semaphore, #tpu.memory_space<semaphore_mem>>)
        %dma_wait3A = arith.constant 0 : i32
        %dma_wait3A_21 = tpu.memref_slice %arg6[%mul3A_0, %dma_wait3A] : memref<10240x128xf32, #tpu.memory_space<vmem_shared>> -> memref<640x128xf32, #tpu.memory_space<vmem_shared>>
        %dma_wait3A_22 = arith.constant 0 : i32
        %dma_wait3A_23 = tpu.memref_slice %arg2[%mul3A_0, %dma_wait3A_22] : memref<10240x128xf32, #tpu.memory_space<hbm>> -> memref<640x128xf32, #tpu.memory_space<hbm>>
        tpu.wait_dma2 semaphore(%run_scoped3A_17 : memref<!tpu.dma_semaphore, #tpu.memory_space<semaphore_mem>>) src(%dma_wait3A_23 : memref<640x128xf32, #tpu.memory_space<hbm>>) dst(%dma_wait3A_21 : memref<640x128xf32, #tpu.memory_space<vmem_shared>>)
        tpu.yield
      }) : () -> ()
    } else {
    }
    %eq3A_3 = arith.constant 1 : i32
    %eq3A_4 = arith.cmpi eq, %arg0, %eq3A_3 : i32
    %convert_element_type3A_5 = arith.extui %eq3A_4 : i1 to i32
    %cond3A_6 = arith.constant 0 : i32
    %cond3A_7 = arith.cmpi ne, %convert_element_type3A_5, %cond3A_6 : i32
    scf.if %cond3A_7 {
      %scan3A_17 = arith.constant 0 : i32
      %scan3A_18 = arith.constant 0 : i32
      %scan3A_19 = arith.constant 128 : i32
      %scan3A_20 = arith.addi %scan3A_18, %scan3A_19 : i32
      %scan3A_21 = arith.constant 1 : i32
      scf.for %scan3A_29 = %scan3A_18 to %scan3A_20 step %scan3A_21  : i32 {
        %scan3A_30 = arith.constant 0 : i32
        %scan3A_31 = arith.constant 8 : i32
        %scan3A_32 = arith.addi %scan3A_30, %scan3A_31 : i32
        %scan3A_33 = arith.constant 1 : i32
        scf.for %scan3A_35 = %scan3A_30 to %scan3A_32 step %scan3A_33  : i32 {
          %broadcast_in_dim3A = arith.constant 0.000000e+00 : f32
          %broadcast_in_dim3A_36 = vector.broadcast %broadcast_in_dim3A : f32 to vector<16xf32>
          %mul3A_37 = arith.constant 16 : i32
          %mul3A_38 = arith.muli %scan3A_35, %mul3A_37 : i32
          %swap3A = arith.constant 0 : i32
          %swap3A_39 = arith.index_cast %swap3A : i32 to index
          %swap3A_40 = arith.index_cast %scan3A_29 : i32 to index
          %swap3A_41 = arith.index_cast %mul3A_38 : i32 to index
          %swap3A_42 = tpu.vector_load %arg9[%swap3A_39, %swap3A_40, %swap3A_41] {strides = array<i32>} : memref<2x128x128xf32, #tpu.memory_space<vmem>>, vector<1x1x16xf32>,
          %swap3A_43 = vector.shape_cast %swap3A_42 : vector<1x1x16xf32> to vector<16xf32>
          %swap3A_44 = vector.shape_cast %broadcast_in_dim3A_36 : vector<16xf32> to vector<1x1x16xf32>
          tpu.vector_store %arg9[%swap3A_39, %swap3A_40, %swap3A_41], %swap3A_44 {strides = array<i32>} : memref<2x128x128xf32, #tpu.memory_space<vmem>>, vector<1x1x16xf32>,
        }
        %scan3A_34 = arith.constant 8 : i32
      }
      %scan3A_22 = arith.constant 128 : i32
      %scan3A_23 = arith.constant 0 : i32
      %scan3A_24 = arith.constant 0 : i32
      %scan3A_25 = arith.constant 5 : i32
      %scan3A_26 = arith.addi %scan3A_24, %scan3A_25 : i32
      %scan3A_27 = arith.constant 1 : i32
      scf.for %scan3A_29 = %scan3A_24 to %scan3A_26 step %scan3A_27  : i32 {
        %mul3A_30 = arith.constant 128 : i32
        %mul3A_31 = arith.muli %scan3A_29, %mul3A_30 : i32
        %add3A = arith.addi %mul3A_0, %mul3A_31 : i32
        %run_scoped3A_32 = arith.constant 0 : i32
        "tpu.region"() ({
          %run_scoped3A_33 = tpu.sem_alloc : memref<!tpu.dma_semaphore, #tpu.memory_space<semaphore_mem>>
          %dma_start3A = arith.constant 0 : i32
          %dma_start3A_34 = arith.constant 0 : i32
          %dma_start3A_35 = tpu.memref_slice %arg9[%run_scoped3A_32, %dma_start3A, %dma_start3A_34] : memref<2x128x128xf32, #tpu.memory_space<vmem>> -> memref<1x128x128xf32, #tpu.memory_space<vmem>>
          %dma_start3A_36 = tpu.memref_squeeze %dma_start3A_35 : memref<1x128x128xf32, #tpu.memory_space<vmem>> -> memref<128x128xf32, #tpu.memory_space<vmem>>
          %dma_start3A_37 = arith.constant 0 : i32
          %dma_start3A_38 = tpu.memref_slice %arg6[%add3A, %dma_start3A_37] : memref<10240x128xf32, #tpu.memory_space<vmem_shared>> -> memref<128x128xf32, #tpu.memory_space<vmem_shared>>
          %dma_start3A_39 = arith.constant 0 : i32
          %dma_start3A_40 = tpu.memref_slice %arg6[%add3A, %dma_start3A_39] : memref<10240x128xf32, #tpu.memory_space<vmem_shared>> -> memref<128x128xf32, #tpu.memory_space<vmem_shared>>
          %dma_start3A_41 = arith.constant 0 : i32
          %dma_start3A_42 = arith.constant 0 : i32
          %dma_start3A_43 = tpu.memref_slice %arg9[%run_scoped3A_32, %dma_start3A_41, %dma_start3A_42] : memref<2x128x128xf32, #tpu.memory_space<vmem>> -> memref<1x128x128xf32, #tpu.memory_space<vmem>>
          %dma_start3A_44 = tpu.memref_squeeze %dma_start3A_43 : memref<1x128x128xf32, #tpu.memory_space<vmem>> -> memref<128x128xf32, #tpu.memory_space<vmem>>
          tpu.enqueue_dma source(%dma_start3A_44 : memref<128x128xf32, #tpu.memory_space<vmem>>) target(%dma_start3A_40 : memref<128x128xf32, #tpu.memory_space<vmem_shared>>) target_semaphore(%run_scoped3A_33 : memref<!tpu.dma_semaphore, #tpu.memory_space<semaphore_mem>>)
          %dma_wait3A = arith.constant 0 : i32
          %dma_wait3A_45 = arith.constant 0 : i32
          %dma_wait3A_46 = tpu.memref_slice %arg9[%run_scoped3A_32, %dma_wait3A, %dma_wait3A_45] : memref<2x128x128xf32, #tpu.memory_space<vmem>> -> memref<1x128x128xf32, #tpu.memory_space<vmem>>
          %dma_wait3A_47 = tpu.memref_squeeze %dma_wait3A_46 : memref<1x128x128xf32, #tpu.memory_space<vmem>> -> memref<128x128xf32, #tpu.memory_space<vmem>>
          %dma_wait3A_48 = arith.constant 0 : i32
          %dma_wait3A_49 = tpu.memref_slice %arg6[%add3A, %dma_wait3A_48] : memref<10240x128xf32, #tpu.memory_space<vmem_shared>> -> memref<128x128xf32, #tpu.memory_space<vmem_shared>>
          %dma_wait3A_50 = arith.constant 0 : i32
          %dma_wait3A_51 = tpu.memref_slice %arg6[%add3A, %dma_wait3A_50] : memref<10240x128xf32, #tpu.memory_space<vmem_shared>> -> memref<128x128xf32, #tpu.memory_space<vmem_shared>>
          %dma_wait3A_52 = arith.constant 0 : i32
          %dma_wait3A_53 = arith.constant 0 : i32
          %dma_wait3A_54 = tpu.memref_slice %arg9[%run_scoped3A_32, %dma_wait3A_52, %dma_wait3A_53] : memref<2x128x128xf32, #tpu.memory_space<vmem>> -> memref<1x128x128xf32, #tpu.memory_space<vmem>>
          %dma_wait3A_55 = tpu.memref_squeeze %dma_wait3A_54 : memref<1x128x128xf32, #tpu.memory_space<vmem>> -> memref<128x128xf32, #tpu.memory_space<vmem>>
          tpu.wait_dma2 semaphore(%run_scoped3A_33 : memref<!tpu.dma_semaphore, #tpu.memory_space<semaphore_mem>>) src(%dma_wait3A_55 : memref<128x128xf32, #tpu.memory_space<vmem>>) dst(%dma_wait3A_51 : memref<128x128xf32, #tpu.memory_space<vmem_shared>>)
          tpu.yield
        }) : () -> ()
      }
      %scan3A_28 = arith.constant 5 : i32
    } else {
    }
    %run_scoped3A = arith.constant 0 : i32
    %run_scoped3A_8 = arith.constant 0 : i32
    "tpu.region"() ({
      %run_scoped3A_17 = tpu.sem_alloc : memref<!tpu.dma_semaphore, #tpu.memory_space<semaphore_mem>>
      %dma_start3A = arith.constant 0 : i32
      %dma_start3A_18 = arith.constant 0 : i32
      %dma_start3A_19 = tpu.memref_slice %arg7[%run_scoped3A_8, %dma_start3A, %dma_start3A_18] : memref<2x16x128xi32, #tpu.memory_space<vmem>> -> memref<1x16x128xi32, #tpu.memory_space<vmem>>
      %dma_start3A_20 = tpu.memref_squeeze %dma_start3A_19 : memref<1x16x128xi32, #tpu.memory_space<vmem>> -> memref<16x128xi32, #tpu.memory_space<vmem>>
      %dma_start3A_21 = arith.constant 0 : i32
      %dma_start3A_22 = arith.constant 0 : i32
      %dma_start3A_23 = tpu.memref_slice %arg3[%arg0, %arg1, %run_scoped3A, %dma_start3A_21, %dma_start3A_22] : memref<2x16x5x16x128xi32, #tpu.memory_space<hbm>> -> memref<1x1x1x16x128xi32, #tpu.memory_space<hbm>>
      %dma_start3A_24 = tpu.memref_squeeze %dma_start3A_23 : memref<1x1x1x16x128xi32, #tpu.memory_space<hbm>> -> memref<16x128xi32, #tpu.memory_space<hbm>>
      %dma_start3A_25 = arith.constant 0 : i32
      %dma_start3A_26 = arith.constant 0 : i32
      %dma_start3A_27 = tpu.memref_slice %arg7[%run_scoped3A_8, %dma_start3A_25, %dma_start3A_26] : memref<2x16x128xi32, #tpu.memory_space<vmem>> -> memref<1x16x128xi32, #tpu.memory_space<vmem>>
      %dma_start3A_28 = tpu.memref_squeeze %dma_start3A_27 : memref<1x16x128xi32, #tpu.memory_space<vmem>> -> memref<16x128xi32, #tpu.memory_space<vmem>>
      %dma_start3A_29 = arith.constant 0 : i32
      %dma_start3A_30 = arith.constant 0 : i32
      %dma_start3A_31 = tpu.memref_slice %arg3[%arg0, %arg1, %run_scoped3A, %dma_start3A_29, %dma_start3A_30] : memref<2x16x5x16x128xi32, #tpu.memory_space<hbm>> -> memref<1x1x1x16x128xi32, #tpu.memory_space<hbm>>
      %dma_start3A_32 = tpu.memref_squeeze %dma_start3A_31 : memref<1x1x1x16x128xi32, #tpu.memory_space<hbm>> -> memref<16x128xi32, #tpu.memory_space<hbm>>
      tpu.enqueue_dma source(%dma_start3A_32 : memref<16x128xi32, #tpu.memory_space<hbm>>) target(%dma_start3A_28 : memref<16x128xi32, #tpu.memory_space<vmem>>) target_semaphore(%run_scoped3A_17 : memref<!tpu.dma_semaphore, #tpu.memory_space<semaphore_mem>>)
      %dma_wait3A = arith.constant 0 : i32
      %dma_wait3A_33 = arith.constant 0 : i32
      %dma_wait3A_34 = tpu.memref_slice %arg7[%run_scoped3A_8, %dma_wait3A, %dma_wait3A_33] : memref<2x16x128xi32, #tpu.memory_space<vmem>> -> memref<1x16x128xi32, #tpu.memory_space<vmem>>
      %dma_wait3A_35 = tpu.memref_squeeze %dma_wait3A_34 : memref<1x16x128xi32, #tpu.memory_space<vmem>> -> memref<16x128xi32, #tpu.memory_space<vmem>>
      %dma_wait3A_36 = arith.constant 0 : i32
      %dma_wait3A_37 = arith.constant 0 : i32
      %dma_wait3A_38 = tpu.memref_slice %arg3[%arg0, %arg1, %run_scoped3A, %dma_wait3A_36, %dma_wait3A_37] : memref<2x16x5x16x128xi32, #tpu.memory_space<hbm>> -> memref<1x1x1x16x128xi32, #tpu.memory_space<hbm>>
      %dma_wait3A_39 = tpu.memref_squeeze %dma_wait3A_38 : memref<1x1x1x16x128xi32, #tpu.memory_space<hbm>> -> memref<16x128xi32, #tpu.memory_space<hbm>>
      %dma_wait3A_40 = arith.constant 0 : i32
      %dma_wait3A_41 = arith.constant 0 : i32
      %dma_wait3A_42 = tpu.memref_slice %arg7[%run_scoped3A_8, %dma_wait3A_40, %dma_wait3A_41] : memref<2x16x128xi32, #tpu.memory_space<vmem>> -> memref<1x16x128xi32, #tpu.memory_space<vmem>>
      %dma_wait3A_43 = tpu.memref_squeeze %dma_wait3A_42 : memref<1x16x128xi32, #tpu.memory_space<vmem>> -> memref<16x128xi32, #tpu.memory_space<vmem>>
      %dma_wait3A_44 = arith.constant 0 : i32
      %dma_wait3A_45 = arith.constant 0 : i32
      %dma_wait3A_46 = tpu.memref_slice %arg3[%arg0, %arg1, %run_scoped3A, %dma_wait3A_44, %dma_wait3A_45] : memref<2x16x5x16x128xi32, #tpu.memory_space<hbm>> -> memref<1x1x1x16x128xi32, #tpu.memory_space<hbm>>
      %dma_wait3A_47 = tpu.memref_squeeze %dma_wait3A_46 : memref<1x1x1x16x128xi32, #tpu.memory_space<hbm>> -> memref<16x128xi32, #tpu.memory_space<hbm>>
      tpu.wait_dma2 semaphore(%run_scoped3A_17 : memref<!tpu.dma_semaphore, #tpu.memory_space<semaphore_mem>>) src(%dma_wait3A_47 : memref<16x128xi32, #tpu.memory_space<hbm>>) dst(%dma_wait3A_43 : memref<16x128xi32, #tpu.memory_space<vmem>>)
      tpu.yield
    }) : () -> ()
    %run_scoped3A_9 = arith.constant 0 : i32
    %run_scoped3A_10 = arith.constant 0 : i32
    "tpu.region"() ({
      %run_scoped3A_17 = tpu.sem_alloc : memref<!tpu.dma_semaphore, #tpu.memory_space<semaphore_mem>>
      %dma_start3A = arith.constant 0 : i32
      %dma_start3A_18 = arith.constant 0 : i32
      %dma_start3A_19 = tpu.memref_slice %arg8[%run_scoped3A_10, %dma_start3A, %dma_start3A_18] : memref<2x16x128xi32, #tpu.memory_space<vmem>> -> memref<1x16x128xi32, #tpu.memory_space<vmem>>
      %dma_start3A_20 = tpu.memref_squeeze %dma_start3A_19 : memref<1x16x128xi32, #tpu.memory_space<vmem>> -> memref<16x128xi32, #tpu.memory_space<vmem>>
      %dma_start3A_21 = arith.constant 0 : i32
      %dma_start3A_22 = arith.constant 0 : i32
      %dma_start3A_23 = tpu.memref_slice %arg4[%arg0, %arg1, %run_scoped3A_9, %dma_start3A_21, %dma_start3A_22] : memref<2x16x5x16x128xi32, #tpu.memory_space<hbm>> -> memref<1x1x1x16x128xi32, #tpu.memory_space<hbm>>
      %dma_start3A_24 = tpu.memref_squeeze %dma_start3A_23 : memref<1x1x1x16x128xi32, #tpu.memory_space<hbm>> -> memref<16x128xi32, #tpu.memory_space<hbm>>
      %dma_start3A_25 = arith.constant 0 : i32
      %dma_start3A_26 = arith.constant 0 : i32
      %dma_start3A_27 = tpu.memref_slice %arg8[%run_scoped3A_10, %dma_start3A_25, %dma_start3A_26] : memref<2x16x128xi32, #tpu.memory_space<vmem>> -> memref<1x16x128xi32, #tpu.memory_space<vmem>>
      %dma_start3A_28 = tpu.memref_squeeze %dma_start3A_27 : memref<1x16x128xi32, #tpu.memory_space<vmem>> -> memref<16x128xi32, #tpu.memory_space<vmem>>
      %dma_start3A_29 = arith.constant 0 : i32
      %dma_start3A_30 = arith.constant 0 : i32
      %dma_start3A_31 = tpu.memref_slice %arg4[%arg0, %arg1, %run_scoped3A_9, %dma_start3A_29, %dma_start3A_30] : memref<2x16x5x16x128xi32, #tpu.memory_space<hbm>> -> memref<1x1x1x16x128xi32, #tpu.memory_space<hbm>>
      %dma_start3A_32 = tpu.memref_squeeze %dma_start3A_31 : memref<1x1x1x16x128xi32, #tpu.memory_space<hbm>> -> memref<16x128xi32, #tpu.memory_space<hbm>>
      tpu.enqueue_dma source(%dma_start3A_32 : memref<16x128xi32, #tpu.memory_space<hbm>>) target(%dma_start3A_28 : memref<16x128xi32, #tpu.memory_space<vmem>>) target_semaphore(%run_scoped3A_17 : memref<!tpu.dma_semaphore, #tpu.memory_space<semaphore_mem>>)
      %dma_wait3A = arith.constant 0 : i32
      %dma_wait3A_33 = arith.constant 0 : i32
      %dma_wait3A_34 = tpu.memref_slice %arg8[%run_scoped3A_10, %dma_wait3A, %dma_wait3A_33] : memref<2x16x128xi32, #tpu.memory_space<vmem>> -> memref<1x16x128xi32, #tpu.memory_space<vmem>>
      %dma_wait3A_35 = tpu.memref_squeeze %dma_wait3A_34 : memref<1x16x128xi32, #tpu.memory_space<vmem>> -> memref<16x128xi32, #tpu.memory_space<vmem>>
      %dma_wait3A_36 = arith.constant 0 : i32
      %dma_wait3A_37 = arith.constant 0 : i32
      %dma_wait3A_38 = tpu.memref_slice %arg4[%arg0, %arg1, %run_scoped3A_9, %dma_wait3A_36, %dma_wait3A_37] : memref<2x16x5x16x128xi32, #tpu.memory_space<hbm>> -> memref<1x1x1x16x128xi32, #tpu.memory_space<hbm>>
      %dma_wait3A_39 = tpu.memref_squeeze %dma_wait3A_38 : memref<1x1x1x16x128xi32, #tpu.memory_space<hbm>> -> memref<16x128xi32, #tpu.memory_space<hbm>>
      %dma_wait3A_40 = arith.constant 0 : i32
      %dma_wait3A_41 = arith.constant 0 : i32
      %dma_wait3A_42 = tpu.memref_slice %arg8[%run_scoped3A_10, %dma_wait3A_40, %dma_wait3A_41] : memref<2x16x128xi32, #tpu.memory_space<vmem>> -> memref<1x16x128xi32, #tpu.memory_space<vmem>>
      %dma_wait3A_43 = tpu.memref_squeeze %dma_wait3A_42 : memref<1x16x128xi32, #tpu.memory_space<vmem>> -> memref<16x128xi32, #tpu.memory_space<vmem>>
      %dma_wait3A_44 = arith.constant 0 : i32
      %dma_wait3A_45 = arith.constant 0 : i32
      %dma_wait3A_46 = tpu.memref_slice %arg4[%arg0, %arg1, %run_scoped3A_9, %dma_wait3A_44, %dma_wait3A_45] : memref<2x16x5x16x128xi32, #tpu.memory_space<hbm>> -> memref<1x1x1x16x128xi32, #tpu.memory_space<hbm>>
      %dma_wait3A_47 = tpu.memref_squeeze %dma_wait3A_46 : memref<1x1x1x16x128xi32, #tpu.memory_space<hbm>> -> memref<16x128xi32, #tpu.memory_space<hbm>>
      tpu.wait_dma2 semaphore(%run_scoped3A_17 : memref<!tpu.dma_semaphore, #tpu.memory_space<semaphore_mem>>) src(%dma_wait3A_47 : memref<16x128xi32, #tpu.memory_space<hbm>>) dst(%dma_wait3A_43 : memref<16x128xi32, #tpu.memory_space<vmem>>)
      tpu.yield
    }) : () -> ()
    %barrier3A = arith.constant 0 : index
    tpu.barrier barrier_id(%barrier3A)
    %scan3A = arith.constant 0 : i32
    %scan3A_11 = arith.constant 0 : i32
    %scan3A_12 = arith.constant 5 : i32
    %scan3A_13 = arith.addi %scan3A_11, %scan3A_12 : i32
    %scan3A_14 = arith.constant 1 : i32
    scf.for %scan3A_17 = %scan3A_11 to %scan3A_13 step %scan3A_14  : i32 {
      %rem3A = arith.constant 2 : i32
      %rem3A_18 = arith.remsi %scan3A_17, %rem3A : i32
      %sub3A = arith.constant 1 : i32
      %sub3A_19 = arith.subi %sub3A, %rem3A_18 : i32
      %add3A = arith.constant 1 : i32
      %add3A_20 = arith.addi %scan3A_17, %add3A : i32
      %lt3A = arith.constant 5 : i32
      %lt3A_21 = arith.cmpi slt, %add3A_20, %lt3A : i32
      %convert_element_type3A_22 = arith.extui %lt3A_21 : i1 to i32
      %cond3A_23 = arith.constant 0 : i32
      %cond3A_24 = arith.cmpi ne, %convert_element_type3A_22, %cond3A_23 : i32
      scf.if %cond3A_24 {
        %add3A_52 = arith.constant 1 : i32
        %add3A_53 = arith.addi %scan3A_17, %add3A_52 : i32
        %dma_start3A_54 = arith.constant 0 : i32
        %dma_start3A_55 = arith.constant 0 : i32
        %dma_start3A_56 = tpu.memref_slice %arg7[%sub3A_19, %dma_start3A_54, %dma_start3A_55] : memref<2x16x128xi32, #tpu.memory_space<vmem>> -> memref<1x16x128xi32, #tpu.memory_space<vmem>>
        %dma_start3A_57 = tpu.memref_squeeze %dma_start3A_56 : memref<1x16x128xi32, #tpu.memory_space<vmem>> -> memref<16x128xi32, #tpu.memory_space<vmem>>
        %dma_start3A_58 = arith.constant 0 : i32
        %dma_start3A_59 = arith.constant 0 : i32
        %dma_start3A_60 = tpu.memref_slice %arg3[%arg0, %arg1, %add3A_53, %dma_start3A_58, %dma_start3A_59] : memref<2x16x5x16x128xi32, #tpu.memory_space<hbm>> -> memref<1x1x1x16x128xi32, #tpu.memory_space<hbm>>
        %dma_start3A_61 = tpu.memref_squeeze %dma_start3A_60 : memref<1x1x1x16x128xi32, #tpu.memory_space<hbm>> -> memref<16x128xi32, #tpu.memory_space<hbm>>
        %dma_start3A_62 = arith.constant 0 : i32
        %dma_start3A_63 = arith.constant 0 : i32
        %dma_start3A_64 = tpu.memref_slice %arg7[%sub3A_19, %dma_start3A_62, %dma_start3A_63] : memref<2x16x128xi32, #tpu.memory_space<vmem>> -> memref<1x16x128xi32, #tpu.memory_space<vmem>>
        %dma_start3A_65 = tpu.memref_squeeze %dma_start3A_64 : memref<1x16x128xi32, #tpu.memory_space<vmem>> -> memref<16x128xi32, #tpu.memory_space<vmem>>
        %dma_start3A_66 = arith.constant 0 : i32
        %dma_start3A_67 = arith.constant 0 : i32
        %dma_start3A_68 = tpu.memref_slice %arg3[%arg0, %arg1, %add3A_53, %dma_start3A_66, %dma_start3A_67] : memref<2x16x5x16x128xi32, #tpu.memory_space<hbm>> -> memref<1x1x1x16x128xi32, #tpu.memory_space<hbm>>
        %dma_start3A_69 = tpu.memref_squeeze %dma_start3A_68 : memref<1x1x1x16x128xi32, #tpu.memory_space<hbm>> -> memref<16x128xi32, #tpu.memory_space<hbm>>
        tpu.enqueue_dma source(%dma_start3A_69 : memref<16x128xi32, #tpu.memory_space<hbm>>) target(%dma_start3A_65 : memref<16x128xi32, #tpu.memory_space<vmem>>) target_semaphore(%arg11 : memref<!tpu.dma_semaphore, #tpu.memory_space<semaphore_mem>>)
        %add3A_70 = arith.constant 1 : i32
        %add3A_71 = arith.addi %scan3A_17, %add3A_70 : i32
        %dma_start3A_72 = arith.constant 0 : i32
        %dma_start3A_73 = arith.constant 0 : i32
        %dma_start3A_74 = tpu.memref_slice %arg8[%sub3A_19, %dma_start3A_72, %dma_start3A_73] : memref<2x16x128xi32, #tpu.memory_space<vmem>> -> memref<1x16x128xi32, #tpu.memory_space<vmem>>
        %dma_start3A_75 = tpu.memref_squeeze %dma_start3A_74 : memref<1x16x128xi32, #tpu.memory_space<vmem>> -> memref<16x128xi32, #tpu.memory_space<vmem>>
        %dma_start3A_76 = arith.constant 0 : i32
        %dma_start3A_77 = arith.constant 0 : i32
        %dma_start3A_78 = tpu.memref_slice %arg4[%arg0, %arg1, %add3A_71, %dma_start3A_76, %dma_start3A_77] : memref<2x16x5x16x128xi32, #tpu.memory_space<hbm>> -> memref<1x1x1x16x128xi32, #tpu.memory_space<hbm>>
        %dma_start3A_79 = tpu.memref_squeeze %dma_start3A_78 : memref<1x1x1x16x128xi32, #tpu.memory_space<hbm>> -> memref<16x128xi32, #tpu.memory_space<hbm>>
        %dma_start3A_80 = arith.constant 0 : i32
        %dma_start3A_81 = arith.constant 0 : i32
        %dma_start3A_82 = tpu.memref_slice %arg8[%sub3A_19, %dma_start3A_80, %dma_start3A_81] : memref<2x16x128xi32, #tpu.memory_space<vmem>> -> memref<1x16x128xi32, #tpu.memory_space<vmem>>
        %dma_start3A_83 = tpu.memref_squeeze %dma_start3A_82 : memref<1x16x128xi32, #tpu.memory_space<vmem>> -> memref<16x128xi32, #tpu.memory_space<vmem>>
        %dma_start3A_84 = arith.constant 0 : i32
        %dma_start3A_85 = arith.constant 0 : i32
        %dma_start3A_86 = tpu.memref_slice %arg4[%arg0, %arg1, %add3A_71, %dma_start3A_84, %dma_start3A_85] : memref<2x16x5x16x128xi32, #tpu.memory_space<hbm>> -> memref<1x1x1x16x128xi32, #tpu.memory_space<hbm>>
        %dma_start3A_87 = tpu.memref_squeeze %dma_start3A_86 : memref<1x1x1x16x128xi32, #tpu.memory_space<hbm>> -> memref<16x128xi32, #tpu.memory_space<hbm>>
        tpu.enqueue_dma source(%dma_start3A_87 : memref<16x128xi32, #tpu.memory_space<hbm>>) target(%dma_start3A_83 : memref<16x128xi32, #tpu.memory_space<vmem>>) target_semaphore(%arg11 : memref<!tpu.dma_semaphore, #tpu.memory_space<semaphore_mem>>)
      } else {
      }
      %dma_start3A = arith.constant 0 : i32
      %dma_start3A_25 = arith.constant 0 : i32
      %dma_start3A_26 = arith.constant 0 : i32
      %dma_start3A_27 = arith.constant 0 : i32
      %dma_start3A_28 = arith.constant 0 : i32
      %dma_start3A_29 = tpu.memref_slice %arg9[%dma_start3A_25, %dma_start3A_27, %dma_start3A_28] : memref<2x128x128xf32, #tpu.memory_space<vmem>> -> memref<1x128x128xf32, #tpu.memory_space<vmem>>
      %dma_start3A_30 = tpu.memref_squeeze %dma_start3A_29 : memref<1x128x128xf32, #tpu.memory_space<vmem>> -> memref<128x128xf32, #tpu.memory_space<vmem>>
      %dma_start3A_31 = arith.constant 0 : i32
      %dma_start3A_32 = tpu.memref_slice %arg7[%rem3A_18, %dma_start3A, %dma_start3A_31] : memref<2x16x128xi32, #tpu.memory_space<vmem>> -> memref<1x1x128xi32, #tpu.memory_space<vmem>>
      %dma_start3A_33 = tpu.memref_squeeze %dma_start3A_32 : memref<1x1x128xi32, #tpu.memory_space<vmem>> -> memref<128xi32, #tpu.memory_space<vmem>>
      %dma_start3A_34 = arith.constant 0 : i32
      %dma_start3A_35 = arith.constant 0 : i32
      %dma_start3A_36 = tpu.memref_slice %arg2[%dma_start3A_34, %dma_start3A_35] : memref<10240x128xf32, #tpu.memory_space<hbm>> -> memref<10240x128xf32, #tpu.memory_space<hbm>>
      %dma_start3A_37 = tpu.memref_slice %arg10[%dma_start3A_26] : memref<2x!tpu.dma_semaphore, #tpu.memory_space<semaphore_mem>> -> memref<1x!tpu.dma_semaphore, #tpu.memory_space<semaphore_mem>>
      %dma_start3A_38 = tpu.memref_squeeze %dma_start3A_37 : memref<1x!tpu.dma_semaphore, #tpu.memory_space<semaphore_mem>> -> memref<!tpu.dma_semaphore, #tpu.memory_space<semaphore_mem>>
      tpu.enqueue_indirect_dma source(%dma_start3A_36 : memref<10240x128xf32, #tpu.memory_space<hbm>>) target(%dma_start3A_30 : memref<128x128xf32, #tpu.memory_space<vmem>>) offsets(%dma_start3A_33 : memref<128xi32, #tpu.memory_space<vmem>>) semaphore(%dma_start3A_38 : memref<!tpu.dma_semaphore, #tpu.memory_space<semaphore_mem>>)
      %scan3A_39 = arith.constant 0 : i32
      %scan3A_40 = arith.constant 0 : i32
      %scan3A_41 = arith.constant 16 : i32
      %scan3A_42 = arith.addi %scan3A_40, %scan3A_41 : i32
      %scan3A_43 = arith.constant 1 : i32
      scf.for %scan3A_52 = %scan3A_40 to %scan3A_42 step %scan3A_43  : i32 {
        %rem3A_53 = arith.constant 2 : i32
        %rem3A_54 = arith.remsi %scan3A_52, %rem3A_53 : i32
        %sub3A_55 = arith.constant 1 : i32
        %sub3A_56 = arith.subi %sub3A_55, %rem3A_54 : i32
        %dma_wait3A = arith.constant 0 : i32
        %dma_wait3A_57 = arith.constant 0 : i32
        %dma_wait3A_58 = tpu.memref_slice %arg9[%rem3A_54, %dma_wait3A, %dma_wait3A_57] : memref<2x128x128xf32, #tpu.memory_space<vmem>> -> memref<1x128x128xf32, #tpu.memory_space<vmem>>
        %dma_wait3A_59 = tpu.memref_squeeze %dma_wait3A_58 : memref<1x128x128xf32, #tpu.memory_space<vmem>> -> memref<128x128xf32, #tpu.memory_space<vmem>>
        %dma_wait3A_60 = arith.constant 0 : i32
        %dma_wait3A_61 = tpu.memref_slice %arg7[%rem3A_18, %scan3A_52, %dma_wait3A_60] : memref<2x16x128xi32, #tpu.memory_space<vmem>> -> memref<1x1x128xi32, #tpu.memory_space<vmem>>
        %dma_wait3A_62 = tpu.memref_squeeze %dma_wait3A_61 : memref<1x1x128xi32, #tpu.memory_space<vmem>> -> memref<128xi32, #tpu.memory_space<vmem>>
        %dma_wait3A_63 = arith.constant 0 : i32
        %dma_wait3A_64 = arith.constant 0 : i32
        %dma_wait3A_65 = tpu.memref_slice %arg2[%dma_wait3A_63, %dma_wait3A_64] : memref<10240x128xf32, #tpu.memory_space<hbm>> -> memref<10240x128xf32, #tpu.memory_space<hbm>>
        %dma_wait3A_66 = tpu.memref_slice %arg10[%rem3A_54] : memref<2x!tpu.dma_semaphore, #tpu.memory_space<semaphore_mem>> -> memref<1x!tpu.dma_semaphore, #tpu.memory_space<semaphore_mem>>
        %dma_wait3A_67 = tpu.memref_squeeze %dma_wait3A_66 : memref<1x!tpu.dma_semaphore, #tpu.memory_space<semaphore_mem>> -> memref<!tpu.dma_semaphore, #tpu.memory_space<semaphore_mem>>
        tpu.wait_indirect_dma semaphore(%dma_wait3A_67 : memref<!tpu.dma_semaphore, #tpu.memory_space<semaphore_mem>>) src(%dma_wait3A_65 : memref<10240x128xf32, #tpu.memory_space<hbm>>) dst(%dma_wait3A_59 : memref<128x128xf32, #tpu.memory_space<vmem>>)
        %add3A_68 = arith.constant 1 : i32
        %add3A_69 = arith.addi %scan3A_52, %add3A_68 : i32
        %lt3A_70 = arith.constant 16 : i32
        %lt3A_71 = arith.cmpi slt, %add3A_69, %lt3A_70 : i32
        %convert_element_type3A_72 = arith.extui %lt3A_71 : i1 to i32
        %cond3A_73 = arith.constant 0 : i32
        %cond3A_74 = arith.cmpi ne, %convert_element_type3A_72, %cond3A_73 : i32
        scf.if %cond3A_74 {
          %add3A_75 = arith.constant 1 : i32
          %add3A_76 = arith.addi %scan3A_52, %add3A_75 : i32
          %dma_start3A_77 = arith.constant 0 : i32
          %dma_start3A_78 = arith.constant 0 : i32
          %dma_start3A_79 = tpu.memref_slice %arg9[%sub3A_56, %dma_start3A_77, %dma_start3A_78] : memref<2x128x128xf32, #tpu.memory_space<vmem>> -> memref<1x128x128xf32, #tpu.memory_space<vmem>>
          %dma_start3A_80 = tpu.memref_squeeze %dma_start3A_79 : memref<1x128x128xf32, #tpu.memory_space<vmem>> -> memref<128x128xf32, #tpu.memory_space<vmem>>
          %dma_start3A_81 = arith.constant 0 : i32
          %dma_start3A_82 = tpu.memref_slice %arg7[%rem3A_18, %add3A_76, %dma_start3A_81] : memref<2x16x128xi32, #tpu.memory_space<vmem>> -> memref<1x1x128xi32, #tpu.memory_space<vmem>>
          %dma_start3A_83 = tpu.memref_squeeze %dma_start3A_82 : memref<1x1x128xi32, #tpu.memory_space<vmem>> -> memref<128xi32, #tpu.memory_space<vmem>>
          %dma_start3A_84 = arith.constant 0 : i32
          %dma_start3A_85 = arith.constant 0 : i32
          %dma_start3A_86 = tpu.memref_slice %arg2[%dma_start3A_84, %dma_start3A_85] : memref<10240x128xf32, #tpu.memory_space<hbm>> -> memref<10240x128xf32, #tpu.memory_space<hbm>>
          %dma_start3A_87 = tpu.memref_slice %arg10[%sub3A_56] : memref<2x!tpu.dma_semaphore, #tpu.memory_space<semaphore_mem>> -> memref<1x!tpu.dma_semaphore, #tpu.memory_space<semaphore_mem>>
          %dma_start3A_88 = tpu.memref_squeeze %dma_start3A_87 : memref<1x!tpu.dma_semaphore, #tpu.memory_space<semaphore_mem>> -> memref<!tpu.dma_semaphore, #tpu.memory_space<semaphore_mem>>
          tpu.enqueue_indirect_dma source(%dma_start3A_86 : memref<10240x128xf32, #tpu.memory_space<hbm>>) target(%dma_start3A_80 : memref<128x128xf32, #tpu.memory_space<vmem>>) offsets(%dma_start3A_83 : memref<128xi32, #tpu.memory_space<vmem>>) semaphore(%dma_start3A_88 : memref<!tpu.dma_semaphore, #tpu.memory_space<semaphore_mem>>)
        } else {
        }
        "tpu.region"() ({
          %run_scoped3A_75 = tpu.sem_alloc : memref<!tpu.dma_semaphore, #tpu.memory_space<semaphore_mem>>
          %dma_start3A_76 = arith.constant 0 : i32
          %dma_start3A_77 = arith.constant 0 : i32
          %dma_start3A_78 = tpu.memref_slice %arg9[%rem3A_54, %dma_start3A_76, %dma_start3A_77] : memref<2x128x128xf32, #tpu.memory_space<vmem>> -> memref<1x128x128xf32, #tpu.memory_space<vmem>>
          %dma_start3A_79 = tpu.memref_squeeze %dma_start3A_78 : memref<1x128x128xf32, #tpu.memory_space<vmem>> -> memref<128x128xf32, #tpu.memory_space<vmem>>
          %dma_start3A_80 = arith.constant 0 : i32
          %dma_start3A_81 = tpu.memref_slice %arg8[%rem3A_18, %scan3A_52, %dma_start3A_80] : memref<2x16x128xi32, #tpu.memory_space<vmem>> -> memref<1x1x128xi32, #tpu.memory_space<vmem>>
          %dma_start3A_82 = tpu.memref_squeeze %dma_start3A_81 : memref<1x1x128xi32, #tpu.memory_space<vmem>> -> memref<128xi32, #tpu.memory_space<vmem>>
          %dma_start3A_83 = arith.constant 0 : i32
          %dma_start3A_84 = arith.constant 0 : i32
          %dma_start3A_85 = tpu.memref_slice %arg6[%dma_start3A_83, %dma_start3A_84] : memref<10240x128xf32, #tpu.memory_space<vmem_shared>> -> memref<10240x128xf32, #tpu.memory_space<vmem_shared>>
          tpu.enqueue_indirect_dma source(%dma_start3A_79 : memref<128x128xf32, #tpu.memory_space<vmem>>) target(%dma_start3A_85 : memref<10240x128xf32, #tpu.memory_space<vmem_shared>>) offsets(%dma_start3A_82 : memref<128xi32, #tpu.memory_space<vmem>>) semaphore(%run_scoped3A_75 : memref<!tpu.dma_semaphore, #tpu.memory_space<semaphore_mem>>) {add = true}
          %dma_wait3A_86 = arith.constant 0 : i32
          %dma_wait3A_87 = arith.constant 0 : i32
          %dma_wait3A_88 = tpu.memref_slice %arg9[%rem3A_54, %dma_wait3A_86, %dma_wait3A_87] : memref<2x128x128xf32, #tpu.memory_space<vmem>> -> memref<1x128x128xf32, #tpu.memory_space<vmem>>
          %dma_wait3A_89 = tpu.memref_squeeze %dma_wait3A_88 : memref<1x128x128xf32, #tpu.memory_space<vmem>> -> memref<128x128xf32, #tpu.memory_space<vmem>>
          %dma_wait3A_90 = arith.constant 0 : i32
          %dma_wait3A_91 = tpu.memref_slice %arg8[%rem3A_18, %scan3A_52, %dma_wait3A_90] : memref<2x16x128xi32, #tpu.memory_space<vmem>> -> memref<1x1x128xi32, #tpu.memory_space<vmem>>
          %dma_wait3A_92 = tpu.memref_squeeze %dma_wait3A_91 : memref<1x1x128xi32, #tpu.memory_space<vmem>> -> memref<128xi32, #tpu.memory_space<vmem>>
          %dma_wait3A_93 = arith.constant 0 : i32
          %dma_wait3A_94 = arith.constant 0 : i32
          %dma_wait3A_95 = tpu.memref_slice %arg6[%dma_wait3A_93, %dma_wait3A_94] : memref<10240x128xf32, #tpu.memory_space<vmem_shared>> -> memref<10240x128xf32, #tpu.memory_space<vmem_shared>>
          tpu.wait_indirect_dma semaphore(%run_scoped3A_75 : memref<!tpu.dma_semaphore, #tpu.memory_space<semaphore_mem>>) src(%dma_wait3A_89 : memref<128x128xf32, #tpu.memory_space<vmem>>) dst(%dma_wait3A_95 : memref<10240x128xf32, #tpu.memory_space<vmem_shared>>)
          tpu.yield
        }) : () -> ()
      }
      %scan3A_44 = arith.constant 16 : i32
      %add3A_45 = arith.constant 1 : i32
      %add3A_46 = arith.addi %scan3A_17, %add3A_45 : i32
      %lt3A_47 = arith.constant 5 : i32
      %lt3A_48 = arith.cmpi slt, %add3A_46, %lt3A_47 : i32
      %convert_element_type3A_49 = arith.extui %lt3A_48 : i1 to i32
      %cond3A_50 = arith.constant 0 : i32
      %cond3A_51 = arith.cmpi ne, %convert_element_type3A_49, %cond3A_50 : i32
      scf.if %cond3A_51 {
        %add3A_52 = arith.constant 1 : i32
        %add3A_53 = arith.addi %scan3A_17, %add3A_52 : i32
        %dma_wait3A = arith.constant 0 : i32
        %dma_wait3A_54 = arith.constant 0 : i32
        %dma_wait3A_55 = tpu.memref_slice %arg7[%sub3A_19, %dma_wait3A, %dma_wait3A_54] : memref<2x16x128xi32, #tpu.memory_space<vmem>> -> memref<1x16x128xi32, #tpu.memory_space<vmem>>
        %dma_wait3A_56 = tpu.memref_squeeze %dma_wait3A_55 : memref<1x16x128xi32, #tpu.memory_space<vmem>> -> memref<16x128xi32, #tpu.memory_space<vmem>>
        %dma_wait3A_57 = arith.constant 0 : i32
        %dma_wait3A_58 = arith.constant 0 : i32
        %dma_wait3A_59 = tpu.memref_slice %arg3[%arg0, %arg1, %add3A_53, %dma_wait3A_57, %dma_wait3A_58] : memref<2x16x5x16x128xi32, #tpu.memory_space<hbm>> -> memref<1x1x1x16x128xi32, #tpu.memory_space<hbm>>
        %dma_wait3A_60 = tpu.memref_squeeze %dma_wait3A_59 : memref<1x1x1x16x128xi32, #tpu.memory_space<hbm>> -> memref<16x128xi32, #tpu.memory_space<hbm>>
        %dma_wait3A_61 = arith.constant 0 : i32
        %dma_wait3A_62 = arith.constant 0 : i32
        %dma_wait3A_63 = tpu.memref_slice %arg7[%sub3A_19, %dma_wait3A_61, %dma_wait3A_62] : memref<2x16x128xi32, #tpu.memory_space<vmem>> -> memref<1x16x128xi32, #tpu.memory_space<vmem>>
        %dma_wait3A_64 = tpu.memref_squeeze %dma_wait3A_63 : memref<1x16x128xi32, #tpu.memory_space<vmem>> -> memref<16x128xi32, #tpu.memory_space<vmem>>
        %dma_wait3A_65 = arith.constant 0 : i32
        %dma_wait3A_66 = arith.constant 0 : i32
        %dma_wait3A_67 = tpu.memref_slice %arg3[%arg0, %arg1, %add3A_53, %dma_wait3A_65, %dma_wait3A_66] : memref<2x16x5x16x128xi32, #tpu.memory_space<hbm>> -> memref<1x1x1x16x128xi32, #tpu.memory_space<hbm>>
        %dma_wait3A_68 = tpu.memref_squeeze %dma_wait3A_67 : memref<1x1x1x16x128xi32, #tpu.memory_space<hbm>> -> memref<16x128xi32, #tpu.memory_space<hbm>>
        tpu.wait_dma2 semaphore(%arg11 : memref<!tpu.dma_semaphore, #tpu.memory_space<semaphore_mem>>) src(%dma_wait3A_68 : memref<16x128xi32, #tpu.memory_space<hbm>>) dst(%dma_wait3A_64 : memref<16x128xi32, #tpu.memory_space<vmem>>)
        %add3A_69 = arith.constant 1 : i32
        %add3A_70 = arith.addi %scan3A_17, %add3A_69 : i32
        %dma_wait3A_71 = arith.constant 0 : i32
        %dma_wait3A_72 = arith.constant 0 : i32
        %dma_wait3A_73 = tpu.memref_slice %arg8[%sub3A_19, %dma_wait3A_71, %dma_wait3A_72] : memref<2x16x128xi32, #tpu.memory_space<vmem>> -> memref<1x16x128xi32, #tpu.memory_space<vmem>>
        %dma_wait3A_74 = tpu.memref_squeeze %dma_wait3A_73 : memref<1x16x128xi32, #tpu.memory_space<vmem>> -> memref<16x128xi32, #tpu.memory_space<vmem>>
        %dma_wait3A_75 = arith.constant 0 : i32
        %dma_wait3A_76 = arith.constant 0 : i32
        %dma_wait3A_77 = tpu.memref_slice %arg4[%arg0, %arg1, %add3A_70, %dma_wait3A_75, %dma_wait3A_76] : memref<2x16x5x16x128xi32, #tpu.memory_space<hbm>> -> memref<1x1x1x16x128xi32, #tpu.memory_space<hbm>>
        %dma_wait3A_78 = tpu.memref_squeeze %dma_wait3A_77 : memref<1x1x1x16x128xi32, #tpu.memory_space<hbm>> -> memref<16x128xi32, #tpu.memory_space<hbm>>
        %dma_wait3A_79 = arith.constant 0 : i32
        %dma_wait3A_80 = arith.constant 0 : i32
        %dma_wait3A_81 = tpu.memref_slice %arg8[%sub3A_19, %dma_wait3A_79, %dma_wait3A_80] : memref<2x16x128xi32, #tpu.memory_space<vmem>> -> memref<1x16x128xi32, #tpu.memory_space<vmem>>
        %dma_wait3A_82 = tpu.memref_squeeze %dma_wait3A_81 : memref<1x16x128xi32, #tpu.memory_space<vmem>> -> memref<16x128xi32, #tpu.memory_space<vmem>>
        %dma_wait3A_83 = arith.constant 0 : i32
        %dma_wait3A_84 = arith.constant 0 : i32
        %dma_wait3A_85 = tpu.memref_slice %arg4[%arg0, %arg1, %add3A_70, %dma_wait3A_83, %dma_wait3A_84] : memref<2x16x5x16x128xi32, #tpu.memory_space<hbm>> -> memref<1x1x1x16x128xi32, #tpu.memory_space<hbm>>
        %dma_wait3A_86 = tpu.memref_squeeze %dma_wait3A_85 : memref<1x1x1x16x128xi32, #tpu.memory_space<hbm>> -> memref<16x128xi32, #tpu.memory_space<hbm>>
        tpu.wait_dma2 semaphore(%arg11 : memref<!tpu.dma_semaphore, #tpu.memory_space<semaphore_mem>>) src(%dma_wait3A_86 : memref<16x128xi32, #tpu.memory_space<hbm>>) dst(%dma_wait3A_82 : memref<16x128xi32, #tpu.memory_space<vmem>>)
      } else {
      }
    }
    %scan3A_15 = arith.constant 5 : i32
    %barrier3A_16 = arith.constant 0 : index
    tpu.barrier barrier_id(%barrier3A_16)
    "tpu.region"() ({
      %run_scoped3A_17 = tpu.sem_alloc : memref<!tpu.dma_semaphore, #tpu.memory_space<semaphore_mem>>
      %dma_start3A = arith.constant 0 : i32
      %dma_start3A_18 = tpu.memref_slice %arg5[%arg0, %mul3A_0, %dma_start3A] : memref<2x10240x128xf32, #tpu.memory_space<hbm>> -> memref<1x640x128xf32, #tpu.memory_space<hbm>>
      %dma_start3A_19 = tpu.memref_squeeze %dma_start3A_18 : memref<1x640x128xf32, #tpu.memory_space<hbm>> -> memref<640x128xf32, #tpu.memory_space<hbm>>
      %dma_start3A_20 = arith.constant 0 : i32
      %dma_start3A_21 = tpu.memref_slice %arg6[%mul3A_0, %dma_start3A_20] : memref<10240x128xf32, #tpu.memory_space<vmem_shared>> -> memref<640x128xf32, #tpu.memory_space<vmem_shared>>
      tpu.enqueue_dma source(%dma_start3A_21 : memref<640x128xf32, #tpu.memory_space<vmem_shared>>) target(%dma_start3A_19 : memref<640x128xf32, #tpu.memory_space<hbm>>) target_semaphore(%run_scoped3A_17 : memref<!tpu.dma_semaphore, #tpu.memory_space<semaphore_mem>>)
      %dma_wait3A = arith.constant 0 : i32
      %dma_wait3A_22 = tpu.memref_slice %arg5[%arg0, %mul3A_0, %dma_wait3A] : memref<2x10240x128xf32, #tpu.memory_space<hbm>> -> memref<1x640x128xf32, #tpu.memory_space<hbm>>
      %dma_wait3A_23 = tpu.memref_squeeze %dma_wait3A_22 : memref<1x640x128xf32, #tpu.memory_space<hbm>> -> memref<640x128xf32, #tpu.memory_space<hbm>>
      %dma_wait3A_24 = arith.constant 0 : i32
      %dma_wait3A_25 = tpu.memref_slice %arg6[%mul3A_0, %dma_wait3A_24] : memref<10240x128xf32, #tpu.memory_space<vmem_shared>> -> memref<640x128xf32, #tpu.memory_space<vmem_shared>>
      tpu.wait_dma2 semaphore(%run_scoped3A_17 : memref<!tpu.dma_semaphore, #tpu.memory_space<semaphore_mem>>) src(%dma_wait3A_25 : memref<640x128xf32, #tpu.memory_space<vmem_shared>>) dst(%dma_wait3A_23 : memref<640x128xf32, #tpu.memory_space<hbm>>)
      tpu.yield
    }) : () -> ()
    return
  }
}

#map = affine_map<(d0, d1) -> (0, 0)>
#map1 = affine_map<(d0, d1) -> (0, 0, 0, 0, 0)>
#map2 = affine_map<(d0, d1) -> (0, 0, 0)>
module attributes {stable_mosaic.version = 14 : i64} {
  func.func @_agg_kernel(%arg0: i32, %arg1: i32, %arg2: memref<10240x128xf32, #tpu.memory_space<hbm>>, %arg3: memref<2x16x5x16x128xi32, #tpu.memory_space<hbm>>, %arg4: memref<2x16x5x16x128xi32, #tpu.memory_space<hbm>>, %arg5: memref<2x10240x128xf32, #tpu.memory_space<hbm>>, %arg6: memref<10240x128xf32, #tpu.memory_space<vmem_shared>>, %arg7: memref<2x16x128xi32, #tpu.memory_space<vmem>>, %arg8: memref<2x16x128xi32, #tpu.memory_space<vmem>>, %arg9: memref<2x128x128xf32, #tpu.memory_space<vmem>>, %arg10: memref<2x!tpu.dma_semaphore, #tpu.memory_space<semaphore_mem>>, %arg11: memref<!tpu.dma_semaphore, #tpu.memory_space<semaphore_mem>>) attributes {dimension_semantics = [#tpu.dimension_semantics<core_parallel>, #tpu.dimension_semantics<subcore_parallel>], iteration_bounds = array<i64: 2, 16>, scalar_prefetch = 0 : i64, scratch_operands = 6 : i64, tpu.core_type = #tpu.core_type<sc_vector_subcore>, window_params = [{transform_indices = #map}, {transform_indices = #map1}, {transform_indices = #map1}, {transform_indices = #map2}]} {
    %mul3A = arith.constant 640 : i32
    %mul3A_0 = arith.muli %arg1, %mul3A : i32
    %eq3A = arith.constant 0 : i32
    %eq3A_1 = arith.cmpi eq, %arg0, %eq3A : i32
    %convert_element_type3A = arith.extui %eq3A_1 : i1 to i32
    %cond3A = arith.constant 0 : i32
    %cond3A_2 = arith.cmpi ne, %convert_element_type3A, %cond3A : i32
    scf.if %cond3A_2 {
      "tpu.region"() ({
        %run_scoped3A_17 = tpu.sem_alloc : memref<!tpu.dma_semaphore, #tpu.memory_space<semaphore_mem>>
        %dma_start3A = arith.constant 0 : i32
        %dma_start3A_18 = tpu.memref_slice %arg6[%mul3A_0, %dma_start3A] : memref<10240x128xf32, #tpu.memory_space<vmem_shared>> -> memref<640x128xf32, #tpu.memory_space<vmem_shared>>
        %dma_start3A_19 = arith.constant 0 : i32
        %dma_start3A_20 = tpu.memref_slice %arg2[%mul3A_0, %dma_start3A_19] : memref<10240x128xf32, #tpu.memory_space<hbm>> -> memref<640x128xf32, #tpu.memory_space<hbm>>
        tpu.enqueue_dma source(%dma_start3A_20 : memref<640x128xf32, #tpu.memory_space<hbm>>) target(%dma_start3A_18 : memref<640x128xf32, #tpu.memory_space<vmem_shared>>) target_semaphore(%run_scoped3A_17 : memref<!tpu.dma_semaphore, #tpu.memory_space<semaphore_mem>>)
        %dma_wait3A = arith.constant 0 : i32
        %dma_wait3A_21 = tpu.memref_slice %arg6[%mul3A_0, %dma_wait3A] : memref<10240x128xf32, #tpu.memory_space<vmem_shared>> -> memref<640x128xf32, #tpu.memory_space<vmem_shared>>
        %dma_wait3A_22 = arith.constant 0 : i32
        %dma_wait3A_23 = tpu.memref_slice %arg2[%mul3A_0, %dma_wait3A_22] : memref<10240x128xf32, #tpu.memory_space<hbm>> -> memref<640x128xf32, #tpu.memory_space<hbm>>
        tpu.wait_dma2 semaphore(%run_scoped3A_17 : memref<!tpu.dma_semaphore, #tpu.memory_space<semaphore_mem>>) src(%dma_wait3A_23 : memref<640x128xf32, #tpu.memory_space<hbm>>) dst(%dma_wait3A_21 : memref<640x128xf32, #tpu.memory_space<vmem_shared>>)
        tpu.yield
      }) : () -> ()
    } else {
    }
    %eq3A_3 = arith.constant 1 : i32
    %eq3A_4 = arith.cmpi eq, %arg0, %eq3A_3 : i32
    %convert_element_type3A_5 = arith.extui %eq3A_4 : i1 to i32
    %cond3A_6 = arith.constant 0 : i32
    %cond3A_7 = arith.cmpi ne, %convert_element_type3A_5, %cond3A_6 : i32
    scf.if %cond3A_7 {
      %scan3A_17 = arith.constant 0 : i32
      %scan3A_18 = arith.constant 0 : i32
      %scan3A_19 = arith.constant 128 : i32
      %scan3A_20 = arith.addi %scan3A_18, %scan3A_19 : i32
      %scan3A_21 = arith.constant 1 : i32
      scf.for %scan3A_29 = %scan3A_18 to %scan3A_20 step %scan3A_21  : i32 {
        %scan3A_30 = arith.constant 0 : i32
        %scan3A_31 = arith.constant 8 : i32
        %scan3A_32 = arith.addi %scan3A_30, %scan3A_31 : i32
        %scan3A_33 = arith.constant 1 : i32
        scf.for %scan3A_35 = %scan3A_30 to %scan3A_32 step %scan3A_33  : i32 {
          %broadcast_in_dim3A = arith.constant 0.000000e+00 : f32
          %broadcast_in_dim3A_36 = vector.broadcast %broadcast_in_dim3A : f32 to vector<16xf32>
          %mul3A_37 = arith.constant 16 : i32
          %mul3A_38 = arith.muli %scan3A_35, %mul3A_37 : i32
          %swap3A = arith.constant 0 : i32
          %swap3A_39 = arith.index_cast %swap3A : i32 to index
          %swap3A_40 = arith.index_cast %scan3A_29 : i32 to index
          %swap3A_41 = arith.index_cast %mul3A_38 : i32 to index
          %swap3A_42 = tpu.vector_load %arg9[%swap3A_39, %swap3A_40, %swap3A_41] {strides = array<i32>} : memref<2x128x128xf32, #tpu.memory_space<vmem>>, vector<1x1x16xf32>,
          %swap3A_43 = vector.shape_cast %swap3A_42 : vector<1x1x16xf32> to vector<16xf32>
          %swap3A_44 = vector.shape_cast %broadcast_in_dim3A_36 : vector<16xf32> to vector<1x1x16xf32>
          tpu.vector_store %arg9[%swap3A_39, %swap3A_40, %swap3A_41], %swap3A_44 {strides = array<i32>} : memref<2x128x128xf32, #tpu.memory_space<vmem>>, vector<1x1x16xf32>,
        }
        %scan3A_34 = arith.constant 8 : i32
      }
      %scan3A_22 = arith.constant 128 : i32
      %scan3A_23 = arith.constant 0 : i32
      %scan3A_24 = arith.constant 0 : i32
      %scan3A_25 = arith.constant 5 : i32
      %scan3A_26 = arith.addi %scan3A_24, %scan3A_25 : i32
      %scan3A_27 = arith.constant 1 : i32
      scf.for %scan3A_29 = %scan3A_24 to %scan3A_26 step %scan3A_27  : i32 {
        %mul3A_30 = arith.constant 128 : i32
        %mul3A_31 = arith.muli %scan3A_29, %mul3A_30 : i32
        %add3A = arith.addi %mul3A_0, %mul3A_31 : i32
        %run_scoped3A_32 = arith.constant 0 : i32
        "tpu.region"() ({
          %run_scoped3A_33 = tpu.sem_alloc : memref<!tpu.dma_semaphore, #tpu.memory_space<semaphore_mem>>
          %dma_start3A = arith.constant 0 : i32
          %dma_start3A_34 = arith.constant 0 : i32
          %dma_start3A_35 = tpu.memref_slice %arg9[%run_scoped3A_32, %dma_start3A, %dma_start3A_34] : memref<2x128x128xf32, #tpu.memory_space<vmem>> -> memref<1x128x128xf32, #tpu.memory_space<vmem>>
          %dma_start3A_36 = tpu.memref_squeeze %dma_start3A_35 : memref<1x128x128xf32, #tpu.memory_space<vmem>> -> memref<128x128xf32, #tpu.memory_space<vmem>>
          %dma_start3A_37 = arith.constant 0 : i32
          %dma_start3A_38 = tpu.memref_slice %arg6[%add3A, %dma_start3A_37] : memref<10240x128xf32, #tpu.memory_space<vmem_shared>> -> memref<128x128xf32, #tpu.memory_space<vmem_shared>>
          %dma_start3A_39 = arith.constant 0 : i32
          %dma_start3A_40 = tpu.memref_slice %arg6[%add3A, %dma_start3A_39] : memref<10240x128xf32, #tpu.memory_space<vmem_shared>> -> memref<128x128xf32, #tpu.memory_space<vmem_shared>>
          %dma_start3A_41 = arith.constant 0 : i32
          %dma_start3A_42 = arith.constant 0 : i32
          %dma_start3A_43 = tpu.memref_slice %arg9[%run_scoped3A_32, %dma_start3A_41, %dma_start3A_42] : memref<2x128x128xf32, #tpu.memory_space<vmem>> -> memref<1x128x128xf32, #tpu.memory_space<vmem>>
          %dma_start3A_44 = tpu.memref_squeeze %dma_start3A_43 : memref<1x128x128xf32, #tpu.memory_space<vmem>> -> memref<128x128xf32, #tpu.memory_space<vmem>>
          tpu.enqueue_dma source(%dma_start3A_44 : memref<128x128xf32, #tpu.memory_space<vmem>>) target(%dma_start3A_40 : memref<128x128xf32, #tpu.memory_space<vmem_shared>>) target_semaphore(%run_scoped3A_33 : memref<!tpu.dma_semaphore, #tpu.memory_space<semaphore_mem>>)
          %dma_wait3A = arith.constant 0 : i32
          %dma_wait3A_45 = arith.constant 0 : i32
          %dma_wait3A_46 = tpu.memref_slice %arg9[%run_scoped3A_32, %dma_wait3A, %dma_wait3A_45] : memref<2x128x128xf32, #tpu.memory_space<vmem>> -> memref<1x128x128xf32, #tpu.memory_space<vmem>>
          %dma_wait3A_47 = tpu.memref_squeeze %dma_wait3A_46 : memref<1x128x128xf32, #tpu.memory_space<vmem>> -> memref<128x128xf32, #tpu.memory_space<vmem>>
          %dma_wait3A_48 = arith.constant 0 : i32
          %dma_wait3A_49 = tpu.memref_slice %arg6[%add3A, %dma_wait3A_48] : memref<10240x128xf32, #tpu.memory_space<vmem_shared>> -> memref<128x128xf32, #tpu.memory_space<vmem_shared>>
          %dma_wait3A_50 = arith.constant 0 : i32
          %dma_wait3A_51 = tpu.memref_slice %arg6[%add3A, %dma_wait3A_50] : memref<10240x128xf32, #tpu.memory_space<vmem_shared>> -> memref<128x128xf32, #tpu.memory_space<vmem_shared>>
          %dma_wait3A_52 = arith.constant 0 : i32
          %dma_wait3A_53 = arith.constant 0 : i32
          %dma_wait3A_54 = tpu.memref_slice %arg9[%run_scoped3A_32, %dma_wait3A_52, %dma_wait3A_53] : memref<2x128x128xf32, #tpu.memory_space<vmem>> -> memref<1x128x128xf32, #tpu.memory_space<vmem>>
          %dma_wait3A_55 = tpu.memref_squeeze %dma_wait3A_54 : memref<1x128x128xf32, #tpu.memory_space<vmem>> -> memref<128x128xf32, #tpu.memory_space<vmem>>
          tpu.wait_dma2 semaphore(%run_scoped3A_33 : memref<!tpu.dma_semaphore, #tpu.memory_space<semaphore_mem>>) src(%dma_wait3A_55 : memref<128x128xf32, #tpu.memory_space<vmem>>) dst(%dma_wait3A_51 : memref<128x128xf32, #tpu.memory_space<vmem_shared>>)
          tpu.yield
        }) : () -> ()
      }
      %scan3A_28 = arith.constant 5 : i32
    } else {
    }
    %run_scoped3A = arith.constant 0 : i32
    %run_scoped3A_8 = arith.constant 0 : i32
    "tpu.region"() ({
      %run_scoped3A_17 = tpu.sem_alloc : memref<!tpu.dma_semaphore, #tpu.memory_space<semaphore_mem>>
      %dma_start3A = arith.constant 0 : i32
      %dma_start3A_18 = arith.constant 0 : i32
      %dma_start3A_19 = tpu.memref_slice %arg7[%run_scoped3A_8, %dma_start3A, %dma_start3A_18] : memref<2x16x128xi32, #tpu.memory_space<vmem>> -> memref<1x16x128xi32, #tpu.memory_space<vmem>>
      %dma_start3A_20 = tpu.memref_squeeze %dma_start3A_19 : memref<1x16x128xi32, #tpu.memory_space<vmem>> -> memref<16x128xi32, #tpu.memory_space<vmem>>
      %dma_start3A_21 = arith.constant 0 : i32
      %dma_start3A_22 = arith.constant 0 : i32
      %dma_start3A_23 = tpu.memref_slice %arg3[%arg0, %arg1, %run_scoped3A, %dma_start3A_21, %dma_start3A_22] : memref<2x16x5x16x128xi32, #tpu.memory_space<hbm>> -> memref<1x1x1x16x128xi32, #tpu.memory_space<hbm>>
      %dma_start3A_24 = tpu.memref_squeeze %dma_start3A_23 : memref<1x1x1x16x128xi32, #tpu.memory_space<hbm>> -> memref<16x128xi32, #tpu.memory_space<hbm>>
      %dma_start3A_25 = arith.constant 0 : i32
      %dma_start3A_26 = arith.constant 0 : i32
      %dma_start3A_27 = tpu.memref_slice %arg7[%run_scoped3A_8, %dma_start3A_25, %dma_start3A_26] : memref<2x16x128xi32, #tpu.memory_space<vmem>> -> memref<1x16x128xi32, #tpu.memory_space<vmem>>
      %dma_start3A_28 = tpu.memref_squeeze %dma_start3A_27 : memref<1x16x128xi32, #tpu.memory_space<vmem>> -> memref<16x128xi32, #tpu.memory_space<vmem>>
      %dma_start3A_29 = arith.constant 0 : i32
      %dma_start3A_30 = arith.constant 0 : i32
      %dma_start3A_31 = tpu.memref_slice %arg3[%arg0, %arg1, %run_scoped3A, %dma_start3A_29, %dma_start3A_30] : memref<2x16x5x16x128xi32, #tpu.memory_space<hbm>> -> memref<1x1x1x16x128xi32, #tpu.memory_space<hbm>>
      %dma_start3A_32 = tpu.memref_squeeze %dma_start3A_31 : memref<1x1x1x16x128xi32, #tpu.memory_space<hbm>> -> memref<16x128xi32, #tpu.memory_space<hbm>>
      tpu.enqueue_dma source(%dma_start3A_32 : memref<16x128xi32, #tpu.memory_space<hbm>>) target(%dma_start3A_28 : memref<16x128xi32, #tpu.memory_space<vmem>>) target_semaphore(%run_scoped3A_17 : memref<!tpu.dma_semaphore, #tpu.memory_space<semaphore_mem>>)
      %dma_wait3A = arith.constant 0 : i32
      %dma_wait3A_33 = arith.constant 0 : i32
      %dma_wait3A_34 = tpu.memref_slice %arg7[%run_scoped3A_8, %dma_wait3A, %dma_wait3A_33] : memref<2x16x128xi32, #tpu.memory_space<vmem>> -> memref<1x16x128xi32, #tpu.memory_space<vmem>>
      %dma_wait3A_35 = tpu.memref_squeeze %dma_wait3A_34 : memref<1x16x128xi32, #tpu.memory_space<vmem>> -> memref<16x128xi32, #tpu.memory_space<vmem>>
      %dma_wait3A_36 = arith.constant 0 : i32
      %dma_wait3A_37 = arith.constant 0 : i32
      %dma_wait3A_38 = tpu.memref_slice %arg3[%arg0, %arg1, %run_scoped3A, %dma_wait3A_36, %dma_wait3A_37] : memref<2x16x5x16x128xi32, #tpu.memory_space<hbm>> -> memref<1x1x1x16x128xi32, #tpu.memory_space<hbm>>
      %dma_wait3A_39 = tpu.memref_squeeze %dma_wait3A_38 : memref<1x1x1x16x128xi32, #tpu.memory_space<hbm>> -> memref<16x128xi32, #tpu.memory_space<hbm>>
      %dma_wait3A_40 = arith.constant 0 : i32
      %dma_wait3A_41 = arith.constant 0 : i32
      %dma_wait3A_42 = tpu.memref_slice %arg7[%run_scoped3A_8, %dma_wait3A_40, %dma_wait3A_41] : memref<2x16x128xi32, #tpu.memory_space<vmem>> -> memref<1x16x128xi32, #tpu.memory_space<vmem>>
      %dma_wait3A_43 = tpu.memref_squeeze %dma_wait3A_42 : memref<1x16x128xi32, #tpu.memory_space<vmem>> -> memref<16x128xi32, #tpu.memory_space<vmem>>
      %dma_wait3A_44 = arith.constant 0 : i32
      %dma_wait3A_45 = arith.constant 0 : i32
      %dma_wait3A_46 = tpu.memref_slice %arg3[%arg0, %arg1, %run_scoped3A, %dma_wait3A_44, %dma_wait3A_45] : memref<2x16x5x16x128xi32, #tpu.memory_space<hbm>> -> memref<1x1x1x16x128xi32, #tpu.memory_space<hbm>>
      %dma_wait3A_47 = tpu.memref_squeeze %dma_wait3A_46 : memref<1x1x1x16x128xi32, #tpu.memory_space<hbm>> -> memref<16x128xi32, #tpu.memory_space<hbm>>
      tpu.wait_dma2 semaphore(%run_scoped3A_17 : memref<!tpu.dma_semaphore, #tpu.memory_space<semaphore_mem>>) src(%dma_wait3A_47 : memref<16x128xi32, #tpu.memory_space<hbm>>) dst(%dma_wait3A_43 : memref<16x128xi32, #tpu.memory_space<vmem>>)
      tpu.yield
    }) : () -> ()
    %run_scoped3A_9 = arith.constant 0 : i32
    %run_scoped3A_10 = arith.constant 0 : i32
    "tpu.region"() ({
      %run_scoped3A_17 = tpu.sem_alloc : memref<!tpu.dma_semaphore, #tpu.memory_space<semaphore_mem>>
      %dma_start3A = arith.constant 0 : i32
      %dma_start3A_18 = arith.constant 0 : i32
      %dma_start3A_19 = tpu.memref_slice %arg8[%run_scoped3A_10, %dma_start3A, %dma_start3A_18] : memref<2x16x128xi32, #tpu.memory_space<vmem>> -> memref<1x16x128xi32, #tpu.memory_space<vmem>>
      %dma_start3A_20 = tpu.memref_squeeze %dma_start3A_19 : memref<1x16x128xi32, #tpu.memory_space<vmem>> -> memref<16x128xi32, #tpu.memory_space<vmem>>
      %dma_start3A_21 = arith.constant 0 : i32
      %dma_start3A_22 = arith.constant 0 : i32
      %dma_start3A_23 = tpu.memref_slice %arg4[%arg0, %arg1, %run_scoped3A_9, %dma_start3A_21, %dma_start3A_22] : memref<2x16x5x16x128xi32, #tpu.memory_space<hbm>> -> memref<1x1x1x16x128xi32, #tpu.memory_space<hbm>>
      %dma_start3A_24 = tpu.memref_squeeze %dma_start3A_23 : memref<1x1x1x16x128xi32, #tpu.memory_space<hbm>> -> memref<16x128xi32, #tpu.memory_space<hbm>>
      %dma_start3A_25 = arith.constant 0 : i32
      %dma_start3A_26 = arith.constant 0 : i32
      %dma_start3A_27 = tpu.memref_slice %arg8[%run_scoped3A_10, %dma_start3A_25, %dma_start3A_26] : memref<2x16x128xi32, #tpu.memory_space<vmem>> -> memref<1x16x128xi32, #tpu.memory_space<vmem>>
      %dma_start3A_28 = tpu.memref_squeeze %dma_start3A_27 : memref<1x16x128xi32, #tpu.memory_space<vmem>> -> memref<16x128xi32, #tpu.memory_space<vmem>>
      %dma_start3A_29 = arith.constant 0 : i32
      %dma_start3A_30 = arith.constant 0 : i32
      %dma_start3A_31 = tpu.memref_slice %arg4[%arg0, %arg1, %run_scoped3A_9, %dma_start3A_29, %dma_start3A_30] : memref<2x16x5x16x128xi32, #tpu.memory_space<hbm>> -> memref<1x1x1x16x128xi32, #tpu.memory_space<hbm>>
      %dma_start3A_32 = tpu.memref_squeeze %dma_start3A_31 : memref<1x1x1x16x128xi32, #tpu.memory_space<hbm>> -> memref<16x128xi32, #tpu.memory_space<hbm>>
      tpu.enqueue_dma source(%dma_start3A_32 : memref<16x128xi32, #tpu.memory_space<hbm>>) target(%dma_start3A_28 : memref<16x128xi32, #tpu.memory_space<vmem>>) target_semaphore(%run_scoped3A_17 : memref<!tpu.dma_semaphore, #tpu.memory_space<semaphore_mem>>)
      %dma_wait3A = arith.constant 0 : i32
      %dma_wait3A_33 = arith.constant 0 : i32
      %dma_wait3A_34 = tpu.memref_slice %arg8[%run_scoped3A_10, %dma_wait3A, %dma_wait3A_33] : memref<2x16x128xi32, #tpu.memory_space<vmem>> -> memref<1x16x128xi32, #tpu.memory_space<vmem>>
      %dma_wait3A_35 = tpu.memref_squeeze %dma_wait3A_34 : memref<1x16x128xi32, #tpu.memory_space<vmem>> -> memref<16x128xi32, #tpu.memory_space<vmem>>
      %dma_wait3A_36 = arith.constant 0 : i32
      %dma_wait3A_37 = arith.constant 0 : i32
      %dma_wait3A_38 = tpu.memref_slice %arg4[%arg0, %arg1, %run_scoped3A_9, %dma_wait3A_36, %dma_wait3A_37] : memref<2x16x5x16x128xi32, #tpu.memory_space<hbm>> -> memref<1x1x1x16x128xi32, #tpu.memory_space<hbm>>
      %dma_wait3A_39 = tpu.memref_squeeze %dma_wait3A_38 : memref<1x1x1x16x128xi32, #tpu.memory_space<hbm>> -> memref<16x128xi32, #tpu.memory_space<hbm>>
      %dma_wait3A_40 = arith.constant 0 : i32
      %dma_wait3A_41 = arith.constant 0 : i32
      %dma_wait3A_42 = tpu.memref_slice %arg8[%run_scoped3A_10, %dma_wait3A_40, %dma_wait3A_41] : memref<2x16x128xi32, #tpu.memory_space<vmem>> -> memref<1x16x128xi32, #tpu.memory_space<vmem>>
      %dma_wait3A_43 = tpu.memref_squeeze %dma_wait3A_42 : memref<1x16x128xi32, #tpu.memory_space<vmem>> -> memref<16x128xi32, #tpu.memory_space<vmem>>
      %dma_wait3A_44 = arith.constant 0 : i32
      %dma_wait3A_45 = arith.constant 0 : i32
      %dma_wait3A_46 = tpu.memref_slice %arg4[%arg0, %arg1, %run_scoped3A_9, %dma_wait3A_44, %dma_wait3A_45] : memref<2x16x5x16x128xi32, #tpu.memory_space<hbm>> -> memref<1x1x1x16x128xi32, #tpu.memory_space<hbm>>
      %dma_wait3A_47 = tpu.memref_squeeze %dma_wait3A_46 : memref<1x1x1x16x128xi32, #tpu.memory_space<hbm>> -> memref<16x128xi32, #tpu.memory_space<hbm>>
      tpu.wait_dma2 semaphore(%run_scoped3A_17 : memref<!tpu.dma_semaphore, #tpu.memory_space<semaphore_mem>>) src(%dma_wait3A_47 : memref<16x128xi32, #tpu.memory_space<hbm>>) dst(%dma_wait3A_43 : memref<16x128xi32, #tpu.memory_space<vmem>>)
      tpu.yield
    }) : () -> ()
    %barrier3A = arith.constant 0 : index
    tpu.barrier barrier_id(%barrier3A)
    %scan3A = arith.constant 0 : i32
    %scan3A_11 = arith.constant 0 : i32
    %scan3A_12 = arith.constant 5 : i32
    %scan3A_13 = arith.addi %scan3A_11, %scan3A_12 : i32
    %scan3A_14 = arith.constant 1 : i32
    scf.for %scan3A_17 = %scan3A_11 to %scan3A_13 step %scan3A_14  : i32 {
      %rem3A = arith.constant 2 : i32
      %rem3A_18 = arith.remsi %scan3A_17, %rem3A : i32
      %sub3A = arith.constant 1 : i32
      %sub3A_19 = arith.subi %sub3A, %rem3A_18 : i32
      %add3A = arith.constant 1 : i32
      %add3A_20 = arith.addi %scan3A_17, %add3A : i32
      %lt3A = arith.constant 5 : i32
      %lt3A_21 = arith.cmpi slt, %add3A_20, %lt3A : i32
      %convert_element_type3A_22 = arith.extui %lt3A_21 : i1 to i32
      %cond3A_23 = arith.constant 0 : i32
      %cond3A_24 = arith.cmpi ne, %convert_element_type3A_22, %cond3A_23 : i32
      scf.if %cond3A_24 {
        %add3A_52 = arith.constant 1 : i32
        %add3A_53 = arith.addi %scan3A_17, %add3A_52 : i32
        %dma_start3A_54 = arith.constant 0 : i32
        %dma_start3A_55 = arith.constant 0 : i32
        %dma_start3A_56 = tpu.memref_slice %arg7[%sub3A_19, %dma_start3A_54, %dma_start3A_55] : memref<2x16x128xi32, #tpu.memory_space<vmem>> -> memref<1x16x128xi32, #tpu.memory_space<vmem>>
        %dma_start3A_57 = tpu.memref_squeeze %dma_start3A_56 : memref<1x16x128xi32, #tpu.memory_space<vmem>> -> memref<16x128xi32, #tpu.memory_space<vmem>>
        %dma_start3A_58 = arith.constant 0 : i32
        %dma_start3A_59 = arith.constant 0 : i32
        %dma_start3A_60 = tpu.memref_slice %arg3[%arg0, %arg1, %add3A_53, %dma_start3A_58, %dma_start3A_59] : memref<2x16x5x16x128xi32, #tpu.memory_space<hbm>> -> memref<1x1x1x16x128xi32, #tpu.memory_space<hbm>>
        %dma_start3A_61 = tpu.memref_squeeze %dma_start3A_60 : memref<1x1x1x16x128xi32, #tpu.memory_space<hbm>> -> memref<16x128xi32, #tpu.memory_space<hbm>>
        %dma_start3A_62 = arith.constant 0 : i32
        %dma_start3A_63 = arith.constant 0 : i32
        %dma_start3A_64 = tpu.memref_slice %arg7[%sub3A_19, %dma_start3A_62, %dma_start3A_63] : memref<2x16x128xi32, #tpu.memory_space<vmem>> -> memref<1x16x128xi32, #tpu.memory_space<vmem>>
        %dma_start3A_65 = tpu.memref_squeeze %dma_start3A_64 : memref<1x16x128xi32, #tpu.memory_space<vmem>> -> memref<16x128xi32, #tpu.memory_space<vmem>>
        %dma_start3A_66 = arith.constant 0 : i32
        %dma_start3A_67 = arith.constant 0 : i32
        %dma_start3A_68 = tpu.memref_slice %arg3[%arg0, %arg1, %add3A_53, %dma_start3A_66, %dma_start3A_67] : memref<2x16x5x16x128xi32, #tpu.memory_space<hbm>> -> memref<1x1x1x16x128xi32, #tpu.memory_space<hbm>>
        %dma_start3A_69 = tpu.memref_squeeze %dma_start3A_68 : memref<1x1x1x16x128xi32, #tpu.memory_space<hbm>> -> memref<16x128xi32, #tpu.memory_space<hbm>>
        tpu.enqueue_dma source(%dma_start3A_69 : memref<16x128xi32, #tpu.memory_space<hbm>>) target(%dma_start3A_65 : memref<16x128xi32, #tpu.memory_space<vmem>>) target_semaphore(%arg11 : memref<!tpu.dma_semaphore, #tpu.memory_space<semaphore_mem>>)
        %add3A_70 = arith.constant 1 : i32
        %add3A_71 = arith.addi %scan3A_17, %add3A_70 : i32
        %dma_start3A_72 = arith.constant 0 : i32
        %dma_start3A_73 = arith.constant 0 : i32
        %dma_start3A_74 = tpu.memref_slice %arg8[%sub3A_19, %dma_start3A_72, %dma_start3A_73] : memref<2x16x128xi32, #tpu.memory_space<vmem>> -> memref<1x16x128xi32, #tpu.memory_space<vmem>>
        %dma_start3A_75 = tpu.memref_squeeze %dma_start3A_74 : memref<1x16x128xi32, #tpu.memory_space<vmem>> -> memref<16x128xi32, #tpu.memory_space<vmem>>
        %dma_start3A_76 = arith.constant 0 : i32
        %dma_start3A_77 = arith.constant 0 : i32
        %dma_start3A_78 = tpu.memref_slice %arg4[%arg0, %arg1, %add3A_71, %dma_start3A_76, %dma_start3A_77] : memref<2x16x5x16x128xi32, #tpu.memory_space<hbm>> -> memref<1x1x1x16x128xi32, #tpu.memory_space<hbm>>
        %dma_start3A_79 = tpu.memref_squeeze %dma_start3A_78 : memref<1x1x1x16x128xi32, #tpu.memory_space<hbm>> -> memref<16x128xi32, #tpu.memory_space<hbm>>
        %dma_start3A_80 = arith.constant 0 : i32
        %dma_start3A_81 = arith.constant 0 : i32
        %dma_start3A_82 = tpu.memref_slice %arg8[%sub3A_19, %dma_start3A_80, %dma_start3A_81] : memref<2x16x128xi32, #tpu.memory_space<vmem>> -> memref<1x16x128xi32, #tpu.memory_space<vmem>>
        %dma_start3A_83 = tpu.memref_squeeze %dma_start3A_82 : memref<1x16x128xi32, #tpu.memory_space<vmem>> -> memref<16x128xi32, #tpu.memory_space<vmem>>
        %dma_start3A_84 = arith.constant 0 : i32
        %dma_start3A_85 = arith.constant 0 : i32
        %dma_start3A_86 = tpu.memref_slice %arg4[%arg0, %arg1, %add3A_71, %dma_start3A_84, %dma_start3A_85] : memref<2x16x5x16x128xi32, #tpu.memory_space<hbm>> -> memref<1x1x1x16x128xi32, #tpu.memory_space<hbm>>
        %dma_start3A_87 = tpu.memref_squeeze %dma_start3A_86 : memref<1x1x1x16x128xi32, #tpu.memory_space<hbm>> -> memref<16x128xi32, #tpu.memory_space<hbm>>
        tpu.enqueue_dma source(%dma_start3A_87 : memref<16x128xi32, #tpu.memory_space<hbm>>) target(%dma_start3A_83 : memref<16x128xi32, #tpu.memory_space<vmem>>) target_semaphore(%arg11 : memref<!tpu.dma_semaphore, #tpu.memory_space<semaphore_mem>>)
      } else {
      }
      %dma_start3A = arith.constant 0 : i32
      %dma_start3A_25 = arith.constant 0 : i32
      %dma_start3A_26 = arith.constant 0 : i32
      %dma_start3A_27 = arith.constant 0 : i32
      %dma_start3A_28 = arith.constant 0 : i32
      %dma_start3A_29 = tpu.memref_slice %arg9[%dma_start3A_25, %dma_start3A_27, %dma_start3A_28] : memref<2x128x128xf32, #tpu.memory_space<vmem>> -> memref<1x128x128xf32, #tpu.memory_space<vmem>>
      %dma_start3A_30 = tpu.memref_squeeze %dma_start3A_29 : memref<1x128x128xf32, #tpu.memory_space<vmem>> -> memref<128x128xf32, #tpu.memory_space<vmem>>
      %dma_start3A_31 = arith.constant 0 : i32
      %dma_start3A_32 = tpu.memref_slice %arg7[%rem3A_18, %dma_start3A, %dma_start3A_31] : memref<2x16x128xi32, #tpu.memory_space<vmem>> -> memref<1x1x128xi32, #tpu.memory_space<vmem>>
      %dma_start3A_33 = tpu.memref_squeeze %dma_start3A_32 : memref<1x1x128xi32, #tpu.memory_space<vmem>> -> memref<128xi32, #tpu.memory_space<vmem>>
      %dma_start3A_34 = arith.constant 0 : i32
      %dma_start3A_35 = arith.constant 0 : i32
      %dma_start3A_36 = tpu.memref_slice %arg2[%dma_start3A_34, %dma_start3A_35] : memref<10240x128xf32, #tpu.memory_space<hbm>> -> memref<10240x128xf32, #tpu.memory_space<hbm>>
      %dma_start3A_37 = tpu.memref_slice %arg10[%dma_start3A_26] : memref<2x!tpu.dma_semaphore, #tpu.memory_space<semaphore_mem>> -> memref<1x!tpu.dma_semaphore, #tpu.memory_space<semaphore_mem>>
      %dma_start3A_38 = tpu.memref_squeeze %dma_start3A_37 : memref<1x!tpu.dma_semaphore, #tpu.memory_space<semaphore_mem>> -> memref<!tpu.dma_semaphore, #tpu.memory_space<semaphore_mem>>
      tpu.enqueue_indirect_dma source(%dma_start3A_36 : memref<10240x128xf32, #tpu.memory_space<hbm>>) target(%dma_start3A_30 : memref<128x128xf32, #tpu.memory_space<vmem>>) offsets(%dma_start3A_33 : memref<128xi32, #tpu.memory_space<vmem>>) semaphore(%dma_start3A_38 : memref<!tpu.dma_semaphore, #tpu.memory_space<semaphore_mem>>)
      %scan3A_39 = arith.constant 0 : i32
      %scan3A_40 = arith.constant 0 : i32
      %scan3A_41 = arith.constant 16 : i32
      %scan3A_42 = arith.addi %scan3A_40, %scan3A_41 : i32
      %scan3A_43 = arith.constant 1 : i32
      scf.for %scan3A_52 = %scan3A_40 to %scan3A_42 step %scan3A_43  : i32 {
        %rem3A_53 = arith.constant 2 : i32
        %rem3A_54 = arith.remsi %scan3A_52, %rem3A_53 : i32
        %sub3A_55 = arith.constant 1 : i32
        %sub3A_56 = arith.subi %sub3A_55, %rem3A_54 : i32
        %dma_wait3A = arith.constant 0 : i32
        %dma_wait3A_57 = arith.constant 0 : i32
        %dma_wait3A_58 = tpu.memref_slice %arg9[%rem3A_54, %dma_wait3A, %dma_wait3A_57] : memref<2x128x128xf32, #tpu.memory_space<vmem>> -> memref<1x128x128xf32, #tpu.memory_space<vmem>>
        %dma_wait3A_59 = tpu.memref_squeeze %dma_wait3A_58 : memref<1x128x128xf32, #tpu.memory_space<vmem>> -> memref<128x128xf32, #tpu.memory_space<vmem>>
        %dma_wait3A_60 = arith.constant 0 : i32
        %dma_wait3A_61 = tpu.memref_slice %arg7[%rem3A_18, %scan3A_52, %dma_wait3A_60] : memref<2x16x128xi32, #tpu.memory_space<vmem>> -> memref<1x1x128xi32, #tpu.memory_space<vmem>>
        %dma_wait3A_62 = tpu.memref_squeeze %dma_wait3A_61 : memref<1x1x128xi32, #tpu.memory_space<vmem>> -> memref<128xi32, #tpu.memory_space<vmem>>
        %dma_wait3A_63 = arith.constant 0 : i32
        %dma_wait3A_64 = arith.constant 0 : i32
        %dma_wait3A_65 = tpu.memref_slice %arg2[%dma_wait3A_63, %dma_wait3A_64] : memref<10240x128xf32, #tpu.memory_space<hbm>> -> memref<10240x128xf32, #tpu.memory_space<hbm>>
        %dma_wait3A_66 = tpu.memref_slice %arg10[%rem3A_54] : memref<2x!tpu.dma_semaphore, #tpu.memory_space<semaphore_mem>> -> memref<1x!tpu.dma_semaphore, #tpu.memory_space<semaphore_mem>>
        %dma_wait3A_67 = tpu.memref_squeeze %dma_wait3A_66 : memref<1x!tpu.dma_semaphore, #tpu.memory_space<semaphore_mem>> -> memref<!tpu.dma_semaphore, #tpu.memory_space<semaphore_mem>>
        tpu.wait_indirect_dma semaphore(%dma_wait3A_67 : memref<!tpu.dma_semaphore, #tpu.memory_space<semaphore_mem>>) src(%dma_wait3A_65 : memref<10240x128xf32, #tpu.memory_space<hbm>>) dst(%dma_wait3A_59 : memref<128x128xf32, #tpu.memory_space<vmem>>)
        %add3A_68 = arith.constant 1 : i32
        %add3A_69 = arith.addi %scan3A_52, %add3A_68 : i32
        %lt3A_70 = arith.constant 16 : i32
        %lt3A_71 = arith.cmpi slt, %add3A_69, %lt3A_70 : i32
        %convert_element_type3A_72 = arith.extui %lt3A_71 : i1 to i32
        %cond3A_73 = arith.constant 0 : i32
        %cond3A_74 = arith.cmpi ne, %convert_element_type3A_72, %cond3A_73 : i32
        scf.if %cond3A_74 {
          %add3A_75 = arith.constant 1 : i32
          %add3A_76 = arith.addi %scan3A_52, %add3A_75 : i32
          %dma_start3A_77 = arith.constant 0 : i32
          %dma_start3A_78 = arith.constant 0 : i32
          %dma_start3A_79 = tpu.memref_slice %arg9[%sub3A_56, %dma_start3A_77, %dma_start3A_78] : memref<2x128x128xf32, #tpu.memory_space<vmem>> -> memref<1x128x128xf32, #tpu.memory_space<vmem>>
          %dma_start3A_80 = tpu.memref_squeeze %dma_start3A_79 : memref<1x128x128xf32, #tpu.memory_space<vmem>> -> memref<128x128xf32, #tpu.memory_space<vmem>>
          %dma_start3A_81 = arith.constant 0 : i32
          %dma_start3A_82 = tpu.memref_slice %arg7[%rem3A_18, %add3A_76, %dma_start3A_81] : memref<2x16x128xi32, #tpu.memory_space<vmem>> -> memref<1x1x128xi32, #tpu.memory_space<vmem>>
          %dma_start3A_83 = tpu.memref_squeeze %dma_start3A_82 : memref<1x1x128xi32, #tpu.memory_space<vmem>> -> memref<128xi32, #tpu.memory_space<vmem>>
          %dma_start3A_84 = arith.constant 0 : i32
          %dma_start3A_85 = arith.constant 0 : i32
          %dma_start3A_86 = tpu.memref_slice %arg2[%dma_start3A_84, %dma_start3A_85] : memref<10240x128xf32, #tpu.memory_space<hbm>> -> memref<10240x128xf32, #tpu.memory_space<hbm>>
          %dma_start3A_87 = tpu.memref_slice %arg10[%sub3A_56] : memref<2x!tpu.dma_semaphore, #tpu.memory_space<semaphore_mem>> -> memref<1x!tpu.dma_semaphore, #tpu.memory_space<semaphore_mem>>
          %dma_start3A_88 = tpu.memref_squeeze %dma_start3A_87 : memref<1x!tpu.dma_semaphore, #tpu.memory_space<semaphore_mem>> -> memref<!tpu.dma_semaphore, #tpu.memory_space<semaphore_mem>>
          tpu.enqueue_indirect_dma source(%dma_start3A_86 : memref<10240x128xf32, #tpu.memory_space<hbm>>) target(%dma_start3A_80 : memref<128x128xf32, #tpu.memory_space<vmem>>) offsets(%dma_start3A_83 : memref<128xi32, #tpu.memory_space<vmem>>) semaphore(%dma_start3A_88 : memref<!tpu.dma_semaphore, #tpu.memory_space<semaphore_mem>>)
        } else {
        }
        "tpu.region"() ({
          %run_scoped3A_75 = tpu.sem_alloc : memref<!tpu.dma_semaphore, #tpu.memory_space<semaphore_mem>>
          %dma_start3A_76 = arith.constant 0 : i32
          %dma_start3A_77 = arith.constant 0 : i32
          %dma_start3A_78 = tpu.memref_slice %arg9[%rem3A_54, %dma_start3A_76, %dma_start3A_77] : memref<2x128x128xf32, #tpu.memory_space<vmem>> -> memref<1x128x128xf32, #tpu.memory_space<vmem>>
          %dma_start3A_79 = tpu.memref_squeeze %dma_start3A_78 : memref<1x128x128xf32, #tpu.memory_space<vmem>> -> memref<128x128xf32, #tpu.memory_space<vmem>>
          %dma_start3A_80 = arith.constant 0 : i32
          %dma_start3A_81 = tpu.memref_slice %arg8[%rem3A_18, %scan3A_52, %dma_start3A_80] : memref<2x16x128xi32, #tpu.memory_space<vmem>> -> memref<1x1x128xi32, #tpu.memory_space<vmem>>
          %dma_start3A_82 = tpu.memref_squeeze %dma_start3A_81 : memref<1x1x128xi32, #tpu.memory_space<vmem>> -> memref<128xi32, #tpu.memory_space<vmem>>
          %dma_start3A_83 = arith.constant 0 : i32
          %dma_start3A_84 = arith.constant 0 : i32
          %dma_start3A_85 = tpu.memref_slice %arg6[%dma_start3A_83, %dma_start3A_84] : memref<10240x128xf32, #tpu.memory_space<vmem_shared>> -> memref<10240x128xf32, #tpu.memory_space<vmem_shared>>
          tpu.enqueue_indirect_dma source(%dma_start3A_79 : memref<128x128xf32, #tpu.memory_space<vmem>>) target(%dma_start3A_85 : memref<10240x128xf32, #tpu.memory_space<vmem_shared>>) offsets(%dma_start3A_82 : memref<128xi32, #tpu.memory_space<vmem>>) semaphore(%run_scoped3A_75 : memref<!tpu.dma_semaphore, #tpu.memory_space<semaphore_mem>>) {add = true}
          %dma_wait3A_86 = arith.constant 0 : i32
          %dma_wait3A_87 = arith.constant 0 : i32
          %dma_wait3A_88 = tpu.memref_slice %arg9[%rem3A_54, %dma_wait3A_86, %dma_wait3A_87] : memref<2x128x128xf32, #tpu.memory_space<vmem>> -> memref<1x128x128xf32, #tpu.memory_space<vmem>>
          %dma_wait3A_89 = tpu.memref_squeeze %dma_wait3A_88 : memref<1x128x128xf32, #tpu.memory_space<vmem>> -> memref<128x128xf32, #tpu.memory_space<vmem>>
          %dma_wait3A_90 = arith.constant 0 : i32
          %dma_wait3A_91 = tpu.memref_slice %arg8[%rem3A_18, %scan3A_52, %dma_wait3A_90] : memref<2x16x128xi32, #tpu.memory_space<vmem>> -> memref<1x1x128xi32, #tpu.memory_space<vmem>>
          %dma_wait3A_92 = tpu.memref_squeeze %dma_wait3A_91 : memref<1x1x128xi32, #tpu.memory_space<vmem>> -> memref<128xi32, #tpu.memory_space<vmem>>
          %dma_wait3A_93 = arith.constant 0 : i32
          %dma_wait3A_94 = arith.constant 0 : i32
          %dma_wait3A_95 = tpu.memref_slice %arg6[%dma_wait3A_93, %dma_wait3A_94] : memref<10240x128xf32, #tpu.memory_space<vmem_shared>> -> memref<10240x128xf32, #tpu.memory_space<vmem_shared>>
          tpu.wait_indirect_dma semaphore(%run_scoped3A_75 : memref<!tpu.dma_semaphore, #tpu.memory_space<semaphore_mem>>) src(%dma_wait3A_89 : memref<128x128xf32, #tpu.memory_space<vmem>>) dst(%dma_wait3A_95 : memref<10240x128xf32, #tpu.memory_space<vmem_shared>>)
          tpu.yield
        }) : () -> ()
      }
      %scan3A_44 = arith.constant 16 : i32
      %add3A_45 = arith.constant 1 : i32
      %add3A_46 = arith.addi %scan3A_17, %add3A_45 : i32
      %lt3A_47 = arith.constant 5 : i32
      %lt3A_48 = arith.cmpi slt, %add3A_46, %lt3A_47 : i32
      %convert_element_type3A_49 = arith.extui %lt3A_48 : i1 to i32
      %cond3A_50 = arith.constant 0 : i32
      %cond3A_51 = arith.cmpi ne, %convert_element_type3A_49, %cond3A_50 : i32
      scf.if %cond3A_51 {
        %add3A_52 = arith.constant 1 : i32
        %add3A_53 = arith.addi %scan3A_17, %add3A_52 : i32
        %dma_wait3A = arith.constant 0 : i32
        %dma_wait3A_54 = arith.constant 0 : i32
        %dma_wait3A_55 = tpu.memref_slice %arg7[%sub3A_19, %dma_wait3A, %dma_wait3A_54] : memref<2x16x128xi32, #tpu.memory_space<vmem>> -> memref<1x16x128xi32, #tpu.memory_space<vmem>>
        %dma_wait3A_56 = tpu.memref_squeeze %dma_wait3A_55 : memref<1x16x128xi32, #tpu.memory_space<vmem>> -> memref<16x128xi32, #tpu.memory_space<vmem>>
        %dma_wait3A_57 = arith.constant 0 : i32
        %dma_wait3A_58 = arith.constant 0 : i32
        %dma_wait3A_59 = tpu.memref_slice %arg3[%arg0, %arg1, %add3A_53, %dma_wait3A_57, %dma_wait3A_58] : memref<2x16x5x16x128xi32, #tpu.memory_space<hbm>> -> memref<1x1x1x16x128xi32, #tpu.memory_space<hbm>>
        %dma_wait3A_60 = tpu.memref_squeeze %dma_wait3A_59 : memref<1x1x1x16x128xi32, #tpu.memory_space<hbm>> -> memref<16x128xi32, #tpu.memory_space<hbm>>
        %dma_wait3A_61 = arith.constant 0 : i32
        %dma_wait3A_62 = arith.constant 0 : i32
        %dma_wait3A_63 = tpu.memref_slice %arg7[%sub3A_19, %dma_wait3A_61, %dma_wait3A_62] : memref<2x16x128xi32, #tpu.memory_space<vmem>> -> memref<1x16x128xi32, #tpu.memory_space<vmem>>
        %dma_wait3A_64 = tpu.memref_squeeze %dma_wait3A_63 : memref<1x16x128xi32, #tpu.memory_space<vmem>> -> memref<16x128xi32, #tpu.memory_space<vmem>>
        %dma_wait3A_65 = arith.constant 0 : i32
        %dma_wait3A_66 = arith.constant 0 : i32
        %dma_wait3A_67 = tpu.memref_slice %arg3[%arg0, %arg1, %add3A_53, %dma_wait3A_65, %dma_wait3A_66] : memref<2x16x5x16x128xi32, #tpu.memory_space<hbm>> -> memref<1x1x1x16x128xi32, #tpu.memory_space<hbm>>
        %dma_wait3A_68 = tpu.memref_squeeze %dma_wait3A_67 : memref<1x1x1x16x128xi32, #tpu.memory_space<hbm>> -> memref<16x128xi32, #tpu.memory_space<hbm>>
        tpu.wait_dma2 semaphore(%arg11 : memref<!tpu.dma_semaphore, #tpu.memory_space<semaphore_mem>>) src(%dma_wait3A_68 : memref<16x128xi32, #tpu.memory_space<hbm>>) dst(%dma_wait3A_64 : memref<16x128xi32, #tpu.memory_space<vmem>>)
        %add3A_69 = arith.constant 1 : i32
        %add3A_70 = arith.addi %scan3A_17, %add3A_69 : i32
        %dma_wait3A_71 = arith.constant 0 : i32
        %dma_wait3A_72 = arith.constant 0 : i32
        %dma_wait3A_73 = tpu.memref_slice %arg8[%sub3A_19, %dma_wait3A_71, %dma_wait3A_72] : memref<2x16x128xi32, #tpu.memory_space<vmem>> -> memref<1x16x128xi32, #tpu.memory_space<vmem>>
        %dma_wait3A_74 = tpu.memref_squeeze %dma_wait3A_73 : memref<1x16x128xi32, #tpu.memory_space<vmem>> -> memref<16x128xi32, #tpu.memory_space<vmem>>
        %dma_wait3A_75 = arith.constant 0 : i32
        %dma_wait3A_76 = arith.constant 0 : i32
        %dma_wait3A_77 = tpu.memref_slice %arg4[%arg0, %arg1, %add3A_70, %dma_wait3A_75, %dma_wait3A_76] : memref<2x16x5x16x128xi32, #tpu.memory_space<hbm>> -> memref<1x1x1x16x128xi32, #tpu.memory_space<hbm>>
        %dma_wait3A_78 = tpu.memref_squeeze %dma_wait3A_77 : memref<1x1x1x16x128xi32, #tpu.memory_space<hbm>> -> memref<16x128xi32, #tpu.memory_space<hbm>>
        %dma_wait3A_79 = arith.constant 0 : i32
        %dma_wait3A_80 = arith.constant 0 : i32
        %dma_wait3A_81 = tpu.memref_slice %arg8[%sub3A_19, %dma_wait3A_79, %dma_wait3A_80] : memref<2x16x128xi32, #tpu.memory_space<vmem>> -> memref<1x16x128xi32, #tpu.memory_space<vmem>>
        %dma_wait3A_82 = tpu.memref_squeeze %dma_wait3A_81 : memref<1x16x128xi32, #tpu.memory_space<vmem>> -> memref<16x128xi32, #tpu.memory_space<vmem>>
        %dma_wait3A_83 = arith.constant 0 : i32
        %dma_wait3A_84 = arith.constant 0 : i32
        %dma_wait3A_85 = tpu.memref_slice %arg4[%arg0, %arg1, %add3A_70, %dma_wait3A_83, %dma_wait3A_84] : memref<2x16x5x16x128xi32, #tpu.memory_space<hbm>> -> memref<1x1x1x16x128xi32, #tpu.memory_space<hbm>>
        %dma_wait3A_86 = tpu.memref_squeeze %dma_wait3A_85 : memref<1x1x1x16x128xi32, #tpu.memory_space<hbm>> -> memref<16x128xi32, #tpu.memory_space<hbm>>
        tpu.wait_dma2 semaphore(%arg11 : memref<!tpu.dma_semaphore, #tpu.memory_space<semaphore_mem>>) src(%dma_wait3A_86 : memref<16x128xi32, #tpu.memory_space<hbm>>) dst(%dma_wait3A_82 : memref<16x128xi32, #tpu.memory_space<vmem>>)
      } else {
      }
    }
    %scan3A_15 = arith.constant 5 : i32
    %barrier3A_16 = arith.constant 0 : index
    tpu.barrier barrier_id(%barrier3A_16)
    "tpu.region"() ({
      %run_scoped3A_17 = tpu.sem_alloc : memref<!tpu.dma_semaphore, #tpu.memory_space<semaphore_mem>>
      %dma_start3A = arith.constant 0 : i32
      %dma_start3A_18 = tpu.memref_slice %arg5[%arg0, %mul3A_0, %dma_start3A] : memref<2x10240x128xf32, #tpu.memory_space<hbm>> -> memref<1x640x128xf32, #tpu.memory_space<hbm>>
      %dma_start3A_19 = tpu.memref_squeeze %dma_start3A_18 : memref<1x640x128xf32, #tpu.memory_space<hbm>> -> memref<640x128xf32, #tpu.memory_space<hbm>>
      %dma_start3A_20 = arith.constant 0 : i32
      %dma_start3A_21 = tpu.memref_slice %arg6[%mul3A_0, %dma_start3A_20] : memref<10240x128xf32, #tpu.memory_space<vmem_shared>> -> memref<640x128xf32, #tpu.memory_space<vmem_shared>>
      tpu.enqueue_dma source(%dma_start3A_21 : memref<640x128xf32, #tpu.memory_space<vmem_shared>>) target(%dma_start3A_19 : memref<640x128xf32, #tpu.memory_space<hbm>>) target_semaphore(%run_scoped3A_17 : memref<!tpu.dma_semaphore, #tpu.memory_space<semaphore_mem>>)
      %dma_wait3A = arith.constant 0 : i32
      %dma_wait3A_22 = tpu.memref_slice %arg5[%arg0, %mul3A_0, %dma_wait3A] : memref<2x10240x128xf32, #tpu.memory_space<hbm>> -> memref<1x640x128xf32, #tpu.memory_space<hbm>>
      %dma_wait3A_23 = tpu.memref_squeeze %dma_wait3A_22 : memref<1x640x128xf32, #tpu.memory_space<hbm>> -> memref<640x128xf32, #tpu.memory_space<hbm>>
      %dma_wait3A_24 = arith.constant 0 : i32
      %dma_wait3A_25 = tpu.memref_slice %arg6[%mul3A_0, %dma_wait3A_24] : memref<10240x128xf32, #tpu.memory_space<vmem_shared>> -> memref<640x128xf32, #tpu.memory_space<vmem_shared>>
      tpu.wait_dma2 semaphore(%run_scoped3A_17 : memref<!tpu.dma_semaphore, #tpu.memory_space<semaphore_mem>>) src(%dma_wait3A_25 : memref<640x128xf32, #tpu.memory_space<vmem_shared>>) dst(%dma_wait3A_23 : memref<640x128xf32, #tpu.memory_space<hbm>>)
      tpu.yield
    }) : () -> ()
    return
  }
}

#map = affine_map<(d0, d1) -> (0, 0, 0, 0)>
#map1 = affine_map<(d0, d1) -> (0, 0)>
module attributes {stable_mosaic.version = 14 : i64} {
  func.func @_deg_kernel(%arg0: i32, %arg1: i32, %arg2: memref<2x16x80x128xi32, #tpu.memory_space<hbm>>, %arg3: memref<2x10240xf32, #tpu.memory_space<hbm>>, %arg4: memref<10240xf32, #tpu.memory_space<vmem_shared>>, %arg5: memref<80x128xi32, #tpu.memory_space<vmem>>, %arg6: memref<640xf32, #tpu.memory_space<vmem>>, %arg7: memref<128xf32, #tpu.memory_space<vmem>>) attributes {dimension_semantics = [#tpu.dimension_semantics<core_parallel>, #tpu.dimension_semantics<subcore_parallel>], iteration_bounds = array<i64: 2, 16>, scalar_prefetch = 0 : i64, scratch_operands = 4 : i64, tpu.core_type = #tpu.core_type<sc_vector_subcore>, window_params = [{transform_indices = #map}, {transform_indices = #map1}]} {
    %mul3A = arith.constant 640 : i32
    %mul3A_0 = arith.muli %arg1, %mul3A : i32
    %scan3A = arith.constant 0 : i32
    %scan3A_1 = arith.constant 0 : i32
    %scan3A_2 = arith.constant 40 : i32
    %scan3A_3 = arith.addi %scan3A_1, %scan3A_2 : i32
    %scan3A_4 = arith.constant 1 : i32
    scf.for %scan3A_19 = %scan3A_1 to %scan3A_3 step %scan3A_4  : i32 {
      %broadcast_in_dim3A = arith.constant 0.000000e+00 : f32
      %broadcast_in_dim3A_20 = vector.broadcast %broadcast_in_dim3A : f32 to vector<16xf32>
      %mul3A_21 = arith.constant 16 : i32
      %mul3A_22 = arith.muli %scan3A_19, %mul3A_21 : i32
      %swap3A = arith.index_cast %mul3A_22 : i32 to index
      %swap3A_23 = tpu.vector_load %arg6[%swap3A] {strides = array<i32>} : memref<640xf32, #tpu.memory_space<vmem>>, vector<16xf32>,
      %swap3A_24 = vector.shape_cast %swap3A_23 : vector<16xf32> to vector<16xf32>
      %swap3A_25 = vector.shape_cast %broadcast_in_dim3A_20 : vector<16xf32> to vector<16xf32>
      tpu.vector_store %arg6[%swap3A], %swap3A_25 {strides = array<i32>} : memref<640xf32, #tpu.memory_space<vmem>>, vector<16xf32>,
    }
    %scan3A_5 = arith.constant 40 : i32
    %scan3A_6 = arith.constant 0 : i32
    %scan3A_7 = arith.constant 0 : i32
    %scan3A_8 = arith.constant 8 : i32
    %scan3A_9 = arith.addi %scan3A_7, %scan3A_8 : i32
    %scan3A_10 = arith.constant 1 : i32
    scf.for %scan3A_19 = %scan3A_7 to %scan3A_9 step %scan3A_10  : i32 {
      %broadcast_in_dim3A = arith.constant 1.000000e+00 : f32
      %broadcast_in_dim3A_20 = vector.broadcast %broadcast_in_dim3A : f32 to vector<16xf32>
      %mul3A_21 = arith.constant 16 : i32
      %mul3A_22 = arith.muli %scan3A_19, %mul3A_21 : i32
      %swap3A = arith.index_cast %mul3A_22 : i32 to index
      %swap3A_23 = tpu.vector_load %arg7[%swap3A] {strides = array<i32>} : memref<128xf32, #tpu.memory_space<vmem>>, vector<16xf32>,
      %swap3A_24 = vector.shape_cast %swap3A_23 : vector<16xf32> to vector<16xf32>
      %swap3A_25 = vector.shape_cast %broadcast_in_dim3A_20 : vector<16xf32> to vector<16xf32>
      tpu.vector_store %arg7[%swap3A], %swap3A_25 {strides = array<i32>} : memref<128xf32, #tpu.memory_space<vmem>>, vector<16xf32>,
    }
    %scan3A_11 = arith.constant 8 : i32
    "tpu.region"() ({
      %run_scoped3A = tpu.sem_alloc : memref<!tpu.dma_semaphore, #tpu.memory_space<semaphore_mem>>
      %dma_start3A = tpu.memref_slice %arg4[%mul3A_0] : memref<10240xf32, #tpu.memory_space<vmem_shared>> -> memref<640xf32, #tpu.memory_space<vmem_shared>>
      %dma_start3A_19 = tpu.memref_slice %arg4[%mul3A_0] : memref<10240xf32, #tpu.memory_space<vmem_shared>> -> memref<640xf32, #tpu.memory_space<vmem_shared>>
      tpu.enqueue_dma source(%arg6 : memref<640xf32, #tpu.memory_space<vmem>>) target(%dma_start3A_19 : memref<640xf32, #tpu.memory_space<vmem_shared>>) target_semaphore(%run_scoped3A : memref<!tpu.dma_semaphore, #tpu.memory_space<semaphore_mem>>)
      %dma_wait3A = tpu.memref_slice %arg4[%mul3A_0] : memref<10240xf32, #tpu.memory_space<vmem_shared>> -> memref<640xf32, #tpu.memory_space<vmem_shared>>
      %dma_wait3A_20 = tpu.memref_slice %arg4[%mul3A_0] : memref<10240xf32, #tpu.memory_space<vmem_shared>> -> memref<640xf32, #tpu.memory_space<vmem_shared>>
      tpu.wait_dma2 semaphore(%run_scoped3A : memref<!tpu.dma_semaphore, #tpu.memory_space<semaphore_mem>>) src(%arg6 : memref<640xf32, #tpu.memory_space<vmem>>) dst(%dma_wait3A_20 : memref<640xf32, #tpu.memory_space<vmem_shared>>)
      tpu.yield
    }) : () -> ()
    "tpu.region"() ({
      %run_scoped3A = tpu.sem_alloc : memref<!tpu.dma_semaphore, #tpu.memory_space<semaphore_mem>>
      %dma_start3A = arith.constant 0 : i32
      %dma_start3A_19 = arith.constant 0 : i32
      %dma_start3A_20 = tpu.memref_slice %arg2[%arg0, %arg1, %dma_start3A, %dma_start3A_19] : memref<2x16x80x128xi32, #tpu.memory_space<hbm>> -> memref<1x1x80x128xi32, #tpu.memory_space<hbm>>
      %dma_start3A_21 = tpu.memref_squeeze %dma_start3A_20 : memref<1x1x80x128xi32, #tpu.memory_space<hbm>> -> memref<80x128xi32, #tpu.memory_space<hbm>>
      %dma_start3A_22 = arith.constant 0 : i32
      %dma_start3A_23 = arith.constant 0 : i32
      %dma_start3A_24 = tpu.memref_slice %arg2[%arg0, %arg1, %dma_start3A_22, %dma_start3A_23] : memref<2x16x80x128xi32, #tpu.memory_space<hbm>> -> memref<1x1x80x128xi32, #tpu.memory_space<hbm>>
      %dma_start3A_25 = tpu.memref_squeeze %dma_start3A_24 : memref<1x1x80x128xi32, #tpu.memory_space<hbm>> -> memref<80x128xi32, #tpu.memory_space<hbm>>
      tpu.enqueue_dma source(%dma_start3A_25 : memref<80x128xi32, #tpu.memory_space<hbm>>) target(%arg5 : memref<80x128xi32, #tpu.memory_space<vmem>>) target_semaphore(%run_scoped3A : memref<!tpu.dma_semaphore, #tpu.memory_space<semaphore_mem>>)
      %dma_wait3A = arith.constant 0 : i32
      %dma_wait3A_26 = arith.constant 0 : i32
      %dma_wait3A_27 = tpu.memref_slice %arg2[%arg0, %arg1, %dma_wait3A, %dma_wait3A_26] : memref<2x16x80x128xi32, #tpu.memory_space<hbm>> -> memref<1x1x80x128xi32, #tpu.memory_space<hbm>>
      %dma_wait3A_28 = tpu.memref_squeeze %dma_wait3A_27 : memref<1x1x80x128xi32, #tpu.memory_space<hbm>> -> memref<80x128xi32, #tpu.memory_space<hbm>>
      %dma_wait3A_29 = arith.constant 0 : i32
      %dma_wait3A_30 = arith.constant 0 : i32
      %dma_wait3A_31 = tpu.memref_slice %arg2[%arg0, %arg1, %dma_wait3A_29, %dma_wait3A_30] : memref<2x16x80x128xi32, #tpu.memory_space<hbm>> -> memref<1x1x80x128xi32, #tpu.memory_space<hbm>>
      %dma_wait3A_32 = tpu.memref_squeeze %dma_wait3A_31 : memref<1x1x80x128xi32, #tpu.memory_space<hbm>> -> memref<80x128xi32, #tpu.memory_space<hbm>>
      tpu.wait_dma2 semaphore(%run_scoped3A : memref<!tpu.dma_semaphore, #tpu.memory_space<semaphore_mem>>) src(%dma_wait3A_32 : memref<80x128xi32, #tpu.memory_space<hbm>>) dst(%arg5 : memref<80x128xi32, #tpu.memory_space<vmem>>)
      tpu.yield
    }) : () -> ()
    %barrier3A = arith.constant 0 : index
    tpu.barrier barrier_id(%barrier3A)
    %scan3A_12 = arith.constant 0 : i32
    %scan3A_13 = arith.constant 0 : i32
    %scan3A_14 = arith.constant 80 : i32
    %scan3A_15 = arith.addi %scan3A_13, %scan3A_14 : i32
    %scan3A_16 = arith.constant 1 : i32
    scf.for %scan3A_19 = %scan3A_13 to %scan3A_15 step %scan3A_16  : i32 {
      "tpu.region"() ({
        %run_scoped3A = tpu.sem_alloc : memref<!tpu.dma_semaphore, #tpu.memory_space<semaphore_mem>>
        %dma_start3A = arith.constant 0 : i32
        %dma_start3A_20 = tpu.memref_slice %arg5[%scan3A_19, %dma_start3A] : memref<80x128xi32, #tpu.memory_space<vmem>> -> memref<1x128xi32, #tpu.memory_space<vmem>>
        %dma_start3A_21 = tpu.memref_squeeze %dma_start3A_20 : memref<1x128xi32, #tpu.memory_space<vmem>> -> memref<128xi32, #tpu.memory_space<vmem>>
        %dma_start3A_22 = arith.constant 0 : i32
        %dma_start3A_23 = tpu.memref_slice %arg4[%dma_start3A_22] : memref<10240xf32, #tpu.memory_space<vmem_shared>> -> memref<10240xf32, #tpu.memory_space<vmem_shared>>
        tpu.enqueue_indirect_dma source(%arg7 : memref<128xf32, #tpu.memory_space<vmem>>) target(%dma_start3A_23 : memref<10240xf32, #tpu.memory_space<vmem_shared>>) offsets(%dma_start3A_21 : memref<128xi32, #tpu.memory_space<vmem>>) semaphore(%run_scoped3A : memref<!tpu.dma_semaphore, #tpu.memory_space<semaphore_mem>>) {add = true}
        %dma_wait3A = arith.constant 0 : i32
        %dma_wait3A_24 = tpu.memref_slice %arg5[%scan3A_19, %dma_wait3A] : memref<80x128xi32, #tpu.memory_space<vmem>> -> memref<1x128xi32, #tpu.memory_space<vmem>>
        %dma_wait3A_25 = tpu.memref_squeeze %dma_wait3A_24 : memref<1x128xi32, #tpu.memory_space<vmem>> -> memref<128xi32, #tpu.memory_space<vmem>>
        %dma_wait3A_26 = arith.constant 0 : i32
        %dma_wait3A_27 = tpu.memref_slice %arg4[%dma_wait3A_26] : memref<10240xf32, #tpu.memory_space<vmem_shared>> -> memref<10240xf32, #tpu.memory_space<vmem_shared>>
        tpu.wait_indirect_dma semaphore(%run_scoped3A : memref<!tpu.dma_semaphore, #tpu.memory_space<semaphore_mem>>) src(%arg7 : memref<128xf32, #tpu.memory_space<vmem>>) dst(%dma_wait3A_27 : memref<10240xf32, #tpu.memory_space<vmem_shared>>)
        tpu.yield
      }) : () -> ()
    }
    %scan3A_17 = arith.constant 80 : i32
    %barrier3A_18 = arith.constant 0 : index
    tpu.barrier barrier_id(%barrier3A_18)
    "tpu.region"() ({
      %run_scoped3A = tpu.sem_alloc : memref<!tpu.dma_semaphore, #tpu.memory_space<semaphore_mem>>
      %dma_start3A = tpu.memref_slice %arg3[%arg0, %mul3A_0] : memref<2x10240xf32, #tpu.memory_space<hbm>> -> memref<1x640xf32, #tpu.memory_space<hbm>>
      %dma_start3A_19 = tpu.memref_squeeze %dma_start3A : memref<1x640xf32, #tpu.memory_space<hbm>> -> memref<640xf32, #tpu.memory_space<hbm>>
      %dma_start3A_20 = tpu.memref_slice %arg4[%mul3A_0] : memref<10240xf32, #tpu.memory_space<vmem_shared>> -> memref<640xf32, #tpu.memory_space<vmem_shared>>
      tpu.enqueue_dma source(%dma_start3A_20 : memref<640xf32, #tpu.memory_space<vmem_shared>>) target(%dma_start3A_19 : memref<640xf32, #tpu.memory_space<hbm>>) target_semaphore(%run_scoped3A : memref<!tpu.dma_semaphore, #tpu.memory_space<semaphore_mem>>)
      %dma_wait3A = tpu.memref_slice %arg3[%arg0, %mul3A_0] : memref<2x10240xf32, #tpu.memory_space<hbm>> -> memref<1x640xf32, #tpu.memory_space<hbm>>
      %dma_wait3A_21 = tpu.memref_squeeze %dma_wait3A : memref<1x640xf32, #tpu.memory_space<hbm>> -> memref<640xf32, #tpu.memory_space<hbm>>
      %dma_wait3A_22 = tpu.memref_slice %arg4[%mul3A_0] : memref<10240xf32, #tpu.memory_space<vmem_shared>> -> memref<640xf32, #tpu.memory_space<vmem_shared>>
      tpu.wait_dma2 semaphore(%run_scoped3A : memref<!tpu.dma_semaphore, #tpu.memory_space<semaphore_mem>>) src(%dma_wait3A_22 : memref<640xf32, #tpu.memory_space<vmem_shared>>) dst(%dma_wait3A_21 : memref<640xf32, #tpu.memory_space<hbm>>)
      tpu.yield
    }) : () -> ()
    return
  }
}

#map = affine_map<(d0, d1) -> (0, 0)>
#map1 = affine_map<(d0, d1) -> (0, 0, 0, 0, 0)>
#map2 = affine_map<(d0, d1) -> (0, 0, 0)>
module attributes {stable_mosaic.version = 14 : i64} {
  func.func @_agg_kernel(%arg0: i32, %arg1: i32, %arg2: memref<10240x128xf32, #tpu.memory_space<hbm>>, %arg3: memref<2x16x5x16x128xi32, #tpu.memory_space<hbm>>, %arg4: memref<2x16x5x16x128xi32, #tpu.memory_space<hbm>>, %arg5: memref<2x10240x128xf32, #tpu.memory_space<hbm>>, %arg6: memref<10240x128xf32, #tpu.memory_space<vmem_shared>>, %arg7: memref<2x16x128xi32, #tpu.memory_space<vmem>>, %arg8: memref<2x16x128xi32, #tpu.memory_space<vmem>>, %arg9: memref<2x128x128xf32, #tpu.memory_space<vmem>>, %arg10: memref<2x!tpu.dma_semaphore, #tpu.memory_space<semaphore_mem>>, %arg11: memref<!tpu.dma_semaphore, #tpu.memory_space<semaphore_mem>>) attributes {dimension_semantics = [#tpu.dimension_semantics<core_parallel>, #tpu.dimension_semantics<subcore_parallel>], iteration_bounds = array<i64: 2, 16>, scalar_prefetch = 0 : i64, scratch_operands = 6 : i64, tpu.core_type = #tpu.core_type<sc_vector_subcore>, window_params = [{transform_indices = #map}, {transform_indices = #map1}, {transform_indices = #map1}, {transform_indices = #map2}]} {
    %mul3A = arith.constant 640 : i32
    %mul3A_0 = arith.muli %arg1, %mul3A : i32
    %eq3A = arith.constant 0 : i32
    %eq3A_1 = arith.cmpi eq, %arg0, %eq3A : i32
    %convert_element_type3A = arith.extui %eq3A_1 : i1 to i32
    %cond3A = arith.constant 0 : i32
    %cond3A_2 = arith.cmpi ne, %convert_element_type3A, %cond3A : i32
    scf.if %cond3A_2 {
      "tpu.region"() ({
        %run_scoped3A_17 = tpu.sem_alloc : memref<!tpu.dma_semaphore, #tpu.memory_space<semaphore_mem>>
        %dma_start3A = arith.constant 0 : i32
        %dma_start3A_18 = tpu.memref_slice %arg6[%mul3A_0, %dma_start3A] : memref<10240x128xf32, #tpu.memory_space<vmem_shared>> -> memref<640x128xf32, #tpu.memory_space<vmem_shared>>
        %dma_start3A_19 = arith.constant 0 : i32
        %dma_start3A_20 = tpu.memref_slice %arg2[%mul3A_0, %dma_start3A_19] : memref<10240x128xf32, #tpu.memory_space<hbm>> -> memref<640x128xf32, #tpu.memory_space<hbm>>
        tpu.enqueue_dma source(%dma_start3A_20 : memref<640x128xf32, #tpu.memory_space<hbm>>) target(%dma_start3A_18 : memref<640x128xf32, #tpu.memory_space<vmem_shared>>) target_semaphore(%run_scoped3A_17 : memref<!tpu.dma_semaphore, #tpu.memory_space<semaphore_mem>>)
        %dma_wait3A = arith.constant 0 : i32
        %dma_wait3A_21 = tpu.memref_slice %arg6[%mul3A_0, %dma_wait3A] : memref<10240x128xf32, #tpu.memory_space<vmem_shared>> -> memref<640x128xf32, #tpu.memory_space<vmem_shared>>
        %dma_wait3A_22 = arith.constant 0 : i32
        %dma_wait3A_23 = tpu.memref_slice %arg2[%mul3A_0, %dma_wait3A_22] : memref<10240x128xf32, #tpu.memory_space<hbm>> -> memref<640x128xf32, #tpu.memory_space<hbm>>
        tpu.wait_dma2 semaphore(%run_scoped3A_17 : memref<!tpu.dma_semaphore, #tpu.memory_space<semaphore_mem>>) src(%dma_wait3A_23 : memref<640x128xf32, #tpu.memory_space<hbm>>) dst(%dma_wait3A_21 : memref<640x128xf32, #tpu.memory_space<vmem_shared>>)
        tpu.yield
      }) : () -> ()
    } else {
    }
    %eq3A_3 = arith.constant 1 : i32
    %eq3A_4 = arith.cmpi eq, %arg0, %eq3A_3 : i32
    %convert_element_type3A_5 = arith.extui %eq3A_4 : i1 to i32
    %cond3A_6 = arith.constant 0 : i32
    %cond3A_7 = arith.cmpi ne, %convert_element_type3A_5, %cond3A_6 : i32
    scf.if %cond3A_7 {
      %scan3A_17 = arith.constant 0 : i32
      %scan3A_18 = arith.constant 0 : i32
      %scan3A_19 = arith.constant 128 : i32
      %scan3A_20 = arith.addi %scan3A_18, %scan3A_19 : i32
      %scan3A_21 = arith.constant 1 : i32
      scf.for %scan3A_29 = %scan3A_18 to %scan3A_20 step %scan3A_21  : i32 {
        %scan3A_30 = arith.constant 0 : i32
        %scan3A_31 = arith.constant 8 : i32
        %scan3A_32 = arith.addi %scan3A_30, %scan3A_31 : i32
        %scan3A_33 = arith.constant 1 : i32
        scf.for %scan3A_35 = %scan3A_30 to %scan3A_32 step %scan3A_33  : i32 {
          %broadcast_in_dim3A = arith.constant 0.000000e+00 : f32
          %broadcast_in_dim3A_36 = vector.broadcast %broadcast_in_dim3A : f32 to vector<16xf32>
          %mul3A_37 = arith.constant 16 : i32
          %mul3A_38 = arith.muli %scan3A_35, %mul3A_37 : i32
          %swap3A = arith.constant 0 : i32
          %swap3A_39 = arith.index_cast %swap3A : i32 to index
          %swap3A_40 = arith.index_cast %scan3A_29 : i32 to index
          %swap3A_41 = arith.index_cast %mul3A_38 : i32 to index
          %swap3A_42 = tpu.vector_load %arg9[%swap3A_39, %swap3A_40, %swap3A_41] {strides = array<i32>} : memref<2x128x128xf32, #tpu.memory_space<vmem>>, vector<1x1x16xf32>,
          %swap3A_43 = vector.shape_cast %swap3A_42 : vector<1x1x16xf32> to vector<16xf32>
          %swap3A_44 = vector.shape_cast %broadcast_in_dim3A_36 : vector<16xf32> to vector<1x1x16xf32>
          tpu.vector_store %arg9[%swap3A_39, %swap3A_40, %swap3A_41], %swap3A_44 {strides = array<i32>} : memref<2x128x128xf32, #tpu.memory_space<vmem>>, vector<1x1x16xf32>,
        }
        %scan3A_34 = arith.constant 8 : i32
      }
      %scan3A_22 = arith.constant 128 : i32
      %scan3A_23 = arith.constant 0 : i32
      %scan3A_24 = arith.constant 0 : i32
      %scan3A_25 = arith.constant 5 : i32
      %scan3A_26 = arith.addi %scan3A_24, %scan3A_25 : i32
      %scan3A_27 = arith.constant 1 : i32
      scf.for %scan3A_29 = %scan3A_24 to %scan3A_26 step %scan3A_27  : i32 {
        %mul3A_30 = arith.constant 128 : i32
        %mul3A_31 = arith.muli %scan3A_29, %mul3A_30 : i32
        %add3A = arith.addi %mul3A_0, %mul3A_31 : i32
        %run_scoped3A_32 = arith.constant 0 : i32
        "tpu.region"() ({
          %run_scoped3A_33 = tpu.sem_alloc : memref<!tpu.dma_semaphore, #tpu.memory_space<semaphore_mem>>
          %dma_start3A = arith.constant 0 : i32
          %dma_start3A_34 = arith.constant 0 : i32
          %dma_start3A_35 = tpu.memref_slice %arg9[%run_scoped3A_32, %dma_start3A, %dma_start3A_34] : memref<2x128x128xf32, #tpu.memory_space<vmem>> -> memref<1x128x128xf32, #tpu.memory_space<vmem>>
          %dma_start3A_36 = tpu.memref_squeeze %dma_start3A_35 : memref<1x128x128xf32, #tpu.memory_space<vmem>> -> memref<128x128xf32, #tpu.memory_space<vmem>>
          %dma_start3A_37 = arith.constant 0 : i32
          %dma_start3A_38 = tpu.memref_slice %arg6[%add3A, %dma_start3A_37] : memref<10240x128xf32, #tpu.memory_space<vmem_shared>> -> memref<128x128xf32, #tpu.memory_space<vmem_shared>>
          %dma_start3A_39 = arith.constant 0 : i32
          %dma_start3A_40 = tpu.memref_slice %arg6[%add3A, %dma_start3A_39] : memref<10240x128xf32, #tpu.memory_space<vmem_shared>> -> memref<128x128xf32, #tpu.memory_space<vmem_shared>>
          %dma_start3A_41 = arith.constant 0 : i32
          %dma_start3A_42 = arith.constant 0 : i32
          %dma_start3A_43 = tpu.memref_slice %arg9[%run_scoped3A_32, %dma_start3A_41, %dma_start3A_42] : memref<2x128x128xf32, #tpu.memory_space<vmem>> -> memref<1x128x128xf32, #tpu.memory_space<vmem>>
          %dma_start3A_44 = tpu.memref_squeeze %dma_start3A_43 : memref<1x128x128xf32, #tpu.memory_space<vmem>> -> memref<128x128xf32, #tpu.memory_space<vmem>>
          tpu.enqueue_dma source(%dma_start3A_44 : memref<128x128xf32, #tpu.memory_space<vmem>>) target(%dma_start3A_40 : memref<128x128xf32, #tpu.memory_space<vmem_shared>>) target_semaphore(%run_scoped3A_33 : memref<!tpu.dma_semaphore, #tpu.memory_space<semaphore_mem>>)
          %dma_wait3A = arith.constant 0 : i32
          %dma_wait3A_45 = arith.constant 0 : i32
          %dma_wait3A_46 = tpu.memref_slice %arg9[%run_scoped3A_32, %dma_wait3A, %dma_wait3A_45] : memref<2x128x128xf32, #tpu.memory_space<vmem>> -> memref<1x128x128xf32, #tpu.memory_space<vmem>>
          %dma_wait3A_47 = tpu.memref_squeeze %dma_wait3A_46 : memref<1x128x128xf32, #tpu.memory_space<vmem>> -> memref<128x128xf32, #tpu.memory_space<vmem>>
          %dma_wait3A_48 = arith.constant 0 : i32
          %dma_wait3A_49 = tpu.memref_slice %arg6[%add3A, %dma_wait3A_48] : memref<10240x128xf32, #tpu.memory_space<vmem_shared>> -> memref<128x128xf32, #tpu.memory_space<vmem_shared>>
          %dma_wait3A_50 = arith.constant 0 : i32
          %dma_wait3A_51 = tpu.memref_slice %arg6[%add3A, %dma_wait3A_50] : memref<10240x128xf32, #tpu.memory_space<vmem_shared>> -> memref<128x128xf32, #tpu.memory_space<vmem_shared>>
          %dma_wait3A_52 = arith.constant 0 : i32
          %dma_wait3A_53 = arith.constant 0 : i32
          %dma_wait3A_54 = tpu.memref_slice %arg9[%run_scoped3A_32, %dma_wait3A_52, %dma_wait3A_53] : memref<2x128x128xf32, #tpu.memory_space<vmem>> -> memref<1x128x128xf32, #tpu.memory_space<vmem>>
          %dma_wait3A_55 = tpu.memref_squeeze %dma_wait3A_54 : memref<1x128x128xf32, #tpu.memory_space<vmem>> -> memref<128x128xf32, #tpu.memory_space<vmem>>
          tpu.wait_dma2 semaphore(%run_scoped3A_33 : memref<!tpu.dma_semaphore, #tpu.memory_space<semaphore_mem>>) src(%dma_wait3A_55 : memref<128x128xf32, #tpu.memory_space<vmem>>) dst(%dma_wait3A_51 : memref<128x128xf32, #tpu.memory_space<vmem_shared>>)
          tpu.yield
        }) : () -> ()
      }
      %scan3A_28 = arith.constant 5 : i32
    } else {
    }
    %run_scoped3A = arith.constant 0 : i32
    %run_scoped3A_8 = arith.constant 0 : i32
    "tpu.region"() ({
      %run_scoped3A_17 = tpu.sem_alloc : memref<!tpu.dma_semaphore, #tpu.memory_space<semaphore_mem>>
      %dma_start3A = arith.constant 0 : i32
      %dma_start3A_18 = arith.constant 0 : i32
      %dma_start3A_19 = tpu.memref_slice %arg7[%run_scoped3A_8, %dma_start3A, %dma_start3A_18] : memref<2x16x128xi32, #tpu.memory_space<vmem>> -> memref<1x16x128xi32, #tpu.memory_space<vmem>>
      %dma_start3A_20 = tpu.memref_squeeze %dma_start3A_19 : memref<1x16x128xi32, #tpu.memory_space<vmem>> -> memref<16x128xi32, #tpu.memory_space<vmem>>
      %dma_start3A_21 = arith.constant 0 : i32
      %dma_start3A_22 = arith.constant 0 : i32
      %dma_start3A_23 = tpu.memref_slice %arg3[%arg0, %arg1, %run_scoped3A, %dma_start3A_21, %dma_start3A_22] : memref<2x16x5x16x128xi32, #tpu.memory_space<hbm>> -> memref<1x1x1x16x128xi32, #tpu.memory_space<hbm>>
      %dma_start3A_24 = tpu.memref_squeeze %dma_start3A_23 : memref<1x1x1x16x128xi32, #tpu.memory_space<hbm>> -> memref<16x128xi32, #tpu.memory_space<hbm>>
      %dma_start3A_25 = arith.constant 0 : i32
      %dma_start3A_26 = arith.constant 0 : i32
      %dma_start3A_27 = tpu.memref_slice %arg7[%run_scoped3A_8, %dma_start3A_25, %dma_start3A_26] : memref<2x16x128xi32, #tpu.memory_space<vmem>> -> memref<1x16x128xi32, #tpu.memory_space<vmem>>
      %dma_start3A_28 = tpu.memref_squeeze %dma_start3A_27 : memref<1x16x128xi32, #tpu.memory_space<vmem>> -> memref<16x128xi32, #tpu.memory_space<vmem>>
      %dma_start3A_29 = arith.constant 0 : i32
      %dma_start3A_30 = arith.constant 0 : i32
      %dma_start3A_31 = tpu.memref_slice %arg3[%arg0, %arg1, %run_scoped3A, %dma_start3A_29, %dma_start3A_30] : memref<2x16x5x16x128xi32, #tpu.memory_space<hbm>> -> memref<1x1x1x16x128xi32, #tpu.memory_space<hbm>>
      %dma_start3A_32 = tpu.memref_squeeze %dma_start3A_31 : memref<1x1x1x16x128xi32, #tpu.memory_space<hbm>> -> memref<16x128xi32, #tpu.memory_space<hbm>>
      tpu.enqueue_dma source(%dma_start3A_32 : memref<16x128xi32, #tpu.memory_space<hbm>>) target(%dma_start3A_28 : memref<16x128xi32, #tpu.memory_space<vmem>>) target_semaphore(%run_scoped3A_17 : memref<!tpu.dma_semaphore, #tpu.memory_space<semaphore_mem>>)
      %dma_wait3A = arith.constant 0 : i32
      %dma_wait3A_33 = arith.constant 0 : i32
      %dma_wait3A_34 = tpu.memref_slice %arg7[%run_scoped3A_8, %dma_wait3A, %dma_wait3A_33] : memref<2x16x128xi32, #tpu.memory_space<vmem>> -> memref<1x16x128xi32, #tpu.memory_space<vmem>>
      %dma_wait3A_35 = tpu.memref_squeeze %dma_wait3A_34 : memref<1x16x128xi32, #tpu.memory_space<vmem>> -> memref<16x128xi32, #tpu.memory_space<vmem>>
      %dma_wait3A_36 = arith.constant 0 : i32
      %dma_wait3A_37 = arith.constant 0 : i32
      %dma_wait3A_38 = tpu.memref_slice %arg3[%arg0, %arg1, %run_scoped3A, %dma_wait3A_36, %dma_wait3A_37] : memref<2x16x5x16x128xi32, #tpu.memory_space<hbm>> -> memref<1x1x1x16x128xi32, #tpu.memory_space<hbm>>
      %dma_wait3A_39 = tpu.memref_squeeze %dma_wait3A_38 : memref<1x1x1x16x128xi32, #tpu.memory_space<hbm>> -> memref<16x128xi32, #tpu.memory_space<hbm>>
      %dma_wait3A_40 = arith.constant 0 : i32
      %dma_wait3A_41 = arith.constant 0 : i32
      %dma_wait3A_42 = tpu.memref_slice %arg7[%run_scoped3A_8, %dma_wait3A_40, %dma_wait3A_41] : memref<2x16x128xi32, #tpu.memory_space<vmem>> -> memref<1x16x128xi32, #tpu.memory_space<vmem>>
      %dma_wait3A_43 = tpu.memref_squeeze %dma_wait3A_42 : memref<1x16x128xi32, #tpu.memory_space<vmem>> -> memref<16x128xi32, #tpu.memory_space<vmem>>
      %dma_wait3A_44 = arith.constant 0 : i32
      %dma_wait3A_45 = arith.constant 0 : i32
      %dma_wait3A_46 = tpu.memref_slice %arg3[%arg0, %arg1, %run_scoped3A, %dma_wait3A_44, %dma_wait3A_45] : memref<2x16x5x16x128xi32, #tpu.memory_space<hbm>> -> memref<1x1x1x16x128xi32, #tpu.memory_space<hbm>>
      %dma_wait3A_47 = tpu.memref_squeeze %dma_wait3A_46 : memref<1x1x1x16x128xi32, #tpu.memory_space<hbm>> -> memref<16x128xi32, #tpu.memory_space<hbm>>
      tpu.wait_dma2 semaphore(%run_scoped3A_17 : memref<!tpu.dma_semaphore, #tpu.memory_space<semaphore_mem>>) src(%dma_wait3A_47 : memref<16x128xi32, #tpu.memory_space<hbm>>) dst(%dma_wait3A_43 : memref<16x128xi32, #tpu.memory_space<vmem>>)
      tpu.yield
    }) : () -> ()
    %run_scoped3A_9 = arith.constant 0 : i32
    %run_scoped3A_10 = arith.constant 0 : i32
    "tpu.region"() ({
      %run_scoped3A_17 = tpu.sem_alloc : memref<!tpu.dma_semaphore, #tpu.memory_space<semaphore_mem>>
      %dma_start3A = arith.constant 0 : i32
      %dma_start3A_18 = arith.constant 0 : i32
      %dma_start3A_19 = tpu.memref_slice %arg8[%run_scoped3A_10, %dma_start3A, %dma_start3A_18] : memref<2x16x128xi32, #tpu.memory_space<vmem>> -> memref<1x16x128xi32, #tpu.memory_space<vmem>>
      %dma_start3A_20 = tpu.memref_squeeze %dma_start3A_19 : memref<1x16x128xi32, #tpu.memory_space<vmem>> -> memref<16x128xi32, #tpu.memory_space<vmem>>
      %dma_start3A_21 = arith.constant 0 : i32
      %dma_start3A_22 = arith.constant 0 : i32
      %dma_start3A_23 = tpu.memref_slice %arg4[%arg0, %arg1, %run_scoped3A_9, %dma_start3A_21, %dma_start3A_22] : memref<2x16x5x16x128xi32, #tpu.memory_space<hbm>> -> memref<1x1x1x16x128xi32, #tpu.memory_space<hbm>>
      %dma_start3A_24 = tpu.memref_squeeze %dma_start3A_23 : memref<1x1x1x16x128xi32, #tpu.memory_space<hbm>> -> memref<16x128xi32, #tpu.memory_space<hbm>>
      %dma_start3A_25 = arith.constant 0 : i32
      %dma_start3A_26 = arith.constant 0 : i32
      %dma_start3A_27 = tpu.memref_slice %arg8[%run_scoped3A_10, %dma_start3A_25, %dma_start3A_26] : memref<2x16x128xi32, #tpu.memory_space<vmem>> -> memref<1x16x128xi32, #tpu.memory_space<vmem>>
      %dma_start3A_28 = tpu.memref_squeeze %dma_start3A_27 : memref<1x16x128xi32, #tpu.memory_space<vmem>> -> memref<16x128xi32, #tpu.memory_space<vmem>>
      %dma_start3A_29 = arith.constant 0 : i32
      %dma_start3A_30 = arith.constant 0 : i32
      %dma_start3A_31 = tpu.memref_slice %arg4[%arg0, %arg1, %run_scoped3A_9, %dma_start3A_29, %dma_start3A_30] : memref<2x16x5x16x128xi32, #tpu.memory_space<hbm>> -> memref<1x1x1x16x128xi32, #tpu.memory_space<hbm>>
      %dma_start3A_32 = tpu.memref_squeeze %dma_start3A_31 : memref<1x1x1x16x128xi32, #tpu.memory_space<hbm>> -> memref<16x128xi32, #tpu.memory_space<hbm>>
      tpu.enqueue_dma source(%dma_start3A_32 : memref<16x128xi32, #tpu.memory_space<hbm>>) target(%dma_start3A_28 : memref<16x128xi32, #tpu.memory_space<vmem>>) target_semaphore(%run_scoped3A_17 : memref<!tpu.dma_semaphore, #tpu.memory_space<semaphore_mem>>)
      %dma_wait3A = arith.constant 0 : i32
      %dma_wait3A_33 = arith.constant 0 : i32
      %dma_wait3A_34 = tpu.memref_slice %arg8[%run_scoped3A_10, %dma_wait3A, %dma_wait3A_33] : memref<2x16x128xi32, #tpu.memory_space<vmem>> -> memref<1x16x128xi32, #tpu.memory_space<vmem>>
      %dma_wait3A_35 = tpu.memref_squeeze %dma_wait3A_34 : memref<1x16x128xi32, #tpu.memory_space<vmem>> -> memref<16x128xi32, #tpu.memory_space<vmem>>
      %dma_wait3A_36 = arith.constant 0 : i32
      %dma_wait3A_37 = arith.constant 0 : i32
      %dma_wait3A_38 = tpu.memref_slice %arg4[%arg0, %arg1, %run_scoped3A_9, %dma_wait3A_36, %dma_wait3A_37] : memref<2x16x5x16x128xi32, #tpu.memory_space<hbm>> -> memref<1x1x1x16x128xi32, #tpu.memory_space<hbm>>
      %dma_wait3A_39 = tpu.memref_squeeze %dma_wait3A_38 : memref<1x1x1x16x128xi32, #tpu.memory_space<hbm>> -> memref<16x128xi32, #tpu.memory_space<hbm>>
      %dma_wait3A_40 = arith.constant 0 : i32
      %dma_wait3A_41 = arith.constant 0 : i32
      %dma_wait3A_42 = tpu.memref_slice %arg8[%run_scoped3A_10, %dma_wait3A_40, %dma_wait3A_41] : memref<2x16x128xi32, #tpu.memory_space<vmem>> -> memref<1x16x128xi32, #tpu.memory_space<vmem>>
      %dma_wait3A_43 = tpu.memref_squeeze %dma_wait3A_42 : memref<1x16x128xi32, #tpu.memory_space<vmem>> -> memref<16x128xi32, #tpu.memory_space<vmem>>
      %dma_wait3A_44 = arith.constant 0 : i32
      %dma_wait3A_45 = arith.constant 0 : i32
      %dma_wait3A_46 = tpu.memref_slice %arg4[%arg0, %arg1, %run_scoped3A_9, %dma_wait3A_44, %dma_wait3A_45] : memref<2x16x5x16x128xi32, #tpu.memory_space<hbm>> -> memref<1x1x1x16x128xi32, #tpu.memory_space<hbm>>
      %dma_wait3A_47 = tpu.memref_squeeze %dma_wait3A_46 : memref<1x1x1x16x128xi32, #tpu.memory_space<hbm>> -> memref<16x128xi32, #tpu.memory_space<hbm>>
      tpu.wait_dma2 semaphore(%run_scoped3A_17 : memref<!tpu.dma_semaphore, #tpu.memory_space<semaphore_mem>>) src(%dma_wait3A_47 : memref<16x128xi32, #tpu.memory_space<hbm>>) dst(%dma_wait3A_43 : memref<16x128xi32, #tpu.memory_space<vmem>>)
      tpu.yield
    }) : () -> ()
    %barrier3A = arith.constant 0 : index
    tpu.barrier barrier_id(%barrier3A)
    %scan3A = arith.constant 0 : i32
    %scan3A_11 = arith.constant 0 : i32
    %scan3A_12 = arith.constant 5 : i32
    %scan3A_13 = arith.addi %scan3A_11, %scan3A_12 : i32
    %scan3A_14 = arith.constant 1 : i32
    scf.for %scan3A_17 = %scan3A_11 to %scan3A_13 step %scan3A_14  : i32 {
      %rem3A = arith.constant 2 : i32
      %rem3A_18 = arith.remsi %scan3A_17, %rem3A : i32
      %sub3A = arith.constant 1 : i32
      %sub3A_19 = arith.subi %sub3A, %rem3A_18 : i32
      %add3A = arith.constant 1 : i32
      %add3A_20 = arith.addi %scan3A_17, %add3A : i32
      %lt3A = arith.constant 5 : i32
      %lt3A_21 = arith.cmpi slt, %add3A_20, %lt3A : i32
      %convert_element_type3A_22 = arith.extui %lt3A_21 : i1 to i32
      %cond3A_23 = arith.constant 0 : i32
      %cond3A_24 = arith.cmpi ne, %convert_element_type3A_22, %cond3A_23 : i32
      scf.if %cond3A_24 {
        %add3A_52 = arith.constant 1 : i32
        %add3A_53 = arith.addi %scan3A_17, %add3A_52 : i32
        %dma_start3A_54 = arith.constant 0 : i32
        %dma_start3A_55 = arith.constant 0 : i32
        %dma_start3A_56 = tpu.memref_slice %arg7[%sub3A_19, %dma_start3A_54, %dma_start3A_55] : memref<2x16x128xi32, #tpu.memory_space<vmem>> -> memref<1x16x128xi32, #tpu.memory_space<vmem>>
        %dma_start3A_57 = tpu.memref_squeeze %dma_start3A_56 : memref<1x16x128xi32, #tpu.memory_space<vmem>> -> memref<16x128xi32, #tpu.memory_space<vmem>>
        %dma_start3A_58 = arith.constant 0 : i32
        %dma_start3A_59 = arith.constant 0 : i32
        %dma_start3A_60 = tpu.memref_slice %arg3[%arg0, %arg1, %add3A_53, %dma_start3A_58, %dma_start3A_59] : memref<2x16x5x16x128xi32, #tpu.memory_space<hbm>> -> memref<1x1x1x16x128xi32, #tpu.memory_space<hbm>>
        %dma_start3A_61 = tpu.memref_squeeze %dma_start3A_60 : memref<1x1x1x16x128xi32, #tpu.memory_space<hbm>> -> memref<16x128xi32, #tpu.memory_space<hbm>>
        %dma_start3A_62 = arith.constant 0 : i32
        %dma_start3A_63 = arith.constant 0 : i32
        %dma_start3A_64 = tpu.memref_slice %arg7[%sub3A_19, %dma_start3A_62, %dma_start3A_63] : memref<2x16x128xi32, #tpu.memory_space<vmem>> -> memref<1x16x128xi32, #tpu.memory_space<vmem>>
        %dma_start3A_65 = tpu.memref_squeeze %dma_start3A_64 : memref<1x16x128xi32, #tpu.memory_space<vmem>> -> memref<16x128xi32, #tpu.memory_space<vmem>>
        %dma_start3A_66 = arith.constant 0 : i32
        %dma_start3A_67 = arith.constant 0 : i32
        %dma_start3A_68 = tpu.memref_slice %arg3[%arg0, %arg1, %add3A_53, %dma_start3A_66, %dma_start3A_67] : memref<2x16x5x16x128xi32, #tpu.memory_space<hbm>> -> memref<1x1x1x16x128xi32, #tpu.memory_space<hbm>>
        %dma_start3A_69 = tpu.memref_squeeze %dma_start3A_68 : memref<1x1x1x16x128xi32, #tpu.memory_space<hbm>> -> memref<16x128xi32, #tpu.memory_space<hbm>>
        tpu.enqueue_dma source(%dma_start3A_69 : memref<16x128xi32, #tpu.memory_space<hbm>>) target(%dma_start3A_65 : memref<16x128xi32, #tpu.memory_space<vmem>>) target_semaphore(%arg11 : memref<!tpu.dma_semaphore, #tpu.memory_space<semaphore_mem>>)
        %add3A_70 = arith.constant 1 : i32
        %add3A_71 = arith.addi %scan3A_17, %add3A_70 : i32
        %dma_start3A_72 = arith.constant 0 : i32
        %dma_start3A_73 = arith.constant 0 : i32
        %dma_start3A_74 = tpu.memref_slice %arg8[%sub3A_19, %dma_start3A_72, %dma_start3A_73] : memref<2x16x128xi32, #tpu.memory_space<vmem>> -> memref<1x16x128xi32, #tpu.memory_space<vmem>>
        %dma_start3A_75 = tpu.memref_squeeze %dma_start3A_74 : memref<1x16x128xi32, #tpu.memory_space<vmem>> -> memref<16x128xi32, #tpu.memory_space<vmem>>
        %dma_start3A_76 = arith.constant 0 : i32
        %dma_start3A_77 = arith.constant 0 : i32
        %dma_start3A_78 = tpu.memref_slice %arg4[%arg0, %arg1, %add3A_71, %dma_start3A_76, %dma_start3A_77] : memref<2x16x5x16x128xi32, #tpu.memory_space<hbm>> -> memref<1x1x1x16x128xi32, #tpu.memory_space<hbm>>
        %dma_start3A_79 = tpu.memref_squeeze %dma_start3A_78 : memref<1x1x1x16x128xi32, #tpu.memory_space<hbm>> -> memref<16x128xi32, #tpu.memory_space<hbm>>
        %dma_start3A_80 = arith.constant 0 : i32
        %dma_start3A_81 = arith.constant 0 : i32
        %dma_start3A_82 = tpu.memref_slice %arg8[%sub3A_19, %dma_start3A_80, %dma_start3A_81] : memref<2x16x128xi32, #tpu.memory_space<vmem>> -> memref<1x16x128xi32, #tpu.memory_space<vmem>>
        %dma_start3A_83 = tpu.memref_squeeze %dma_start3A_82 : memref<1x16x128xi32, #tpu.memory_space<vmem>> -> memref<16x128xi32, #tpu.memory_space<vmem>>
        %dma_start3A_84 = arith.constant 0 : i32
        %dma_start3A_85 = arith.constant 0 : i32
        %dma_start3A_86 = tpu.memref_slice %arg4[%arg0, %arg1, %add3A_71, %dma_start3A_84, %dma_start3A_85] : memref<2x16x5x16x128xi32, #tpu.memory_space<hbm>> -> memref<1x1x1x16x128xi32, #tpu.memory_space<hbm>>
        %dma_start3A_87 = tpu.memref_squeeze %dma_start3A_86 : memref<1x1x1x16x128xi32, #tpu.memory_space<hbm>> -> memref<16x128xi32, #tpu.memory_space<hbm>>
        tpu.enqueue_dma source(%dma_start3A_87 : memref<16x128xi32, #tpu.memory_space<hbm>>) target(%dma_start3A_83 : memref<16x128xi32, #tpu.memory_space<vmem>>) target_semaphore(%arg11 : memref<!tpu.dma_semaphore, #tpu.memory_space<semaphore_mem>>)
      } else {
      }
      %dma_start3A = arith.constant 0 : i32
      %dma_start3A_25 = arith.constant 0 : i32
      %dma_start3A_26 = arith.constant 0 : i32
      %dma_start3A_27 = arith.constant 0 : i32
      %dma_start3A_28 = arith.constant 0 : i32
      %dma_start3A_29 = tpu.memref_slice %arg9[%dma_start3A_25, %dma_start3A_27, %dma_start3A_28] : memref<2x128x128xf32, #tpu.memory_space<vmem>> -> memref<1x128x128xf32, #tpu.memory_space<vmem>>
      %dma_start3A_30 = tpu.memref_squeeze %dma_start3A_29 : memref<1x128x128xf32, #tpu.memory_space<vmem>> -> memref<128x128xf32, #tpu.memory_space<vmem>>
      %dma_start3A_31 = arith.constant 0 : i32
      %dma_start3A_32 = tpu.memref_slice %arg7[%rem3A_18, %dma_start3A, %dma_start3A_31] : memref<2x16x128xi32, #tpu.memory_space<vmem>> -> memref<1x1x128xi32, #tpu.memory_space<vmem>>
      %dma_start3A_33 = tpu.memref_squeeze %dma_start3A_32 : memref<1x1x128xi32, #tpu.memory_space<vmem>> -> memref<128xi32, #tpu.memory_space<vmem>>
      %dma_start3A_34 = arith.constant 0 : i32
      %dma_start3A_35 = arith.constant 0 : i32
      %dma_start3A_36 = tpu.memref_slice %arg2[%dma_start3A_34, %dma_start3A_35] : memref<10240x128xf32, #tpu.memory_space<hbm>> -> memref<10240x128xf32, #tpu.memory_space<hbm>>
      %dma_start3A_37 = tpu.memref_slice %arg10[%dma_start3A_26] : memref<2x!tpu.dma_semaphore, #tpu.memory_space<semaphore_mem>> -> memref<1x!tpu.dma_semaphore, #tpu.memory_space<semaphore_mem>>
      %dma_start3A_38 = tpu.memref_squeeze %dma_start3A_37 : memref<1x!tpu.dma_semaphore, #tpu.memory_space<semaphore_mem>> -> memref<!tpu.dma_semaphore, #tpu.memory_space<semaphore_mem>>
      tpu.enqueue_indirect_dma source(%dma_start3A_36 : memref<10240x128xf32, #tpu.memory_space<hbm>>) target(%dma_start3A_30 : memref<128x128xf32, #tpu.memory_space<vmem>>) offsets(%dma_start3A_33 : memref<128xi32, #tpu.memory_space<vmem>>) semaphore(%dma_start3A_38 : memref<!tpu.dma_semaphore, #tpu.memory_space<semaphore_mem>>)
      %scan3A_39 = arith.constant 0 : i32
      %scan3A_40 = arith.constant 0 : i32
      %scan3A_41 = arith.constant 16 : i32
      %scan3A_42 = arith.addi %scan3A_40, %scan3A_41 : i32
      %scan3A_43 = arith.constant 1 : i32
      scf.for %scan3A_52 = %scan3A_40 to %scan3A_42 step %scan3A_43  : i32 {
        %rem3A_53 = arith.constant 2 : i32
        %rem3A_54 = arith.remsi %scan3A_52, %rem3A_53 : i32
        %sub3A_55 = arith.constant 1 : i32
        %sub3A_56 = arith.subi %sub3A_55, %rem3A_54 : i32
        %dma_wait3A = arith.constant 0 : i32
        %dma_wait3A_57 = arith.constant 0 : i32
        %dma_wait3A_58 = tpu.memref_slice %arg9[%rem3A_54, %dma_wait3A, %dma_wait3A_57] : memref<2x128x128xf32, #tpu.memory_space<vmem>> -> memref<1x128x128xf32, #tpu.memory_space<vmem>>
        %dma_wait3A_59 = tpu.memref_squeeze %dma_wait3A_58 : memref<1x128x128xf32, #tpu.memory_space<vmem>> -> memref<128x128xf32, #tpu.memory_space<vmem>>
        %dma_wait3A_60 = arith.constant 0 : i32
        %dma_wait3A_61 = tpu.memref_slice %arg7[%rem3A_18, %scan3A_52, %dma_wait3A_60] : memref<2x16x128xi32, #tpu.memory_space<vmem>> -> memref<1x1x128xi32, #tpu.memory_space<vmem>>
        %dma_wait3A_62 = tpu.memref_squeeze %dma_wait3A_61 : memref<1x1x128xi32, #tpu.memory_space<vmem>> -> memref<128xi32, #tpu.memory_space<vmem>>
        %dma_wait3A_63 = arith.constant 0 : i32
        %dma_wait3A_64 = arith.constant 0 : i32
        %dma_wait3A_65 = tpu.memref_slice %arg2[%dma_wait3A_63, %dma_wait3A_64] : memref<10240x128xf32, #tpu.memory_space<hbm>> -> memref<10240x128xf32, #tpu.memory_space<hbm>>
        %dma_wait3A_66 = tpu.memref_slice %arg10[%rem3A_54] : memref<2x!tpu.dma_semaphore, #tpu.memory_space<semaphore_mem>> -> memref<1x!tpu.dma_semaphore, #tpu.memory_space<semaphore_mem>>
        %dma_wait3A_67 = tpu.memref_squeeze %dma_wait3A_66 : memref<1x!tpu.dma_semaphore, #tpu.memory_space<semaphore_mem>> -> memref<!tpu.dma_semaphore, #tpu.memory_space<semaphore_mem>>
        tpu.wait_indirect_dma semaphore(%dma_wait3A_67 : memref<!tpu.dma_semaphore, #tpu.memory_space<semaphore_mem>>) src(%dma_wait3A_65 : memref<10240x128xf32, #tpu.memory_space<hbm>>) dst(%dma_wait3A_59 : memref<128x128xf32, #tpu.memory_space<vmem>>)
        %add3A_68 = arith.constant 1 : i32
        %add3A_69 = arith.addi %scan3A_52, %add3A_68 : i32
        %lt3A_70 = arith.constant 16 : i32
        %lt3A_71 = arith.cmpi slt, %add3A_69, %lt3A_70 : i32
        %convert_element_type3A_72 = arith.extui %lt3A_71 : i1 to i32
        %cond3A_73 = arith.constant 0 : i32
        %cond3A_74 = arith.cmpi ne, %convert_element_type3A_72, %cond3A_73 : i32
        scf.if %cond3A_74 {
          %add3A_75 = arith.constant 1 : i32
          %add3A_76 = arith.addi %scan3A_52, %add3A_75 : i32
          %dma_start3A_77 = arith.constant 0 : i32
          %dma_start3A_78 = arith.constant 0 : i32
          %dma_start3A_79 = tpu.memref_slice %arg9[%sub3A_56, %dma_start3A_77, %dma_start3A_78] : memref<2x128x128xf32, #tpu.memory_space<vmem>> -> memref<1x128x128xf32, #tpu.memory_space<vmem>>
          %dma_start3A_80 = tpu.memref_squeeze %dma_start3A_79 : memref<1x128x128xf32, #tpu.memory_space<vmem>> -> memref<128x128xf32, #tpu.memory_space<vmem>>
          %dma_start3A_81 = arith.constant 0 : i32
          %dma_start3A_82 = tpu.memref_slice %arg7[%rem3A_18, %add3A_76, %dma_start3A_81] : memref<2x16x128xi32, #tpu.memory_space<vmem>> -> memref<1x1x128xi32, #tpu.memory_space<vmem>>
          %dma_start3A_83 = tpu.memref_squeeze %dma_start3A_82 : memref<1x1x128xi32, #tpu.memory_space<vmem>> -> memref<128xi32, #tpu.memory_space<vmem>>
          %dma_start3A_84 = arith.constant 0 : i32
          %dma_start3A_85 = arith.constant 0 : i32
          %dma_start3A_86 = tpu.memref_slice %arg2[%dma_start3A_84, %dma_start3A_85] : memref<10240x128xf32, #tpu.memory_space<hbm>> -> memref<10240x128xf32, #tpu.memory_space<hbm>>
          %dma_start3A_87 = tpu.memref_slice %arg10[%sub3A_56] : memref<2x!tpu.dma_semaphore, #tpu.memory_space<semaphore_mem>> -> memref<1x!tpu.dma_semaphore, #tpu.memory_space<semaphore_mem>>
          %dma_start3A_88 = tpu.memref_squeeze %dma_start3A_87 : memref<1x!tpu.dma_semaphore, #tpu.memory_space<semaphore_mem>> -> memref<!tpu.dma_semaphore, #tpu.memory_space<semaphore_mem>>
          tpu.enqueue_indirect_dma source(%dma_start3A_86 : memref<10240x128xf32, #tpu.memory_space<hbm>>) target(%dma_start3A_80 : memref<128x128xf32, #tpu.memory_space<vmem>>) offsets(%dma_start3A_83 : memref<128xi32, #tpu.memory_space<vmem>>) semaphore(%dma_start3A_88 : memref<!tpu.dma_semaphore, #tpu.memory_space<semaphore_mem>>)
        } else {
        }
        "tpu.region"() ({
          %run_scoped3A_75 = tpu.sem_alloc : memref<!tpu.dma_semaphore, #tpu.memory_space<semaphore_mem>>
          %dma_start3A_76 = arith.constant 0 : i32
          %dma_start3A_77 = arith.constant 0 : i32
          %dma_start3A_78 = tpu.memref_slice %arg9[%rem3A_54, %dma_start3A_76, %dma_start3A_77] : memref<2x128x128xf32, #tpu.memory_space<vmem>> -> memref<1x128x128xf32, #tpu.memory_space<vmem>>
          %dma_start3A_79 = tpu.memref_squeeze %dma_start3A_78 : memref<1x128x128xf32, #tpu.memory_space<vmem>> -> memref<128x128xf32, #tpu.memory_space<vmem>>
          %dma_start3A_80 = arith.constant 0 : i32
          %dma_start3A_81 = tpu.memref_slice %arg8[%rem3A_18, %scan3A_52, %dma_start3A_80] : memref<2x16x128xi32, #tpu.memory_space<vmem>> -> memref<1x1x128xi32, #tpu.memory_space<vmem>>
          %dma_start3A_82 = tpu.memref_squeeze %dma_start3A_81 : memref<1x1x128xi32, #tpu.memory_space<vmem>> -> memref<128xi32, #tpu.memory_space<vmem>>
          %dma_start3A_83 = arith.constant 0 : i32
          %dma_start3A_84 = arith.constant 0 : i32
          %dma_start3A_85 = tpu.memref_slice %arg6[%dma_start3A_83, %dma_start3A_84] : memref<10240x128xf32, #tpu.memory_space<vmem_shared>> -> memref<10240x128xf32, #tpu.memory_space<vmem_shared>>
          tpu.enqueue_indirect_dma source(%dma_start3A_79 : memref<128x128xf32, #tpu.memory_space<vmem>>) target(%dma_start3A_85 : memref<10240x128xf32, #tpu.memory_space<vmem_shared>>) offsets(%dma_start3A_82 : memref<128xi32, #tpu.memory_space<vmem>>) semaphore(%run_scoped3A_75 : memref<!tpu.dma_semaphore, #tpu.memory_space<semaphore_mem>>) {add = true}
          %dma_wait3A_86 = arith.constant 0 : i32
          %dma_wait3A_87 = arith.constant 0 : i32
          %dma_wait3A_88 = tpu.memref_slice %arg9[%rem3A_54, %dma_wait3A_86, %dma_wait3A_87] : memref<2x128x128xf32, #tpu.memory_space<vmem>> -> memref<1x128x128xf32, #tpu.memory_space<vmem>>
          %dma_wait3A_89 = tpu.memref_squeeze %dma_wait3A_88 : memref<1x128x128xf32, #tpu.memory_space<vmem>> -> memref<128x128xf32, #tpu.memory_space<vmem>>
          %dma_wait3A_90 = arith.constant 0 : i32
          %dma_wait3A_91 = tpu.memref_slice %arg8[%rem3A_18, %scan3A_52, %dma_wait3A_90] : memref<2x16x128xi32, #tpu.memory_space<vmem>> -> memref<1x1x128xi32, #tpu.memory_space<vmem>>
          %dma_wait3A_92 = tpu.memref_squeeze %dma_wait3A_91 : memref<1x1x128xi32, #tpu.memory_space<vmem>> -> memref<128xi32, #tpu.memory_space<vmem>>
          %dma_wait3A_93 = arith.constant 0 : i32
          %dma_wait3A_94 = arith.constant 0 : i32
          %dma_wait3A_95 = tpu.memref_slice %arg6[%dma_wait3A_93, %dma_wait3A_94] : memref<10240x128xf32, #tpu.memory_space<vmem_shared>> -> memref<10240x128xf32, #tpu.memory_space<vmem_shared>>
          tpu.wait_indirect_dma semaphore(%run_scoped3A_75 : memref<!tpu.dma_semaphore, #tpu.memory_space<semaphore_mem>>) src(%dma_wait3A_89 : memref<128x128xf32, #tpu.memory_space<vmem>>) dst(%dma_wait3A_95 : memref<10240x128xf32, #tpu.memory_space<vmem_shared>>)
          tpu.yield
        }) : () -> ()
      }
      %scan3A_44 = arith.constant 16 : i32
      %add3A_45 = arith.constant 1 : i32
      %add3A_46 = arith.addi %scan3A_17, %add3A_45 : i32
      %lt3A_47 = arith.constant 5 : i32
      %lt3A_48 = arith.cmpi slt, %add3A_46, %lt3A_47 : i32
      %convert_element_type3A_49 = arith.extui %lt3A_48 : i1 to i32
      %cond3A_50 = arith.constant 0 : i32
      %cond3A_51 = arith.cmpi ne, %convert_element_type3A_49, %cond3A_50 : i32
      scf.if %cond3A_51 {
        %add3A_52 = arith.constant 1 : i32
        %add3A_53 = arith.addi %scan3A_17, %add3A_52 : i32
        %dma_wait3A = arith.constant 0 : i32
        %dma_wait3A_54 = arith.constant 0 : i32
        %dma_wait3A_55 = tpu.memref_slice %arg7[%sub3A_19, %dma_wait3A, %dma_wait3A_54] : memref<2x16x128xi32, #tpu.memory_space<vmem>> -> memref<1x16x128xi32, #tpu.memory_space<vmem>>
        %dma_wait3A_56 = tpu.memref_squeeze %dma_wait3A_55 : memref<1x16x128xi32, #tpu.memory_space<vmem>> -> memref<16x128xi32, #tpu.memory_space<vmem>>
        %dma_wait3A_57 = arith.constant 0 : i32
        %dma_wait3A_58 = arith.constant 0 : i32
        %dma_wait3A_59 = tpu.memref_slice %arg3[%arg0, %arg1, %add3A_53, %dma_wait3A_57, %dma_wait3A_58] : memref<2x16x5x16x128xi32, #tpu.memory_space<hbm>> -> memref<1x1x1x16x128xi32, #tpu.memory_space<hbm>>
        %dma_wait3A_60 = tpu.memref_squeeze %dma_wait3A_59 : memref<1x1x1x16x128xi32, #tpu.memory_space<hbm>> -> memref<16x128xi32, #tpu.memory_space<hbm>>
        %dma_wait3A_61 = arith.constant 0 : i32
        %dma_wait3A_62 = arith.constant 0 : i32
        %dma_wait3A_63 = tpu.memref_slice %arg7[%sub3A_19, %dma_wait3A_61, %dma_wait3A_62] : memref<2x16x128xi32, #tpu.memory_space<vmem>> -> memref<1x16x128xi32, #tpu.memory_space<vmem>>
        %dma_wait3A_64 = tpu.memref_squeeze %dma_wait3A_63 : memref<1x16x128xi32, #tpu.memory_space<vmem>> -> memref<16x128xi32, #tpu.memory_space<vmem>>
        %dma_wait3A_65 = arith.constant 0 : i32
        %dma_wait3A_66 = arith.constant 0 : i32
        %dma_wait3A_67 = tpu.memref_slice %arg3[%arg0, %arg1, %add3A_53, %dma_wait3A_65, %dma_wait3A_66] : memref<2x16x5x16x128xi32, #tpu.memory_space<hbm>> -> memref<1x1x1x16x128xi32, #tpu.memory_space<hbm>>
        %dma_wait3A_68 = tpu.memref_squeeze %dma_wait3A_67 : memref<1x1x1x16x128xi32, #tpu.memory_space<hbm>> -> memref<16x128xi32, #tpu.memory_space<hbm>>
        tpu.wait_dma2 semaphore(%arg11 : memref<!tpu.dma_semaphore, #tpu.memory_space<semaphore_mem>>) src(%dma_wait3A_68 : memref<16x128xi32, #tpu.memory_space<hbm>>) dst(%dma_wait3A_64 : memref<16x128xi32, #tpu.memory_space<vmem>>)
        %add3A_69 = arith.constant 1 : i32
        %add3A_70 = arith.addi %scan3A_17, %add3A_69 : i32
        %dma_wait3A_71 = arith.constant 0 : i32
        %dma_wait3A_72 = arith.constant 0 : i32
        %dma_wait3A_73 = tpu.memref_slice %arg8[%sub3A_19, %dma_wait3A_71, %dma_wait3A_72] : memref<2x16x128xi32, #tpu.memory_space<vmem>> -> memref<1x16x128xi32, #tpu.memory_space<vmem>>
        %dma_wait3A_74 = tpu.memref_squeeze %dma_wait3A_73 : memref<1x16x128xi32, #tpu.memory_space<vmem>> -> memref<16x128xi32, #tpu.memory_space<vmem>>
        %dma_wait3A_75 = arith.constant 0 : i32
        %dma_wait3A_76 = arith.constant 0 : i32
        %dma_wait3A_77 = tpu.memref_slice %arg4[%arg0, %arg1, %add3A_70, %dma_wait3A_75, %dma_wait3A_76] : memref<2x16x5x16x128xi32, #tpu.memory_space<hbm>> -> memref<1x1x1x16x128xi32, #tpu.memory_space<hbm>>
        %dma_wait3A_78 = tpu.memref_squeeze %dma_wait3A_77 : memref<1x1x1x16x128xi32, #tpu.memory_space<hbm>> -> memref<16x128xi32, #tpu.memory_space<hbm>>
        %dma_wait3A_79 = arith.constant 0 : i32
        %dma_wait3A_80 = arith.constant 0 : i32
        %dma_wait3A_81 = tpu.memref_slice %arg8[%sub3A_19, %dma_wait3A_79, %dma_wait3A_80] : memref<2x16x128xi32, #tpu.memory_space<vmem>> -> memref<1x16x128xi32, #tpu.memory_space<vmem>>
        %dma_wait3A_82 = tpu.memref_squeeze %dma_wait3A_81 : memref<1x16x128xi32, #tpu.memory_space<vmem>> -> memref<16x128xi32, #tpu.memory_space<vmem>>
        %dma_wait3A_83 = arith.constant 0 : i32
        %dma_wait3A_84 = arith.constant 0 : i32
        %dma_wait3A_85 = tpu.memref_slice %arg4[%arg0, %arg1, %add3A_70, %dma_wait3A_83, %dma_wait3A_84] : memref<2x16x5x16x128xi32, #tpu.memory_space<hbm>> -> memref<1x1x1x16x128xi32, #tpu.memory_space<hbm>>
        %dma_wait3A_86 = tpu.memref_squeeze %dma_wait3A_85 : memref<1x1x1x16x128xi32, #tpu.memory_space<hbm>> -> memref<16x128xi32, #tpu.memory_space<hbm>>
        tpu.wait_dma2 semaphore(%arg11 : memref<!tpu.dma_semaphore, #tpu.memory_space<semaphore_mem>>) src(%dma_wait3A_86 : memref<16x128xi32, #tpu.memory_space<hbm>>) dst(%dma_wait3A_82 : memref<16x128xi32, #tpu.memory_space<vmem>>)
      } else {
      }
    }
    %scan3A_15 = arith.constant 5 : i32
    %barrier3A_16 = arith.constant 0 : index
    tpu.barrier barrier_id(%barrier3A_16)
    "tpu.region"() ({
      %run_scoped3A_17 = tpu.sem_alloc : memref<!tpu.dma_semaphore, #tpu.memory_space<semaphore_mem>>
      %dma_start3A = arith.constant 0 : i32
      %dma_start3A_18 = tpu.memref_slice %arg5[%arg0, %mul3A_0, %dma_start3A] : memref<2x10240x128xf32, #tpu.memory_space<hbm>> -> memref<1x640x128xf32, #tpu.memory_space<hbm>>
      %dma_start3A_19 = tpu.memref_squeeze %dma_start3A_18 : memref<1x640x128xf32, #tpu.memory_space<hbm>> -> memref<640x128xf32, #tpu.memory_space<hbm>>
      %dma_start3A_20 = arith.constant 0 : i32
      %dma_start3A_21 = tpu.memref_slice %arg6[%mul3A_0, %dma_start3A_20] : memref<10240x128xf32, #tpu.memory_space<vmem_shared>> -> memref<640x128xf32, #tpu.memory_space<vmem_shared>>
      tpu.enqueue_dma source(%dma_start3A_21 : memref<640x128xf32, #tpu.memory_space<vmem_shared>>) target(%dma_start3A_19 : memref<640x128xf32, #tpu.memory_space<hbm>>) target_semaphore(%run_scoped3A_17 : memref<!tpu.dma_semaphore, #tpu.memory_space<semaphore_mem>>)
      %dma_wait3A = arith.constant 0 : i32
      %dma_wait3A_22 = tpu.memref_slice %arg5[%arg0, %mul3A_0, %dma_wait3A] : memref<2x10240x128xf32, #tpu.memory_space<hbm>> -> memref<1x640x128xf32, #tpu.memory_space<hbm>>
      %dma_wait3A_23 = tpu.memref_squeeze %dma_wait3A_22 : memref<1x640x128xf32, #tpu.memory_space<hbm>> -> memref<640x128xf32, #tpu.memory_space<hbm>>
      %dma_wait3A_24 = arith.constant 0 : i32
      %dma_wait3A_25 = tpu.memref_slice %arg6[%mul3A_0, %dma_wait3A_24] : memref<10240x128xf32, #tpu.memory_space<vmem_shared>> -> memref<640x128xf32, #tpu.memory_space<vmem_shared>>
      tpu.wait_dma2 semaphore(%run_scoped3A_17 : memref<!tpu.dma_semaphore, #tpu.memory_space<semaphore_mem>>) src(%dma_wait3A_25 : memref<640x128xf32, #tpu.memory_space<vmem_shared>>) dst(%dma_wait3A_23 : memref<640x128xf32, #tpu.memory_space<hbm>>)
      tpu.yield
    }) : () -> ()
    return
  }
}

module attributes {stable_mosaic.version = 14 : i64} {
  func.func @_tc1_body(%arg0: memref<10240x128xf32, #tpu.memory_space<vmem>>, %arg1: memref<128x128xf32, #tpu.memory_space<vmem>>, %arg2: memref<10240x2xf32, #tpu.memory_space<vmem>>, %arg3: memref<10240x128xf32, #tpu.memory_space<vmem>>, %arg4: memref<10240x1xf32, #tpu.memory_space<vmem>>) attributes {dimension_semantics = [], scalar_prefetch = 0 : i64, scratch_operands = 0 : i64, tpu.core_type = #tpu.core_type<tc>} {
    %get3A = arith.constant 0 : index
    %get3A_0 = arith.constant 0 : index
    %get3A_1 = vector.load %arg2[%get3A, %get3A_0] : memref<10240x2xf32, #tpu.memory_space<vmem>>, vector<10240x2xf32>
    %reduce_sum3A = arith.constant dense<0.000000e+00> : vector<10240xf32>
    %reduce_sum3A_2 = vector.multi_reduction <add>, %get3A_1, %reduce_sum3A [1] : vector<10240x2xf32> to vector<10240xf32>
    %broadcast_in_dim3A = vector.shape_cast %reduce_sum3A_2 : vector<10240xf32> to vector<10240x1xf32>
    %add3A = arith.constant 1.000000e+00 : f32
    %add3A_3 = vector.broadcast %add3A : f32 to vector<10240x1xf32>
    %add3A_4 = arith.addf %broadcast_in_dim3A, %add3A_3 : vector<10240x1xf32>
    %max3A = arith.constant 1.000000e+00 : f32
    %max3A_5 = vector.broadcast %max3A : f32 to vector<10240x1xf32>
    %max3A_6 = arith.maximumf %add3A_4, %max3A_5 : vector<10240x1xf32>
    %rsqrt3A = math.rsqrt %max3A_6 : vector<10240x1xf32>
    %get3A_7 = arith.constant 0 : index
    %get3A_8 = arith.constant 0 : index
    %get3A_9 = vector.load %arg0[%get3A_7, %get3A_8] : memref<10240x128xf32, #tpu.memory_space<vmem>>, vector<10240x128xf32>
    %get3A_10 = arith.constant 0 : index
    %get3A_11 = arith.constant 0 : index
    %get3A_12 = vector.load %arg1[%get3A_10, %get3A_11] : memref<128x128xf32, #tpu.memory_space<vmem>>, vector<128x128xf32>
    %dot_general3A = arith.constant dense<0.000000e+00> : vector<10240x128xf32>
    %dot_general3A_13 = tpu.matmul %get3A_9, %get3A_12, %dot_general3A {dimension_numbers = #tpu.dot_dimension_numbers<[1], [0], [0], [1], [0, 0, 1, 1], [], []>, transpose_lhs_hint = false} : vector<10240x128xf32>, vector<128x128xf32>, vector<10240x128xf32> -> vector<10240x128xf32>
    %iota3A = tpu.iota {dimensions = array<i32: 0>} : vector<10240x1xi32>
    %lt3A = arith.constant 10000 : i32
    %lt3A_14 = vector.broadcast %lt3A : i32 to vector<10240x1xi32>
    %lt3A_15 = arith.cmpi slt, %iota3A, %lt3A_14 : vector<10240x1xi32>
    %mul3A = vector.broadcast %rsqrt3A : vector<10240x1xf32> to vector<10240x128xf32>
    %mul3A_16 = arith.mulf %dot_general3A_13, %mul3A : vector<10240x128xf32>
    %jit3A = arith.constant 0.000000e+00 : f32
    %broadcast_in_dim3A_17 = vector.shape_cast %lt3A_15 : vector<10240x1xi1> to vector<10240x1xi1>
    %broadcast_in_dim3A_18 = vector.broadcast %broadcast_in_dim3A_17 : vector<10240x1xi1> to vector<10240x128xi1>
    %broadcast_in_dim3A_19 = vector.broadcast %jit3A : f32 to vector<10240x128xf32>
    %select_n3A = arith.select %broadcast_in_dim3A_18, %mul3A_16, %broadcast_in_dim3A_19 : vector<10240x128xi1>, vector<10240x128xf32>
    %swap3A = arith.constant 0 : index
    %swap3A_20 = arith.constant 0 : index
    %swap3A_21 = vector.load %arg3[%swap3A, %swap3A_20] : memref<10240x128xf32, #tpu.memory_space<vmem>>, vector<10240x128xf32>
    tpu.vector_store %arg3[%swap3A, %swap3A_20], %select_n3A {strides = array<i32>} : memref<10240x128xf32, #tpu.memory_space<vmem>>, vector<10240x128xf32>,
    %swap3A_22 = arith.constant 0 : index
    %swap3A_23 = arith.constant 0 : index
    %swap3A_24 = vector.load %arg4[%swap3A_22, %swap3A_23] : memref<10240x1xf32, #tpu.memory_space<vmem>>, vector<10240x1xf32>
    tpu.vector_store %arg4[%swap3A_22, %swap3A_23], %rsqrt3A {strides = array<i32>} : memref<10240x1xf32, #tpu.memory_space<vmem>>, vector<10240x1xf32>,
    return
  }
}

module attributes {stable_mosaic.version = 14 : i64} {
  func.func @_tc_mid_body(%arg0: memref<2x10240x128xf32, #tpu.memory_space<vmem>>, %arg1: memref<10240x1xf32, #tpu.memory_space<vmem>>, %arg2: memref<1x128xf32, #tpu.memory_space<vmem>>, %arg3: memref<1x128xf32, #tpu.memory_space<vmem>>, %arg4: memref<128x128xf32, #tpu.memory_space<vmem>>, %arg5: memref<10240x128xf32, #tpu.memory_space<vmem>>) attributes {dimension_semantics = [], scalar_prefetch = 0 : i64, scratch_operands = 0 : i64, tpu.core_type = #tpu.core_type<tc>} {
    %get3A = arith.constant 0 : index
    %get3A_0 = arith.constant 0 : index
    %get3A_1 = vector.load %arg1[%get3A, %get3A_0] : memref<10240x1xf32, #tpu.memory_space<vmem>>, vector<10240x1xf32>
    %get3A_2 = arith.constant 0 : index
    %get3A_3 = arith.constant 0 : index
    %get3A_4 = arith.constant 0 : index
    %get3A_5 = vector.load %arg0[%get3A_2, %get3A_3, %get3A_4] : memref<2x10240x128xf32, #tpu.memory_space<vmem>>, vector<1x10240x128xf32>
    %get3A_6 = vector.shape_cast %get3A_5 : vector<1x10240x128xf32> to vector<10240x128xf32>
    %get3A_7 = arith.constant 1 : index
    %get3A_8 = arith.constant 0 : index
    %get3A_9 = arith.constant 0 : index
    %get3A_10 = vector.load %arg0[%get3A_7, %get3A_8, %get3A_9] : memref<2x10240x128xf32, #tpu.memory_space<vmem>>, vector<1x10240x128xf32>
    %get3A_11 = vector.shape_cast %get3A_10 : vector<1x10240x128xf32> to vector<10240x128xf32>
    %add3A = arith.addf %get3A_6, %get3A_11 : vector<10240x128xf32>
    %mul3A = vector.broadcast %get3A_1 : vector<10240x1xf32> to vector<10240x128xf32>
    %mul3A_12 = arith.mulf %add3A, %mul3A : vector<10240x128xf32>
    %reduce_sum3A = arith.constant dense<0.000000e+00> : vector<128xf32>
    %reduce_sum3A_13 = vector.multi_reduction <add>, %mul3A_12, %reduce_sum3A [0] : vector<10240x128xf32> to vector<128xf32>
    %broadcast_in_dim3A = vector.shape_cast %reduce_sum3A_13 : vector<128xf32> to vector<1x128xf32>
    %mul3A_14 = arith.constant 9.99999974E-5 : f32
    %mul3A_15 = vector.broadcast %mul3A_14 : f32 to vector<1x128xf32>
    %mul3A_16 = arith.mulf %broadcast_in_dim3A, %mul3A_15 : vector<1x128xf32>
    %mul3A_17 = arith.mulf %mul3A_12, %mul3A_12 : vector<10240x128xf32>
    %reduce_sum3A_18 = arith.constant dense<0.000000e+00> : vector<128xf32>
    %reduce_sum3A_19 = vector.multi_reduction <add>, %mul3A_17, %reduce_sum3A_18 [0] : vector<10240x128xf32> to vector<128xf32>
    %broadcast_in_dim3A_20 = vector.shape_cast %reduce_sum3A_19 : vector<128xf32> to vector<1x128xf32>
    %mul3A_21 = arith.constant 9.99999974E-5 : f32
    %mul3A_22 = vector.broadcast %mul3A_21 : f32 to vector<1x128xf32>
    %mul3A_23 = arith.mulf %broadcast_in_dim3A_20, %mul3A_22 : vector<1x128xf32>
    %mul3A_24 = arith.mulf %mul3A_16, %mul3A_16 : vector<1x128xf32>
    %sub3A = arith.subf %mul3A_23, %mul3A_24 : vector<1x128xf32>
    %sub3A_25 = vector.broadcast %mul3A_16 : vector<1x128xf32> to vector<10240x128xf32>
    %sub3A_26 = arith.subf %mul3A_12, %sub3A_25 : vector<10240x128xf32>
    %add3A_27 = arith.constant 9.99999974E-6 : f32
    %add3A_28 = vector.broadcast %add3A_27 : f32 to vector<1x128xf32>
    %add3A_29 = arith.addf %sub3A, %add3A_28 : vector<1x128xf32>
    %rsqrt3A = math.rsqrt %add3A_29 : vector<1x128xf32>
    %mul3A_30 = vector.broadcast %rsqrt3A : vector<1x128xf32> to vector<10240x128xf32>
    %mul3A_31 = arith.mulf %sub3A_26, %mul3A_30 : vector<10240x128xf32>
    %get3A_32 = arith.constant 0 : index
    %get3A_33 = arith.constant 0 : index
    %get3A_34 = vector.load %arg2[%get3A_32, %get3A_33] : memref<1x128xf32, #tpu.memory_space<vmem>>, vector<1x128xf32>
    %mul3A_35 = vector.broadcast %get3A_34 : vector<1x128xf32> to vector<10240x128xf32>
    %mul3A_36 = arith.mulf %mul3A_31, %mul3A_35 : vector<10240x128xf32>
    %get3A_37 = arith.constant 0 : index
    %get3A_38 = arith.constant 0 : index
    %get3A_39 = vector.load %arg3[%get3A_37, %get3A_38] : memref<1x128xf32, #tpu.memory_space<vmem>>, vector<1x128xf32>
    %add3A_40 = vector.broadcast %get3A_39 : vector<1x128xf32> to vector<10240x128xf32>
    %add3A_41 = arith.addf %mul3A_36, %add3A_40 : vector<10240x128xf32>
    %max3A = arith.constant 0.000000e+00 : f32
    %max3A_42 = vector.broadcast %max3A : f32 to vector<10240x128xf32>
    %max3A_43 = arith.maximumf %add3A_41, %max3A_42 : vector<10240x128xf32>
    %iota3A = tpu.iota {dimensions = array<i32: 0>} : vector<10240x1xi32>
    %lt3A = arith.constant 10000 : i32
    %lt3A_44 = vector.broadcast %lt3A : i32 to vector<10240x1xi32>
    %lt3A_45 = arith.cmpi slt, %iota3A, %lt3A_44 : vector<10240x1xi32>
    %jit3A = arith.constant 0.000000e+00 : f32
    %broadcast_in_dim3A_46 = vector.shape_cast %lt3A_45 : vector<10240x1xi1> to vector<10240x1xi1>
    %broadcast_in_dim3A_47 = vector.broadcast %broadcast_in_dim3A_46 : vector<10240x1xi1> to vector<10240x128xi1>
    %broadcast_in_dim3A_48 = vector.broadcast %jit3A : f32 to vector<10240x128xf32>
    %select_n3A = arith.select %broadcast_in_dim3A_47, %max3A_43, %broadcast_in_dim3A_48 : vector<10240x128xi1>, vector<10240x128xf32>
    %get3A_49 = arith.constant 0 : index
    %get3A_50 = arith.constant 0 : index
    %get3A_51 = vector.load %arg4[%get3A_49, %get3A_50] : memref<128x128xf32, #tpu.memory_space<vmem>>, vector<128x128xf32>
    %dot_general3A = arith.constant dense<0.000000e+00> : vector<10240x128xf32>
    %dot_general3A_52 = tpu.matmul %select_n3A, %get3A_51, %dot_general3A {dimension_numbers = #tpu.dot_dimension_numbers<[1], [0], [0], [1], [0, 0, 1, 1], [], []>, transpose_lhs_hint = false} : vector<10240x128xf32>, vector<128x128xf32>, vector<10240x128xf32> -> vector<10240x128xf32>
    %mul3A_53 = vector.broadcast %get3A_1 : vector<10240x1xf32> to vector<10240x128xf32>
    %mul3A_54 = arith.mulf %dot_general3A_52, %mul3A_53 : vector<10240x128xf32>
    %swap3A = arith.constant 0 : index
    %swap3A_55 = arith.constant 0 : index
    %swap3A_56 = vector.load %arg5[%swap3A, %swap3A_55] : memref<10240x128xf32, #tpu.memory_space<vmem>>, vector<10240x128xf32>
    tpu.vector_store %arg5[%swap3A, %swap3A_55], %mul3A_54 {strides = array<i32>} : memref<10240x128xf32, #tpu.memory_space<vmem>>, vector<10240x128xf32>,
    return
  }
}

module attributes {stable_mosaic.version = 14 : i64} {
  func.func @_tc_out_body(%arg0: memref<2x10240x128xf32, #tpu.memory_space<vmem>>, %arg1: memref<10240x1xf32, #tpu.memory_space<vmem>>, %arg2: memref<1x128xf32, #tpu.memory_space<vmem>>, %arg3: memref<10000x128xf32, #tpu.memory_space<vmem>>) attributes {dimension_semantics = [], scalar_prefetch = 0 : i64, scratch_operands = 0 : i64, tpu.core_type = #tpu.core_type<tc>} {
    %get3A = arith.constant 0 : index
    %get3A_0 = arith.constant 0 : index
    %get3A_1 = arith.constant 0 : index
    %get3A_2 = vector.load %arg0[%get3A, %get3A_0, %get3A_1] : memref<2x10240x128xf32, #tpu.memory_space<vmem>>, vector<1x10000x128xf32>
    %get3A_3 = vector.shape_cast %get3A_2 : vector<1x10000x128xf32> to vector<10000x128xf32>
    %get3A_4 = arith.constant 1 : index
    %get3A_5 = arith.constant 0 : index
    %get3A_6 = arith.constant 0 : index
    %get3A_7 = vector.load %arg0[%get3A_4, %get3A_5, %get3A_6] : memref<2x10240x128xf32, #tpu.memory_space<vmem>>, vector<1x10000x128xf32>
    %get3A_8 = vector.shape_cast %get3A_7 : vector<1x10000x128xf32> to vector<10000x128xf32>
    %add3A = arith.addf %get3A_3, %get3A_8 : vector<10000x128xf32>
    %get3A_9 = arith.constant 0 : index
    %get3A_10 = arith.constant 0 : index
    %get3A_11 = vector.load %arg1[%get3A_9, %get3A_10] : memref<10240x1xf32, #tpu.memory_space<vmem>>, vector<10000x1xf32>
    %mul3A = vector.broadcast %get3A_11 : vector<10000x1xf32> to vector<10000x128xf32>
    %mul3A_12 = arith.mulf %add3A, %mul3A : vector<10000x128xf32>
    %get3A_13 = arith.constant 0 : index
    %get3A_14 = arith.constant 0 : index
    %get3A_15 = vector.load %arg2[%get3A_13, %get3A_14] : memref<1x128xf32, #tpu.memory_space<vmem>>, vector<1x128xf32>
    %add3A_16 = vector.broadcast %get3A_15 : vector<1x128xf32> to vector<10000x128xf32>
    %add3A_17 = arith.addf %mul3A_12, %add3A_16 : vector<10000x128xf32>
    %reduce_max3A = arith.constant dense<0xFF800000> : vector<10000xf32>
    %reduce_max3A_18 = vector.multi_reduction <maximumf>, %add3A_17, %reduce_max3A [1] : vector<10000x128xf32> to vector<10000xf32>
    %broadcast_in_dim3A = vector.shape_cast %reduce_max3A_18 : vector<10000xf32> to vector<10000x1xf32>
    %sub3A = vector.broadcast %broadcast_in_dim3A : vector<10000x1xf32> to vector<10000x128xf32>
    %sub3A_19 = arith.subf %add3A_17, %sub3A : vector<10000x128xf32>
    %exp3A = math.exp %sub3A_19 : vector<10000x128xf32>
    %reduce_sum3A = arith.constant dense<0.000000e+00> : vector<10000xf32>
    %reduce_sum3A_20 = vector.multi_reduction <add>, %exp3A, %reduce_sum3A [1] : vector<10000x128xf32> to vector<10000xf32>
    %broadcast_in_dim3A_21 = vector.shape_cast %reduce_sum3A_20 : vector<10000xf32> to vector<10000x1xf32>
    %log3A = math.log %broadcast_in_dim3A_21 : vector<10000x1xf32>
    %add3A_22 = arith.addf %log3A, %broadcast_in_dim3A : vector<10000x1xf32>
    %sub3A_23 = vector.broadcast %add3A_22 : vector<10000x1xf32> to vector<10000x128xf32>
    %sub3A_24 = arith.subf %add3A_17, %sub3A_23 : vector<10000x128xf32>
    %swap3A = arith.constant 0 : index
    %swap3A_25 = arith.constant 0 : index
    %swap3A_26 = vector.load %arg3[%swap3A, %swap3A_25] : memref<10000x128xf32, #tpu.memory_space<vmem>>, vector<10000x128xf32>
    tpu.vector_store %arg3[%swap3A, %swap3A_25], %sub3A_24 {strides = array<i32>} : memref<10000x128xf32, #tpu.memory_space<vmem>>, vector<10000x128xf32>,
    return
  }
}

</mosaic_0001>

<sc_bundles>
// kernel: kernel.10.cloned.1.call-start
scs
__scs_entry_jumppad:
0x0: {  	(pc) =	sbr.rel $0x88, $3  }
0x1: {  	(tag) =	ssettag $0x0;
	lr =	simm.s32 $0x1  }
0x2: {  	[smem:$0x3F97] =	sst lr;
	_ =	strace $0xD0000000  }
0x3: {  	_ = 	snop  }
0x4: {  	_ = 	snop  }
0x5: {  	_ = 	snop  }
0x6: {  	_ = 	snop  }
0x7: {  	_ = 	snop  }
__scs_overlays_trampoline_lowered:
0x8: {  	[smem:$0x3FA6] =	sst s0  }
0x9: {  	[smem:$0x3FA7] =	sst s1  }
0xa: {  	[smem:$0x3FA8] =	sst s2  }
0xb: {  	[smem:$0x3FA9] =	sst s3  }
0xc: {  	[smem:$0x3FAA] =	sst s4  }
0xd: {  	[smem:$0x3FAB] =	sst s5  }
0xe: {  	[smem:$0x3FAC] =	sst s6  }
0xf: {  	[smem:$0x3FAD] =	sst s7  }
0x10: {  	[smem:$0x3FAE] =	sst s8  }
0x11: {  	[smem:$0x3FAF] =	sst s9;
	s0 =	simm.s32 @!p0 $0x0  }
0x12: {  	s1 =	sld [smem:$0x3F95];
	s0 =	simm.s32 @p0 $0x1  }
0x13: {  	[smem:$0x3FB0] =	sst s0;
	s0 =	simm.s32 @!p1 $0x0  }
0x14: {  	s2 =	sld [smem:$0x3F94];
	s0 =	simm.s32 @p1 $0x1  }
0x15: {  	[smem:$0x3FB1] =	sst s0;
	s0 =	simm.s32 @!p2 $0x0  }
0x16: {  	s3 =	sld [smem:$0x3FDB];
	s0 =	simm.s32 @p2 $0x1  }
0x17: {  	s4 =	simm.s32 $0x1BF5;
	[smem:$0x3FB3] =	sst s0  }
0x18: {  	s0 =	sld [smem:$0x3F96];
	_ =	swait.ge [sflag:s4], $0x0  }
0x19: {  	s7 =	sld [smem:$0x3F97]  }
0x1a: {  	s8 =	sadd.s32 $0xFFFFE003, lr  }
0x1b: {  	s9 =	sadd.s32 $0xFFFFFEF7, lr;
	s5 =	simm.s32 $0xFFFFFFFF;
	p2 =	slt.u32 s8, $0xFFFFF086  }
0x1c: {  	p1 =	slt.u32 s9, $0xF7A;
	s5 =	simm.s32 @!p2 $0x0  }
0x1d: {  	s5 =	simm.s32 @p1 $0x1;
	p0 =	seq.s32 s7, s2  }
0x1e: {  	s7 =	smul.u32 @!p0 $0xF7A, s2;
	p2 =	seq.s32 @!p0 s5, $0x0  }
0x1f: {  	s9 =	smul.u32 $0xF7A, s1;
	s8 =	simm.s32 @!p0 $0x1BF5;
	p2 =	por !p2, p0  }
0x20: {  	[sflag:s8] =	ssyncset.s32 @!p0 $0xFFFFF086;
	s6 =	sadd.s32 @!p0 s3, s7;
	s7 =	simm.s32 @!p0 $0x108  }
0x21: {  	s3 =	sadd.s32 s3, s9;
	s6 =	sadd.s32 @!p0 $0x88, s6;
	s7 =	simm.s32 @p2 $0x1082  }
0x22: {  	[simem:s7], [sflag:s8] =	dma.local @!p0 [hbm:s6], $0xF7A  }
0x23: {  	s9 =	sor.u32 $0xD0000000, s2;
	s6 =	simm.s32 $0x108;
	_ =	swait.ge @!p0 [sflag:s8], $0x0  }
0x24: {  	s3 =	sadd.s32 $0x88, s3;
	s6 =	simm.s32 @!p1 $0x1082;
	[sflag:s4] =	ssyncset.s32 $0xFFFFF086  }
0x25: {  	[simem:s6], [sflag:s4] =	dma.local [hbm:s3], $0xF7A  }
0x26: {  	[smem:$0x3F97] =	sst s1;
	(tag) =	ssettag s2;
	_ =	strace s9  }
0x27: {  	s1 =	sld [smem:$0x3FA7]  }
0x28: {  	s2 =	sld [smem:$0x3FA8]  }
0x29: {  	s4 =	sld [smem:$0x3FAA]  }
0x2a: {  	p0 =	seq.s32 s5, $0x0;
	s5 =	sld [smem:$0x3FAB]  }
0x2b: {  	s6 =	sld [smem:$0x3FAC]  }
0x2c: {  	s7 =	sld [smem:$0x3FAD]  }
0x2d: {  	s3 =	simm.s32 $0x108;
	s8 =	sld [smem:$0x3FAE]  }
0x2e: {  	s3 =	simm.s32 @!p0 $0x1082;
	s9 =	sld [smem:$0x3FAF]  }
0x2f: {  	lr =	sadd.s32 s0, s3;
	s0 =	sld [smem:$0x3FA6]  }
0x30: {  	s3 =	sld [smem:$0x3FA9]  }
0x31: {  	[smem:$0x3FB2] =	sst s10  }
0x32: {  	s10 =	sld [smem:$0x3FB0];
	_ =	sdelay $0x3  }
0x33: {  	p0 =	seq.s32 s10, $0x1;
	s10 =	sld [smem:$0x3FB2];
	_ =	sdelay $0x3  }
0x34: {  	[smem:$0x3FB2] =	sst s10  }
0x35: {  	s10 =	sld [smem:$0x3FB1];
	_ =	sdelay $0x3  }
0x36: {  	p1 =	seq.s32 s10, $0x1;
	s10 =	sld [smem:$0x3FB2];
	_ =	sdelay $0x3  }
0x37: {  	[smem:$0x3FB2] =	sst s10  }
0x38: {  	s10 =	sld [smem:$0x3FB3]  }
0x39: {  	_ = 	snop;
	(pc) =	sbr.ind lr, $3  }
0x3a: {  	_ = 	snop  }
0x3b: {  	_ = 	snop  }
0x3c: {  	p2 =	seq.s32 s10, $0x1;
	s10 =	sld [smem:$0x3FB2]  }
0x3d: {  	_ =	shalt  }
0x3e: {  	_ =	shalt  }
0x3f: {  	_ =	shalt  }
0x40: {  	_ =	shalt  }
0x41: {  	_ =	shalt  }
0x42: {  	_ =	shalt  }
0x43: {  	_ =	shalt  }
0x44: {  	_ =	shalt  }
0x45: {  	_ =	shalt  }
0x46: {  	_ =	shalt  }
0x47: {  	_ =	shalt  }
0x48: {  	_ =	shalt  }
0x49: {  	_ =	shalt  }
0x4a: {  	_ =	shalt  }
0x4b: {  	_ =	shalt  }
0x4c: {  	_ =	shalt  }
0x4d: {  	_ =	shalt  }
0x4e: {  	_ =	shalt  }
0x4f: {  	_ =	shalt  }
0x50: {  	_ =	shalt  }
0x51: {  	_ =	shalt  }
0x52: {  	_ =	shalt  }
0x53: {  	_ =	shalt  }
0x54: {  	_ =	shalt  }
0x55: {  	_ =	shalt  }
0x56: {  	_ =	shalt  }
0x57: {  	_ =	shalt  }
0x58: {  	_ =	shalt  }
0x59: {  	_ =	shalt  }
0x5a: {  	_ =	shalt  }
0x5b: {  	_ =	shalt  }
0x5c: {  	_ =	shalt  }
0x5d: {  	_ =	shalt  }
0x5e: {  	_ =	shalt  }
0x5f: {  	_ =	shalt  }
0x60: {  	_ =	shalt  }
0x61: {  	_ =	shalt  }
0x62: {  	_ =	shalt  }
0x63: {  	_ =	shalt  }
0x64: {  	_ =	shalt  }
0x65: {  	_ =	shalt  }
0x66: {  	_ =	shalt  }
0x67: {  	_ =	shalt  }
0x68: {  	_ =	shalt  }
0x69: {  	_ =	shalt  }
0x6a: {  	_ =	shalt  }
0x6b: {  	_ =	shalt  }
0x6c: {  	_ =	shalt  }
0x6d: {  	_ =	shalt  }
0x6e: {  	_ =	shalt  }
0x6f: {  	_ =	shalt  }
0x70: {  	_ =	shalt  }
0x71: {  	_ =	shalt  }
0x72: {  	_ =	shalt  }
0x73: {  	_ =	shalt  }
0x74: {  	_ =	shalt  }
0x75: {  	_ =	shalt  }
0x76: {  	_ =	shalt  }
0x77: {  	_ =	shalt  }
0x78: {  	_ =	shalt  }
0x79: {  	_ =	shalt  }
0x7a: {  	_ =	shalt  }
0x7b: {  	_ =	shalt  }
0x7c: {  	_ =	shalt  }
0x7d: {  	_ =	shalt  }
0x7e: {  	_ =	shalt  }
0x7f: {  	_ =	shalt  }
0x80: {  	_ =	shalt  }
0x81: {  	_ =	shalt  }
0x82: {  	_ =	shalt  }
0x83: {  	_ =	shalt  }
0x84: {  	_ =	shalt  }
0x85: {  	_ =	shalt  }
0x86: {  	_ =	shalt  }
0x87: {  	_ =	shalt  }
.Lfunc_end0:
.L_simem_size_0:
called_computation_lowered:
.L_overlay_start_0:
0x88: {  	s2 =	sld [smem:$0x3FD9]  }
0x89: {  	s3 =	sld [smem:$0x3FFE];
	_ =	sdelay $0x1  }
0x8a: {  	s1 =	srdreg.scid  }
0x8b: {  	s0 =	sand.u32 $0x1, s1  }
0x8c: {  	s16 =	sshll.u32 s0, $0xA;
	s2 =	sadd.s32 s3, s2  }
0x8d: {  	s2 =	sadd.s32 s2, s16  }
0x8e: {  	[smem:$0x3FBE] =	sst s2  }
0x8f: {  	_ = 	snop  }
0x90: {  	(tm) =	ssettm $0x1  }
0x91: {  	s17 =	sld [smem:$0x3FFB];
	_ =	sdelay $0x3  }
0x92: {  	_ =	strace s17  }
0x93: {  	s2 =	sld [smem:$0x3FFC];
	_ =	sdelay $0x3  }
0x94: {  	_ =	strace s2  }
0x95: {  	s2 =	sld [smem:$0x3FFD];
	_ =	sdelay $0x3  }
0x96: {  	_ =	strace s2  }
0x97: {  	_ =	strace $0x8FFFFFFF  }
0x98: {  	s18 =	sld [smem:$0x3FDB];
	_ =	sdelay $0x1  }
0x99: {  	s19 =	simm.s32 $_scs_section_size  }
0x9a: {  	s4 =	simm.s32 $_size__tile_overlayer_lowered;
	s5 =	simm.s32 $_tile_overlayer_lowered  }
0x9b: {  	s22 =	simm.s32 $0x1BFF;
	s21 =	sshll.u32 s5, $0x1;
	s2 =	sadd.s32 s19, s18  }
0x9c: {  	s6 =	simm.s32 $0x0;
	s20 =	sshll.u32 s4, $0x1;
	s4 =	sadd.s32 s21, s2  }
0x9d: {  	[timem:s6], [sflag:s22] =	dma.local [hbm:s4], s20  }
0x9e: {  	_ =	swait.ge [sflag:s22], s20  }
0x9f: {  	s3 =	ssub.s32 $0x0, s20;
	[sflag:s22] =	ssyncset.done $0x0  }
0xa0: {  	[sflag:s22] =	ssyncadd.s32 s3;
	_ =	sdelay $0x1  }
0xa1: {  	s23 =	simm.s32 $0x1B8B  }
0xa2: {  	_ =	swait.ge [sflag:s23], $0x1  }
0xa3: {  	[sflag:s23] =	ssyncset.done $0x0  }
0xa4: {  	s25 =	simm.s32 $0x1B8E;
	s24 =	sld [smem:$0x3FFE];
	[sflag:s23] =	ssyncadd.s32 $0xFFFFFFFF  }
0xa5: {  	s26 =	simm.s32 $execute0_lowered;
	[smem:$0x3FD2] =	sst s25  }
0xa6: {  	s4 =	sshll.u32 s26, $0x1;
	_ =	strace $0x80000046;
	[dreg:$0x1] =	wrdreg $0xFFFFFFFF  }
0xa7: {  	s28 =	simm.s32 $_size_execute0_lowered;
	s2 =	sadd.s32 s2, s4;
	[dreg:$0x0] =	wrdreg $0x0  }
0xa8: {  	s4 =	sshll.u32 s28, $0x1;
	[dreg:$0x2] =	wrdreg s2  }
0xa9: {  	[dreg:$0x3] =	wrdreg s4  }
0xaa: {  	[dreg:$0x4] =	wrdreg $0xC0  }
0xab: {  	_ =	task [dreg:s6], $0x5FFFF  }
0xac: {  	[dreg:$0x1] =	wrdreg $0xFFFFFFFF  }
0xad: {  	[dreg:$0x0] =	wrdreg $0x60  }
0xae: {  	[dreg:$0x2] =	wrdreg s24  }
0xaf: {  	[dreg:$0x3] =	wrdreg $0x0  }
0xb0: {  	[dreg:$0x4] =	wrdreg $0x9  }
0xb1: {  	_ =	task.clear_ibuf [dreg:s6], $0x5FFFF;
	_ =	strace $0x90000046  }
0xb2: {  	s29 =	simm.s32 $0x9;
	_ =	strace $0x80000048  }
0xb3: {  	_ =	swait.ge [sflag:s29], $0x1  }
0xb4: {  	[sflag:s29] =	ssyncadd.s32 $0xFFFFFFFF  }
0xb5: {  	_ =	strace $0x90000048  }
0xb6: {  	_ =	sfence  }
0xb7: {  	s30 =	sld [smem:$0x0];
	_ =	sdelay $0x2  }
0xb8: {  	s31 =	sshll.u32 s1, $0xD;
	s1 =	sshrl.u32 s1, $0x2  }
0xb9: {  	s3 =	sand.u32 $0x4000, s31;
	s1 =	sadd.s32 s1, s30  }
0xba: {  	s0 =	sor.u32 s3, s0;
	s1 =	sshll.u32 s1, $0x11  }
0xbb: {  	s0 =	sor.u32 s1, s0  }
0xbc: {  	s0 =	sadd.s32 $0x8F2B, s0  }
0xbd: {  	[sflag:s0] =	ssyncadd.remote.s32 $0x1  }
0xbe: {  	_ =	sfence.sel $0xFFFF  }
0xbf: {  	[dreg:$0x0] =	wrdreg $0xFFFFFFFF;
	(pc) =	sbr.abs _section_cstart, $3  }
0xc0: {  	[dreg:$0x1] =	wrdreg $0xFFFFFFFF  }
0xc1: {  	_ =	task.clear_ibuf [dreg:s6], $0x2FFFF;
	_ =	strace $0x9FFFFFFF  }
0xc2: {  	(tm) =	ssettm $0x7FFFFFFF  }
0xc3: {  	_ =	shalt  }
tec
execute0_lowered:
.L_overlay_start_1:
0x0: {  	(tag) =	ssettag $0x1  }
0x1: {  	s4 =	rddreg [dreg:$0x0]  }
0x2: {  	s0 =	srdreg.scid;
	s2 =	rddreg [dreg:$0x1]  }
0x3: {  	s1 =	rddreg [dreg:$0x2];
	s3 =	simm.s32 $0x0;
	s10 =	simm.s32 $0x280  }
0x4: {  	s11 =	simm.s32 $0x80;
	s12 =	simm.s32 $0x2D00;
	s5 =	sand.u32 $0x1, s0  }
0x5: {  	s15 =	simm.s32 $0x20;
	s0 =	stileid.u32;
	s6 =	smul.u32 $0x28000, s5  }
0x6: {  	s16 =	simm.s32 $0x10;
	[smem:$0x7FF] =	sst s3;
	s7 =	smul.u32 $0x2800, s0  }
0x7: {  	s17 =	simm.s32 $0x0;
	s29 =	smul.u32 $0x500, s0;
	_ =	strace $0x80000047  }
0x8: {  	s8 =	sshll.u32 s5, $0x7;
	s5 =	ssub.s32 $0x2, s5;
	s13 =	sshll.u32 s0, $0x6  }
0x9: {  	s30 =	smul.u32 $0xA00, s0;
	s9 =	sshrl.u32 s5, $0x1;
	s13 =	sor.u32 $0x1C01, s13  }
0xa: {  	s6 =	sadd.s32 s7, s6;
	s7 =	sor.u32 s8, s29;
	s9 =	ssub.s32 s5, s9  }
0xb: {  	s31 =	sshrl.u32 s30, $0x2;
	s6 =	sshrl.u32 s6, $0x3;
	s7 =	sshrl.u32 s7, $0x3  }
0xc: {  	s8 =	simm.s32 $0x2A80;
	s6 =	sadd.s32 s6, s4;
	s7 =	sadd.s32 s7, s4  }
0xd: {  	s4 =	sadd.s32 s31, s2;
	s5 =	sadd.s32 $0x3000, s6;
	s6 =	sadd.s32 $0xD000, s7  }
0xe: {  	v0 =	vimm.f32 $0.0e+00;
	v1 =	vimm.f32 $1.000000000e+00;
	s7 =	smax.u32 s9, $0x1;
	s9 =	simm.s32 $0x1;
	s14 =	sshrl.u32 s4, $0x3  }
.LBB2_1:
0xf: {  	[tilespmem:$0x2A80] =	vst v0  }
0x10: {  	[tilespmem:$0x2A90] =	vst v0  }
0x11: {  	[tilespmem:$0x2AA0] =	vst v0  }
0x12: {  	[tilespmem:$0x2AB0] =	vst v0  }
0x13: {  	[tilespmem:$0x2AC0] =	vst v0  }
0x14: {  	[tilespmem:$0x2AD0] =	vst v0  }
0x15: {  	[tilespmem:$0x2AE0] =	vst v0  }
0x16: {  	[tilespmem:$0x2AF0] =	vst v0  }
0x17: {  	[tilespmem:$0x2B00] =	vst v0  }
0x18: {  	[tilespmem:$0x2B10] =	vst v0  }
0x19: {  	[tilespmem:$0x2B20] =	vst v0  }
0x1a: {  	[tilespmem:$0x2B30] =	vst v0  }
0x1b: {  	[tilespmem:$0x2B40] =	vst v0  }
0x1c: {  	[tilespmem:$0x2B50] =	vst v0  }
0x1d: {  	[tilespmem:$0x2B60] =	vst v0  }
0x1e: {  	[tilespmem:$0x2B70] =	vst v0  }
0x1f: {  	[tilespmem:$0x2B80] =	vst v0  }
0x20: {  	[tilespmem:$0x2B90] =	vst v0  }
0x21: {  	[tilespmem:$0x2BA0] =	vst v0  }
0x22: {  	[tilespmem:$0x2BB0] =	vst v0  }
0x23: {  	[tilespmem:$0x2BC0] =	vst v0  }
0x24: {  	[tilespmem:$0x2BD0] =	vst v0  }
0x25: {  	[tilespmem:$0x2BE0] =	vst v0  }
0x26: {  	[tilespmem:$0x2BF0] =	vst v0  }
0x27: {  	[tilespmem:$0x2C00] =	vst v0  }
0x28: {  	[tilespmem:$0x2C10] =	vst v0  }
0x29: {  	[tilespmem:$0x2C20] =	vst v0  }
0x2a: {  	[tilespmem:$0x2C30] =	vst v0  }
0x2b: {  	[tilespmem:$0x2C40] =	vst v0  }
0x2c: {  	[tilespmem:$0x2C50] =	vst v0  }
0x2d: {  	[tilespmem:$0x2C60] =	vst v0  }
0x2e: {  	[tilespmem:$0x2C70] =	vst v0  }
0x2f: {  	[tilespmem:$0x2C80] =	vst v0  }
0x30: {  	[tilespmem:$0x2C90] =	vst v0  }
0x31: {  	[tilespmem:$0x2CA0] =	vst v0  }
0x32: {  	[tilespmem:$0x2CB0] =	vst v0  }
0x33: {  	[tilespmem:$0x2CC0] =	vst v0  }
0x34: {  	[tilespmem:$0x2CD0] =	vst v0  }
0x35: {  	[tilespmem:$0x2CE0] =	vst v0  }
0x36: {  	[tilespmem:$0x2CF0] =	vst v0  }
0x37: {  	[tilespmem:$0x2D00] =	vst v1  }
0x38: {  	[tilespmem:$0x2D10] =	vst v1  }
0x39: {  	[tilespmem:$0x2D20] =	vst v1  }
0x3a: {  	[tilespmem:$0x2D30] =	vst v1  }
0x3b: {  	[tilespmem:$0x2D40] =	vst v1  }
0x3c: {  	[tilespmem:$0x2D50] =	vst v1  }
0x3d: {  	[tilespmem:$0x2D60] =	vst v1  }
0x3e: {  	[tilespmem:$0x2D70] =	vst v1  }
0x3f: {  	[spmem:s4] =	stream.linear.scatter [tilespmem:s8], [sflag:$0x1], $0x280, $0x38;
	[tilespmem:$0x2D80] =	vst v63  }
0x40: {  	_ =	swait.ge [sflag:s9], $0x280  }
0x41: {  	[sflag:s9] =	ssyncset.done $0x0  }
0x42: {  	[sflag:s9] =	ssyncadd.s32 $0xFFFFFD80  }
0x43: {  	[tilespmem:s10], [sflag:$0x1] =	stream.linear.gather [hbm4b:s5+s3], $0x2800, $0x38;
	[tilespmem:$0x2D80] =	vst v63  }
0x44: {  	_ =	swait.ge [sflag:s9], $0x2800  }
0x45: {  	[sflag:s9] =	ssyncset.done $0x0  }
0x46: {  	[sflag:s9] =	ssyncadd.s32 $0xFFFFD800  }
0x47: {  	s18 =	simm.s32 $0x280;
	[bflag:$0x0] =	sbarrier.arrive $0xFFFF  }
0x48: {  	[spmem:s2] =	stream.indirect.scatter.add.f32 [tilespmem:s12], [sflag:$0x1], $0x1, s18, s11, $0xb8;
	[tilespmem:$0x2D80] =	vst v63  }
0x49: {  	s18 =	simm.s32 $0x200;
	_ =	swait.ge [sflag:s9], $0x80  }
.LBB2_2:
0x4a: {  	s19 =	sshra.s32 s18, $0x2;
	[sflag:s9] =	ssyncset.done $0x0;
	p0 =	sne.s32 s18, $0x9E00  }
.Ltmp0:
0x4b: {  	s19 =	sadd.s32 $0x280, s19;
	[sflag:s9] =	ssyncadd.s32 $0xFFFFFF80;
	(pc) =	sbr.rel @p0 .LBB2_2-.Ltmp0, $3  }
0x4c: {  	[spmem:s2] =	stream.indirect.scatter.add.f32 [tilespmem:s12], [sflag:$0x1], $0x1, s19, s11, $0xb8;
	[tilespmem:$0x2D80] =	vst v63  }
0x4d: {  	s18 =	sadd.s32 $0x200, s18;
	_ =	sdelay $0x1  }
0x4e: {  	_ =	swait.ge [sflag:s9], $0x80  }
0x4f: {  	[sflag:s9] =	ssyncset.done $0x0;
	s17 =	sadd.s32 $0x1, s17  }
0x50: {  	[sflag:s9] =	ssyncadd.s32 $0xFFFFFF80;
	p0 =	sne.s32 s17, s7  }
.Ltmp1:
0x51: {  	[bflag:$0x0] =	sbarrier.arrive $0xFFFF;
	(pc) =	sbr.rel @p0 .LBB2_1-.Ltmp1, $4  }
0x52: {  	[hbm:s6@s15], [sflag:s13] =	dma.strided [spmem:s14@s16], $0x50, s9, $0x10   }
0x53: {  	_ =	swait.ge [sflag:s9], $0x50  }
0x54: {  	[sflag:s9] =	ssyncset.done $0x0  }
0x55: {  	[sflag:s9] =	ssyncadd.s32 $0xFFFFFFB0  }
0x56: {  	_ =	sfence.sel $0x180000  }
0x57: {  	[bflag:$0x0] =	sbarrier.arrive $0xFFFF  }
0x58: {  	p0 =	sne.s32 s0, $0x0;
	_ =	strace $0x90000047  }
0x59: {  	s0 =	sadd.s32 @!p0 $0x100000, s1;
	[bflag:$0x2] =	sbarrier.arrive $0xFFFF  }
0x5a: {  	[sflag:s0] =	ssyncadd.tile.s32 @!p0 $0x1;
	_ =	shalt  }
.Lfunc_end2:
_tile_overlayer_lowered:
.L_overlay_start_2:
0x5b: {  	(tag) =	ssettag $0x2  }
0x5c: {  	s0 =	rddreg [dreg:$0x0];
	s2 =	stileid.u32  }
0x5d: {  	s1 =	rddreg [dreg:$0x1];
	p0 =	sne.s32 s2, $0x0  }
0x5e: {  	s3 =	rddreg [dreg:$0x2];
	[bflag:$0x3] =	sbarrier.arrive $0xFFFF;
	s2 =	simm.s32 @!p0 $0x1C01  }
0x5f: {  	[timem:s3], [sflag:s2] =	dma.local @!p0 [hbm:s0], s1  }
0x60: {  	s0 =	simm.s32 @!p0 $0x1  }
0x61: {  	_ =	swait.ge @!p0 [sflag:s0], s1  }
0x62: {  	s1 =	ssub.s32 @!p0 $0x0, s1;
	[sflag:s0] =	ssyncset.done @!p0 $0x0  }
0x63: {  	[sflag:s0] =	ssyncadd.s32 @!p0 s1  }
0x64: {  	[bflag:$0x3] =	sbarrier.arrive $0xFFFF  }
0x65: {  	_ =	shalt  }

// kernel: kernel.13.cloned.1.call-start
scs
__scs_entry_jumppad:
0x0: {  	(pc) =	sbr.rel $0x88, $3  }
0x1: {  	(tag) =	ssettag $0x0;
	lr =	simm.s32 $0x1  }
0x2: {  	[smem:$0x3F97] =	sst lr;
	_ =	strace $0xD0000000  }
0x3: {  	_ = 	snop  }
0x4: {  	_ = 	snop  }
0x5: {  	_ = 	snop  }
0x6: {  	_ = 	snop  }
0x7: {  	_ = 	snop  }
__scs_overlays_trampoline_lowered:
0x8: {  	[smem:$0x3FA6] =	sst s0  }
0x9: {  	[smem:$0x3FA7] =	sst s1  }
0xa: {  	[smem:$0x3FA8] =	sst s2  }
0xb: {  	[smem:$0x3FA9] =	sst s3  }
0xc: {  	[smem:$0x3FAA] =	sst s4  }
0xd: {  	[smem:$0x3FAB] =	sst s5  }
0xe: {  	[smem:$0x3FAC] =	sst s6  }
0xf: {  	[smem:$0x3FAD] =	sst s7  }
0x10: {  	[smem:$0x3FAE] =	sst s8  }
0x11: {  	[smem:$0x3FAF] =	sst s9;
	s0 =	simm.s32 @!p0 $0x0  }
0x12: {  	s1 =	sld [smem:$0x3F95];
	s0 =	simm.s32 @p0 $0x1  }
0x13: {  	[smem:$0x3FB0] =	sst s0;
	s0 =	simm.s32 @!p1 $0x0  }
0x14: {  	s2 =	sld [smem:$0x3F94];
	s0 =	simm.s32 @p1 $0x1  }
0x15: {  	[smem:$0x3FB1] =	sst s0;
	s0 =	simm.s32 @!p2 $0x0  }
0x16: {  	s3 =	sld [smem:$0x3FDB];
	s0 =	simm.s32 @p2 $0x1  }
0x17: {  	s4 =	simm.s32 $0x1BF5;
	[smem:$0x3FB3] =	sst s0  }
0x18: {  	s0 =	sld [smem:$0x3F96];
	_ =	swait.ge [sflag:s4], $0x0  }
0x19: {  	s7 =	sld [smem:$0x3F97]  }
0x1a: {  	s8 =	sadd.s32 $0xFFFFE003, lr  }
0x1b: {  	s9 =	sadd.s32 $0xFFFFFEF7, lr;
	s5 =	simm.s32 $0xFFFFFFFF;
	p2 =	slt.u32 s8, $0xFFFFF086  }
0x1c: {  	p1 =	slt.u32 s9, $0xF7A;
	s5 =	simm.s32 @!p2 $0x0  }
0x1d: {  	s5 =	simm.s32 @p1 $0x1;
	p0 =	seq.s32 s7, s2  }
0x1e: {  	s7 =	smul.u32 @!p0 $0xF7A, s2;
	p2 =	seq.s32 @!p0 s5, $0x0  }
0x1f: {  	s9 =	smul.u32 $0xF7A, s1;
	s8 =	simm.s32 @!p0 $0x1BF5;
	p2 =	por !p2, p0  }
0x20: {  	[sflag:s8] =	ssyncset.s32 @!p0 $0xFFFFF086;
	s6 =	sadd.s32 @!p0 s3, s7;
	s7 =	simm.s32 @!p0 $0x108  }
0x21: {  	s3 =	sadd.s32 s3, s9;
	s6 =	sadd.s32 @!p0 $0x88, s6;
	s7 =	simm.s32 @p2 $0x1082  }
0x22: {  	[simem:s7], [sflag:s8] =	dma.local @!p0 [hbm:s6], $0xF7A  }
0x23: {  	s9 =	sor.u32 $0xD0000000, s2;
	s6 =	simm.s32 $0x108;
	_ =	swait.ge @!p0 [sflag:s8], $0x0  }
0x24: {  	s3 =	sadd.s32 $0x88, s3;
	s6 =	simm.s32 @!p1 $0x1082;
	[sflag:s4] =	ssyncset.s32 $0xFFFFF086  }
0x25: {  	[simem:s6], [sflag:s4] =	dma.local [hbm:s3], $0xF7A  }
0x26: {  	[smem:$0x3F97] =	sst s1;
	(tag) =	ssettag s2;
	_ =	strace s9  }
0x27: {  	s1 =	sld [smem:$0x3FA7]  }
0x28: {  	s2 =	sld [smem:$0x3FA8]  }
0x29: {  	s4 =	sld [smem:$0x3FAA]  }
0x2a: {  	p0 =	seq.s32 s5, $0x0;
	s5 =	sld [smem:$0x3FAB]  }
0x2b: {  	s6 =	sld [smem:$0x3FAC]  }
0x2c: {  	s7 =	sld [smem:$0x3FAD]  }
0x2d: {  	s3 =	simm.s32 $0x108;
	s8 =	sld [smem:$0x3FAE]  }
0x2e: {  	s3 =	simm.s32 @!p0 $0x1082;
	s9 =	sld [smem:$0x3FAF]  }
0x2f: {  	lr =	sadd.s32 s0, s3;
	s0 =	sld [smem:$0x3FA6]  }
0x30: {  	s3 =	sld [smem:$0x3FA9]  }
0x31: {  	[smem:$0x3FB2] =	sst s10  }
0x32: {  	s10 =	sld [smem:$0x3FB0];
	_ =	sdelay $0x3  }
0x33: {  	p0 =	seq.s32 s10, $0x1;
	s10 =	sld [smem:$0x3FB2];
	_ =	sdelay $0x3  }
0x34: {  	[smem:$0x3FB2] =	sst s10  }
0x35: {  	s10 =	sld [smem:$0x3FB1];
	_ =	sdelay $0x3  }
0x36: {  	p1 =	seq.s32 s10, $0x1;
	s10 =	sld [smem:$0x3FB2];
	_ =	sdelay $0x3  }
0x37: {  	[smem:$0x3FB2] =	sst s10  }
0x38: {  	s10 =	sld [smem:$0x3FB3]  }
0x39: {  	_ = 	snop;
	(pc) =	sbr.ind lr, $3  }
0x3a: {  	_ = 	snop  }
0x3b: {  	_ = 	snop  }
0x3c: {  	p2 =	seq.s32 s10, $0x1;
	s10 =	sld [smem:$0x3FB2]  }
0x3d: {  	_ =	shalt  }
0x3e: {  	_ =	shalt  }
0x3f: {  	_ =	shalt  }
0x40: {  	_ =	shalt  }
0x41: {  	_ =	shalt  }
0x42: {  	_ =	shalt  }
0x43: {  	_ =	shalt  }
0x44: {  	_ =	shalt  }
0x45: {  	_ =	shalt  }
0x46: {  	_ =	shalt  }
0x47: {  	_ =	shalt  }
0x48: {  	_ =	shalt  }
0x49: {  	_ =	shalt  }
0x4a: {  	_ =	shalt  }
0x4b: {  	_ =	shalt  }
0x4c: {  	_ =	shalt  }
0x4d: {  	_ =	shalt  }
0x4e: {  	_ =	shalt  }
0x4f: {  	_ =	shalt  }
0x50: {  	_ =	shalt  }
0x51: {  	_ =	shalt  }
0x52: {  	_ =	shalt  }
0x53: {  	_ =	shalt  }
0x54: {  	_ =	shalt  }
0x55: {  	_ =	shalt  }
0x56: {  	_ =	shalt  }
0x57: {  	_ =	shalt  }
0x58: {  	_ =	shalt  }
0x59: {  	_ =	shalt  }
0x5a: {  	_ =	shalt  }
0x5b: {  	_ =	shalt  }
0x5c: {  	_ =	shalt  }
0x5d: {  	_ =	shalt  }
0x5e: {  	_ =	shalt  }
0x5f: {  	_ =	shalt  }
0x60: {  	_ =	shalt  }
0x61: {  	_ =	shalt  }
0x62: {  	_ =	shalt  }
0x63: {  	_ =	shalt  }
0x64: {  	_ =	shalt  }
0x65: {  	_ =	shalt  }
0x66: {  	_ =	shalt  }
0x67: {  	_ =	shalt  }
0x68: {  	_ =	shalt  }
0x69: {  	_ =	shalt  }
0x6a: {  	_ =	shalt  }
0x6b: {  	_ =	shalt  }
0x6c: {  	_ =	shalt  }
0x6d: {  	_ =	shalt  }
0x6e: {  	_ =	shalt  }
0x6f: {  	_ =	shalt  }
0x70: {  	_ =	shalt  }
0x71: {  	_ =	shalt  }
0x72: {  	_ =	shalt  }
0x73: {  	_ =	shalt  }
0x74: {  	_ =	shalt  }
0x75: {  	_ =	shalt  }
0x76: {  	_ =	shalt  }
0x77: {  	_ =	shalt  }
0x78: {  	_ =	shalt  }
0x79: {  	_ =	shalt  }
0x7a: {  	_ =	shalt  }
0x7b: {  	_ =	shalt  }
0x7c: {  	_ =	shalt  }
0x7d: {  	_ =	shalt  }
0x7e: {  	_ =	shalt  }
0x7f: {  	_ =	shalt  }
0x80: {  	_ =	shalt  }
0x81: {  	_ =	shalt  }
0x82: {  	_ =	shalt  }
0x83: {  	_ =	shalt  }
0x84: {  	_ =	shalt  }
0x85: {  	_ =	shalt  }
0x86: {  	_ =	shalt  }
0x87: {  	_ =	shalt  }
.Lfunc_end0:
.L_simem_size_0:
called_computation.1_lowered:
.L_overlay_start_0:
0x88: {  	s2 =	sld [smem:$0x3FD9]  }
0x89: {  	s3 =	sld [smem:$0x3FFE];
	_ =	sdelay $0x1  }
0x8a: {  	s1 =	srdreg.scid  }
0x8b: {  	s0 =	sand.u32 $0x1, s1  }
0x8c: {  	s17 =	sshll.u32 s0, $0xA;
	s2 =	sadd.s32 s3, s2  }
0x8d: {  	s2 =	sadd.s32 s2, s17  }
0x8e: {  	[smem:$0x3FBE] =	sst s2  }
0x8f: {  	_ = 	snop  }
0x90: {  	s2 =	sld [smem:$0x3FD0];
	(tm) =	ssettm $0x1  }
0x91: {  	s18 =	sld [smem:$0x3FFB];
	_ =	sdelay $0x3  }
0x92: {  	_ =	strace s18  }
0x93: {  	s3 =	sld [smem:$0x3FFC];
	_ =	sdelay $0x3  }
0x94: {  	_ =	strace s3  }
0x95: {  	s3 =	sld [smem:$0x3FFD];
	_ =	sdelay $0x3  }
0x96: {  	_ =	strace s3  }
0x97: {  	_ =	strace $0x8FFFFFFF  }
0x98: {  	s19 =	sld [smem:$0x3FDB];
	_ =	sdelay $0x1  }
0x99: {  	s4 =	simm.s32 $_scs_section_size  }
0x9a: {  	s5 =	simm.s32 $_size__tile_overlayer_lowered;
	s6 =	simm.s32 $_tile_overlayer_lowered  }
0x9b: {  	s22 =	simm.s32 $0x1BFF;
	s21 =	sshll.u32 s6, $0x1;
	s3 =	sadd.s32 s4, s19  }
0x9c: {  	s7 =	simm.s32 $0x0;
	s20 =	sshll.u32 s5, $0x1;
	s5 =	sadd.s32 s21, s3  }
0x9d: {  	[timem:s7], [sflag:s22] =	dma.local [hbm:s5], s20  }
0x9e: {  	_ =	swait.ge [sflag:s22], s20  }
0x9f: {  	s4 =	ssub.s32 $0x0, s20;
	[sflag:s22] =	ssyncset.done $0x0  }
0xa0: {  	[sflag:s22] =	ssyncadd.s32 s4;
	_ =	sdelay $0x1  }
0xa1: {  	s23 =	simm.s32 $0x1B8B  }
0xa2: {  	_ =	swait.ge [sflag:s23], $0x1  }
0xa3: {  	[sflag:s23] =	ssyncset.done $0x0  }
0xa4: {  	s25 =	simm.s32 $0x1B8E;
	s24 =	sld [smem:$0x3FFE];
	[sflag:s23] =	ssyncadd.s32 $0xFFFFFFFF  }
0xa5: {  	s26 =	simm.s32 $execute0_lowered;
	[smem:$0x3FD2] =	sst s25  }
0xa6: {  	s5 =	sshll.u32 s26, $0x1;
	_ =	strace $0x80000049;
	[dreg:$0x1] =	wrdreg $0xFFFFFFFF  }
0xa7: {  	s28 =	simm.s32 $_size_execute0_lowered;
	s3 =	sadd.s32 s3, s5;
	[dreg:$0x0] =	wrdreg $0x0  }
0xa8: {  	s5 =	sshll.u32 s28, $0x1;
	[dreg:$0x2] =	wrdreg s3  }
0xa9: {  	[dreg:$0x3] =	wrdreg s5  }
0xaa: {  	[dreg:$0x4] =	wrdreg $0xC0  }
0xab: {  	_ =	task [dreg:s7], $0x5FFFF  }
0xac: {  	[dreg:$0x1] =	wrdreg $0xFFFFFFFF  }
0xad: {  	[dreg:$0x0] =	wrdreg $0x60  }
0xae: {  	[dreg:$0x2] =	wrdreg s24  }
0xaf: {  	[dreg:$0x3] =	wrdreg s2  }
0xb0: {  	[dreg:$0x4] =	wrdreg $0x0  }
0xb1: {  	[dreg:$0x5] =	wrdreg $0x9  }
0xb2: {  	_ =	task.clear_ibuf [dreg:s7], $0x6FFFF;
	_ =	strace $0x90000049  }
0xb3: {  	s29 =	simm.s32 $0x9;
	_ =	strace $0x8000004B  }
0xb4: {  	_ =	swait.ge [sflag:s29], $0x1  }
0xb5: {  	[sflag:s29] =	ssyncadd.s32 $0xFFFFFFFF  }
0xb6: {  	_ =	strace $0x9000004B  }
0xb7: {  	_ =	sfence  }
0xb8: {  	s30 =	sld [smem:$0x0];
	_ =	sdelay $0x2  }
0xb9: {  	s31 =	sshll.u32 s1, $0xD;
	s1 =	sshrl.u32 s1, $0x2  }
0xba: {  	s3 =	sand.u32 $0x4000, s31;
	s1 =	sadd.s32 s1, s30  }
0xbb: {  	s0 =	sor.u32 s3, s0;
	s1 =	sshll.u32 s1, $0x11  }
0xbc: {  	s0 =	sor.u32 s1, s0  }
0xbd: {  	s0 =	sadd.s32 $0x8F2B, s0  }
0xbe: {  	[sflag:s0] =	ssyncadd.remote.s32 $0x1  }
0xbf: {  	_ =	sfence.sel $0xFFFF  }
0xc0: {  	[dreg:$0x0] =	wrdreg $0xFFFFFFFF;
	(pc) =	sbr.abs _section_cstart, $3  }
0xc1: {  	[dreg:$0x1] =	wrdreg $0xFFFFFFFF  }
0xc2: {  	_ =	task.clear_ibuf [dreg:s7], $0x2FFFF;
	_ =	strace $0x9FFFFFFF  }
0xc3: {  	(tm) =	ssettm $0x7FFFFFFF  }
tec
execute0_lowered:
.L_overlay_start_1:
0x0: {  	(tag) =	ssettag $0x1  }
0x1: {  	s0 =	rddreg [dreg:$0x0]  }
0x2: {  	s1 =	rddreg [dreg:$0x1]  }
0x3: {  	s2 =	rddreg [dreg:$0x2];
	s4 =	simm.s32 $0x0;
	s3 =	srdreg.scid  }
0x4: {  	s18 =	simm.s32 $0x16000;
	s19 =	simm.s32 $0x4;
	s25 =	sand.u32 $0x1, s3  }
0x5: {  	s22 =	simm.s32 $0x80;
	s3 =	stileid.u32;
	s7 =	smul.u32 $0x140000, s25  }
0x6: {  	s23 =	simm.s32 $0x2;
	s24 =	simm.s32 $0x1A000;
	s8 =	smul.u32 $0x14000, s3  }
0x7: {  	[smem:$0x7FF] =	sst s4;
	s5 =	sadd.s32 $0xD000, s0;
	s9 =	smul.u32 $0x2800, s3  }
0x8: {  	s6 =	sadd.s32 $0x3000, s0;
	_ =	strace $0x8000004A;
	s10 =	smul.u32 $0x28000, s25  }
0x9: {  	s26 =	ssub.s32 $0x2, s25;
	s12 =	smul.u32 $0x50000, s3;
	p0 =	seq.s32 s25, $0x1  }
0xa: {  	s25 =	simm.s32 $0x0;
	s11 =	sshrl.u32 s26, $0x1;
	s7 =	sadd.s32 s8, s7  }
0xb: {  	s13 =	ssub.s32 s26, s11;
	s28 =	sshrl.u32 s12, $0x2;
	s30 =	sadd.s32 s5, s9  }
0xc: {  	s7 =	sshrl.u32 s7, $0x3;
	s8 =	sadd.s32 s28, s2;
	[dreg:$0x4] =	wrdreg s30  }
0xd: {  	s13 =	smax.u32 s13, $0x1;
	s0 =	sadd.s32 s7, s0;
	s7 =	sadd.s32 s9, s10  }
0xe: {  	s31 =	sadd.s32 $0x4000, s8;
	s15 =	sadd.s32 $0x8000, s8;
	s16 =	sadd.s32 $0xC000, s8  }
0xf: {  	s17 =	sadd.s32 $0x10000, s8;
	s29 =	sshrl.u32 s7, $0x3;
	s12 =	sadd.s32 $0x35000, s0  }
0x10: {  	v0 =	vimm.f32 $0.0e+00;
	[dreg:$0x5] =	wrdreg s31;
	s10 =	sadd.s32 s1, s29;
	s11 =	sadd.s32 s6, s29  }
.LBB2_1:
.Ltmp0:
0x11: {  	(pc) =	sbr.rel @!p0 .LBB2_2-.Ltmp0, $1  }
0x12: {  	_ =	sdelay $0x3  }
0x13: {  	s4 =	simm.s32 $0x0  }
0x14: {  	s0 =	sshra.s32 s4, $0x2;
	s26 =	sadd.s32 $0x200, s4  }
.LBB2_4:
0x15: {  	p1 =	seq.s32 s26, $0xFE00;
	[tilespmem:s0+$0x16070] =	vst v0  }
0x16: {  	[tilespmem:s0+$0x16000] =	vst v0  }
0x17: {  	[tilespmem:s0+$0x16010] =	vst v0  }
.Ltmp1:
0x18: {  	[tilespmem:s0+$0x16020] =	vst v0;
	(pc) =	sbr.rel @!p1 .LBB2_4-.Ltmp1, $4  }
0x19: {  	[tilespmem:s0+$0x16030] =	vst v0  }
0x1a: {  	[tilespmem:s0+$0x16040] =	vst v0  }
0x1b: {  	[tilespmem:s0+$0x16050] =	vst v0  }
0x1c: {  	[tilespmem:s0+$0x16060] =	vst v0;
	s0 =	sshra.s32 s26, $0x2;
	s26 =	sadd.s32 $0x200, s26  }
0x1d: {  	[tilespmem:s0+$0x16070] =	vst v0  }
0x1e: {  	[tilespmem:s0+$0x16000] =	vst v0  }
0x1f: {  	[tilespmem:s0+$0x16010] =	vst v0  }
0x20: {  	[tilespmem:s0+$0x16020] =	vst v0  }
0x21: {  	[tilespmem:s0+$0x16030] =	vst v0  }
0x22: {  	[tilespmem:s0+$0x16040] =	vst v0  }
0x23: {  	[tilespmem:s0+$0x16050] =	vst v0  }
0x24: {  	[tilespmem:s0+$0x16060] =	vst v0  }
0x25: {  	[spmem:s8] =	stream.linear.scatter [tilespmem:s18], [sflag:$0x4], $0x4000, $0x38;
	[tilespmem:$0x1E000] =	vst v63  }
0x26: {  	_ =	swait.ge [sflag:s19], $0x4000  }
0x27: {  	[sflag:s19] =	ssyncset.done $0x0  }
0x28: {  	s31 =	rddreg [dreg:$0x5];
	[sflag:s19] =	ssyncadd.s32 $0xFFFFC000  }
0x29: {  	[spmem:s31] =	stream.linear.scatter [tilespmem:s18], [sflag:$0x4], $0x4000, $0x38;
	[tilespmem:$0x1E000] =	vst v63  }
0x2a: {  	_ =	swait.ge [sflag:s19], $0x4000  }
0x2b: {  	[sflag:s19] =	ssyncset.done $0x0  }
0x2c: {  	[sflag:s19] =	ssyncadd.s32 $0xFFFFC000  }
0x2d: {  	[spmem:s15] =	stream.linear.scatter [tilespmem:s18], [sflag:$0x4], $0x4000, $0x38;
	[tilespmem:$0x1E000] =	vst v63  }
0x2e: {  	_ =	swait.ge [sflag:s19], $0x4000  }
0x2f: {  	[sflag:s19] =	ssyncset.done $0x0  }
0x30: {  	[sflag:s19] =	ssyncadd.s32 $0xFFFFC000  }
0x31: {  	[spmem:s16] =	stream.linear.scatter [tilespmem:s18], [sflag:$0x4], $0x4000, $0x38;
	[tilespmem:$0x1E000] =	vst v63  }
0x32: {  	_ =	swait.ge [sflag:s19], $0x4000  }
0x33: {  	[sflag:s19] =	ssyncset.done $0x0  }
.Ltmp2:
0x34: {  	[sflag:s19] =	ssyncadd.s32 $0xFFFFC000;
	(pc) =	sbr.rel .LBB2_6-.Ltmp2, $4  }
0x35: {  	[spmem:s17] =	stream.linear.scatter [tilespmem:s18], [sflag:$0x4], $0x4000, $0x38;
	[tilespmem:$0x1E000] =	vst v63  }
0x36: {  	_ =	swait.ge [sflag:s19], $0x4000  }
0x37: {  	[sflag:s19] =	ssyncset.done $0x0  }
0x38: {  	[sflag:s19] =	ssyncadd.s32 $0xFFFFC000  }
.LBB2_2:
0x39: {  	s0 =	sshll.u32 s3, $0x6  }
0x3a: {  	s4 =	sshrl.u32 s8, $0x3;
	s9 =	rddreg [dreg:$0x4];
	s0 =	sor.u32 $0x1C04, s0  }
0x3b: {  	[spmem:s4], [sflag:s0] =	dma.local [hbm:s9], $0x2800  }
0x3c: {  	_ =	swait.ge [sflag:s19], $0x2800  }
0x3d: {  	[sflag:s19] =	ssyncset.done $0x0  }
0x3e: {  	[sflag:s19] =	ssyncadd.s32 $0xFFFFD800  }
.LBB2_6:
0x3f: {  	s26 =	simm.s32 $0x0;
	s0 =	simm.s32 $0x14000  }
0x40: {  	[tilespmem:s0], [sflag:$0x4] =	stream.linear.gather [hbm4b:s10+s26], $0x800, $0x38;
	[tilespmem:$0x1E000] =	vst v63  }
0x41: {  	_ =	swait.ge [sflag:s19], $0x800  }
0x42: {  	[sflag:s19] =	ssyncset.done $0x0  }
0x43: {  	s31 =	simm.s32 $0x15000;
	[sflag:s19] =	ssyncadd.s32 $0xFFFFF800  }
0x44: {  	[tilespmem:s31], [sflag:$0x4] =	stream.linear.gather [hbm4b:s11+s26], $0x800, $0x38;
	[tilespmem:$0x1E000] =	vst v63  }
0x45: {  	_ =	swait.ge [sflag:s19], $0x800  }
0x46: {  	[sflag:s19] =	ssyncset.done $0x0  }
0x47: {  	[sflag:s19] =	ssyncadd.s32 $0xFFFFF800  }
0x48: {  	s28 =	simm.s32 $0x0;
	[bflag:$0x0] =	sbarrier.arrive $0xFFFF  }
.LBB2_7:
0x49: {  	s0 =	smov.u32 s28  }
0x4a: {  	s28 =	sadd.s32 $0x1, s28;
	p1 =	seq.s32 s0, $0x4  }
0x4b: {  	s4 =	sshll.u32 @!p1 s28, $0xB  }
0x4c: {  	s0 =	sshll.u32 @!p1 s0, $0xB;
	s4 =	sadd.s32 @!p1 s7, s4  }
0x4d: {  	s9 =	sand.u32 $0x1, s26;
	s29 =	sand.u32 @!p1 $0x800, s0;
	s0 =	sshrl.u32 @!p1 s4, $0x3  }
0x4e: {  	s31 =	simm.s32 @!p1 $0x0;
	s4 =	sxor.u32 @!p1 $0x14800, s29;
	s30 =	sadd.s32 @!p1 s1, s0  }
0x4f: {  	[tilespmem:s4], [sflag:$0x3] =	stream.linear.gather @!p1 [hbm4b:s30+s31], $0x800, $0x38;
	[tilespmem:$0x1E000] =	vst v63  }
0x50: {  	s0 =	sadd.s32 @!p1 s6, s0;
	s4 =	sxor.u32 @!p1 $0x15800, s29;
	s29 =	simm.s32 @p1 $0x0  }
0x51: {  	[tilespmem:s4], [sflag:$0x3] =	stream.linear.gather @!p1 [hbm4b:s0+s31], $0x800, $0x38;
	[tilespmem:$0x1E000] =	vst v63  }
0x52: {  	s14 =	sadd.s32 $0x1, s9;
	s30 =	sxor.u32 $0x1, s9;
	s4 =	sor.u32 $0x14000, s29  }
0x53: {  	[tilespmem:s18], [sflag:$0x1] =	stream.indirect.gather [hbm4b:s5+s22], $0x80, s4, s22, $0xb8;
	[tilespmem:$0x1E000] =	vst v63  }
0x54: {  	s20 =	sadd.s32 $0x1, s30;
	_ =	swait.ge [sflag:s14], $0x4000  }
0x55: {  	s0 =	sshll.u32 s9, $0xE;
	s9 =	sshll.u32 s30, $0xE;
	[sflag:s14] =	ssyncset.done $0x0  }
0x56: {  	s31 =	sadd.s32 $0x14080, s29;
	s9 =	sadd.s32 $0x16000, s9;
	[sflag:s14] =	ssyncadd.s32 $0xFFFFC000  }
0x57: {  	[tilespmem:s9], [sflag:s20] =	stream.indirect.gather [hbm4b:s5+s22], $0x80, s31, s22, $0xb8;
	[tilespmem:$0x1E000] =	vst v63  }
0x58: {  	s21 =	sor.u32 $0x15000, s29;
	s0 =	sadd.s32 $0x16000, s0  }
0x59: {  	[spmem:s2] =	stream.indirect.scatter.add.f32 [tilespmem:s0], [sflag:$0x4], $0x80, s21, s22, $0xb8;
	[tilespmem:$0x1E000] =	vst v63  }
0x5a: {  	s30 =	sadd.s32 $0x80, s21;
	s4 =	simm.s32 $0x2;
	_ =	swait.ge [sflag:s19], $0x4000  }
0x5b: {  	s31 =	sadd.s32 $0x80, s31;
	s0 =	simm.s32 $0x1;
	[sflag:s19] =	ssyncset.done $0x0  }
.LBB2_8:
0x5c: {  	s9 =	sand.u32 $0x1, s0  }
0x5d: {  	[sflag:s19] =	ssyncadd.s32 $0xFFFFC000;
	s0 =	smov.u32 s4;
	s20 =	sadd.s32 $0x1, s4  }
0x5e: {  	s21 =	sshll.u32 s9, $0xE;
	s14 =	sadd.s32 $0x1, s9;
	s9 =	sxor.u32 $0x1, s9  }
0x5f: {  	p2 =	sne.s32 s4, $0xE;
	_ =	swait.ge [sflag:s14], $0x4000;
	s4 =	sshll.u32 s9, $0xE  }
0x60: {  	[sflag:s14] =	ssyncset.done $0x0;
	s4 =	sadd.s32 $0x16000, s4  }
0x61: {  	s9 =	sadd.s32 $0x1, s9;
	[sflag:s14] =	ssyncadd.s32 $0xFFFFC000  }
0x62: {  	[tilespmem:s4], [sflag:s9] =	stream.indirect.gather [hbm4b:s5+s22], $0x80, s31, s22, $0xb8;
	[tilespmem:$0x1E000] =	vst v63  }
.Ltmp3:
0x63: {  	_ = 	snop;
	(pc) =	sbr.rel @p2 .LBB2_8-.Ltmp3, $4  }
0x64: {  	s4 =	sadd.s32 $0x16000, s21  }
0x65: {  	[spmem:s2] =	stream.indirect.scatter.add.f32 [tilespmem:s4], [sflag:$0x4], $0x80, s30, s22, $0xb8;
	[tilespmem:$0x1E000] =	vst v63  }
0x66: {  	s31 =	sadd.s32 $0x80, s31;
	_ =	swait.ge [sflag:s19], $0x4000  }
0x67: {  	s30 =	sadd.s32 $0x80, s30;
	s4 =	smov.u32 s20;
	[sflag:s19] =	ssyncset.done $0x0  }
0x68: {  	s0 =	sand.u32 $0x1, s0  }
0x69: {  	[sflag:s19] =	ssyncadd.s32 $0xFFFFC000;
	s4 =	sadd.s32 $0x1, s0  }
0x6a: {  	s9 =	sxor.u32 $0x1, s0;
	_ =	swait.ge [sflag:s4], $0x4000  }
0x6b: {  	s0 =	sshll.u32 s0, $0xE;
	s14 =	sshll.u32 s9, $0xE;
	[sflag:s4] =	ssyncset.done $0x0  }
0x6c: {  	s21 =	sadd.s32 $0x1, s9;
	s14 =	sadd.s32 $0x16000, s14;
	[sflag:s4] =	ssyncadd.s32 $0xFFFFC000  }
0x6d: {  	[tilespmem:s14], [sflag:s21] =	stream.indirect.gather [hbm4b:s5+s22], $0x80, s31, s22, $0xb8;
	[tilespmem:$0x1E000] =	vst v63  }
0x6e: {  	s0 =	sadd.s32 $0x16000, s0  }
0x6f: {  	[spmem:s2] =	stream.indirect.scatter.add.f32 [tilespmem:s0], [sflag:$0x4], $0x80, s30, s22, $0xb8;
	[tilespmem:$0x1E000] =	vst v63  }
0x70: {  	_ =	swait.ge [sflag:s19], $0x4000  }
0x71: {  	[sflag:s19] =	ssyncset.done $0x0  }
0x72: {  	[sflag:s19] =	ssyncadd.s32 $0xFFFFC000  }
0x73: {  	_ =	swait.ge [sflag:s23], $0x4000  }
0x74: {  	[sflag:s23] =	ssyncset.done $0x0  }
0x75: {  	s31 =	sadd.s32 $0x15780, s29;
	[sflag:s23] =	ssyncadd.s32 $0xFFFFC000  }
0x76: {  	[spmem:s2] =	stream.indirect.scatter.add.f32 [tilespmem:s24], [sflag:$0x4], $0x80, s31, s22, $0xb8;
	[tilespmem:$0x1E000] =	vst v63  }
0x77: {  	_ =	swait.ge [sflag:s19], $0x4000  }
0x78: {  	[sflag:s19] =	ssyncset.done $0x0  }
0x79: {  	p2 =	sne.s32 @!p1 s28, $0x5;
	s0 =	simm.s32 @!p1 $0x3;
	[sflag:s19] =	ssyncadd.s32 $0xFFFFC000  }
0x7a: {  	p2 =	por p1, !p2;
	_ =	swait.ge @!p1 [sflag:s0], $0x800  }
.Ltmp4:
0x7b: {  	[sflag:s0] =	ssyncset.done @!p1 $0x0;
	(pc) =	sbr.rel @!p2 .LBB2_7-.Ltmp4, $4  }
0x7c: {  	[sflag:s0] =	ssyncadd.s32 @!p1 $0xFFFFF800  }
0x7d: {  	_ =	swait.ge @!p1 [sflag:s0], $0x800  }
0x7e: {  	[sflag:s0] =	ssyncset.done @!p1 $0x0  }
0x7f: {  	[sflag:s0] =	ssyncadd.s32 @!p1 $0xFFFFF800  }
0x80: {  	s25 =	sadd.s32 $0x1, s25  }
0x81: {  	s0 =	sshll.u32 s3, $0x6;
	[bflag:$0x0] =	sbarrier.arrive $0xFFFF;
	p1 =	sne.s32 s25, s13  }
.Ltmp5:
0x82: {  	s4 =	sshrl.u32 s8, $0x3;
	s0 =	sor.u32 $0x1C04, s0;
	(pc) =	sbr.rel @p1 .LBB2_1-.Ltmp5, $4  }
0x83: {  	[hbm:s12], [sflag:s0] =	dma.local [spmem:s4], $0x2800  }
0x84: {  	_ =	swait.ge [sflag:s19], $0x2800  }
0x85: {  	[sflag:s19] =	ssyncset.done $0x0  }
0x86: {  	[sflag:s19] =	ssyncadd.s32 $0xFFFFD800  }
0x87: {  	_ =	sfence.sel $0x180000  }
0x88: {  	[bflag:$0x0] =	sbarrier.arrive $0xFFFF  }
0x89: {  	_ =	strace $0x9000004A  }
0x8a: {  	[bflag:$0x2] =	sbarrier.arrive $0xFFFF  }
0x8b: {  	p0 =	sne.s32 s3, $0x0;
	s0 =	rddreg [dreg:$0x3]  }
0x8c: {  	s0 =	sadd.s32 @!p0 $0x100000, s0  }
0x8d: {  	[sflag:s0] =	ssyncadd.tile.s32 @!p0 $0x1;
	_ =	shalt  }
.Lfunc_end2:
_tile_overlayer_lowered:
.L_overlay_start_2:
0x8e: {  	(tag) =	ssettag $0x2  }
0x8f: {  	s0 =	rddreg [dreg:$0x0];
	s2 =	stileid.u32  }
0x90: {  	s1 =	rddreg [dreg:$0x1];
	p0 =	sne.s32 s2, $0x0  }
0x91: {  	s3 =	rddreg [dreg:$0x2];
	[bflag:$0x3] =	sbarrier.arrive $0xFFFF;
	s2 =	simm.s32 @!p0 $0x1C04  }
0x92: {  	[timem:s3], [sflag:s2] =	dma.local @!p0 [hbm:s0], s1  }
0x93: {  	s0 =	simm.s32 @!p0 $0x4  }
0x94: {  	_ =	swait.ge @!p0 [sflag:s0], s1  }
0x95: {  	s1 =	ssub.s32 @!p0 $0x0, s1;
	[sflag:s0] =	ssyncset.done @!p0 $0x0  }
0x96: {  	[sflag:s0] =	ssyncadd.s32 @!p0 s1  }
0x97: {  	[bflag:$0x3] =	sbarrier.arrive $0xFFFF  }
0x98: {  	_ =	shalt  }

// kernel: kernel.16.cloned.1.call-start
scs
__scs_entry_jumppad:
0x0: {  	(pc) =	sbr.rel $0x88, $3  }
0x1: {  	(tag) =	ssettag $0x0;
	lr =	simm.s32 $0x1  }
0x2: {  	[smem:$0x3F97] =	sst lr;
	_ =	strace $0xD0000000  }
0x3: {  	_ = 	snop  }
0x4: {  	_ = 	snop  }
0x5: {  	_ = 	snop  }
0x6: {  	_ = 	snop  }
0x7: {  	_ = 	snop  }
__scs_overlays_trampoline_lowered:
0x8: {  	[smem:$0x3FA6] =	sst s0  }
0x9: {  	[smem:$0x3FA7] =	sst s1  }
0xa: {  	[smem:$0x3FA8] =	sst s2  }
0xb: {  	[smem:$0x3FA9] =	sst s3  }
0xc: {  	[smem:$0x3FAA] =	sst s4  }
0xd: {  	[smem:$0x3FAB] =	sst s5  }
0xe: {  	[smem:$0x3FAC] =	sst s6  }
0xf: {  	[smem:$0x3FAD] =	sst s7  }
0x10: {  	[smem:$0x3FAE] =	sst s8  }
0x11: {  	[smem:$0x3FAF] =	sst s9;
	s0 =	simm.s32 @!p0 $0x0  }
0x12: {  	s1 =	sld [smem:$0x3F95];
	s0 =	simm.s32 @p0 $0x1  }
0x13: {  	[smem:$0x3FB0] =	sst s0;
	s0 =	simm.s32 @!p1 $0x0  }
0x14: {  	s2 =	sld [smem:$0x3F94];
	s0 =	simm.s32 @p1 $0x1  }
0x15: {  	[smem:$0x3FB1] =	sst s0;
	s0 =	simm.s32 @!p2 $0x0  }
0x16: {  	s3 =	sld [smem:$0x3FDB];
	s0 =	simm.s32 @p2 $0x1  }
0x17: {  	s4 =	simm.s32 $0x1BF5;
	[smem:$0x3FB3] =	sst s0  }
0x18: {  	s0 =	sld [smem:$0x3F96];
	_ =	swait.ge [sflag:s4], $0x0  }
0x19: {  	s7 =	sld [smem:$0x3F97]  }
0x1a: {  	s8 =	sadd.s32 $0xFFFFE003, lr  }
0x1b: {  	s9 =	sadd.s32 $0xFFFFFEF7, lr;
	s5 =	simm.s32 $0xFFFFFFFF;
	p2 =	slt.u32 s8, $0xFFFFF086  }
0x1c: {  	p1 =	slt.u32 s9, $0xF7A;
	s5 =	simm.s32 @!p2 $0x0  }
0x1d: {  	s5 =	simm.s32 @p1 $0x1;
	p0 =	seq.s32 s7, s2  }
0x1e: {  	s7 =	smul.u32 @!p0 $0xF7A, s2;
	p2 =	seq.s32 @!p0 s5, $0x0  }
0x1f: {  	s9 =	smul.u32 $0xF7A, s1;
	s8 =	simm.s32 @!p0 $0x1BF5;
	p2 =	por !p2, p0  }
0x20: {  	[sflag:s8] =	ssyncset.s32 @!p0 $0xFFFFF086;
	s6 =	sadd.s32 @!p0 s3, s7;
	s7 =	simm.s32 @!p0 $0x108  }
0x21: {  	s3 =	sadd.s32 s3, s9;
	s6 =	sadd.s32 @!p0 $0x88, s6;
	s7 =	simm.s32 @p2 $0x1082  }
0x22: {  	[simem:s7], [sflag:s8] =	dma.local @!p0 [hbm:s6], $0xF7A  }
0x23: {  	s9 =	sor.u32 $0xD0000000, s2;
	s6 =	simm.s32 $0x108;
	_ =	swait.ge @!p0 [sflag:s8], $0x0  }
0x24: {  	s3 =	sadd.s32 $0x88, s3;
	s6 =	simm.s32 @!p1 $0x1082;
	[sflag:s4] =	ssyncset.s32 $0xFFFFF086  }
0x25: {  	[simem:s6], [sflag:s4] =	dma.local [hbm:s3], $0xF7A  }
0x26: {  	[smem:$0x3F97] =	sst s1;
	(tag) =	ssettag s2;
	_ =	strace s9  }
0x27: {  	s1 =	sld [smem:$0x3FA7]  }
0x28: {  	s2 =	sld [smem:$0x3FA8]  }
0x29: {  	s4 =	sld [smem:$0x3FAA]  }
0x2a: {  	p0 =	seq.s32 s5, $0x0;
	s5 =	sld [smem:$0x3FAB]  }
0x2b: {  	s6 =	sld [smem:$0x3FAC]  }
0x2c: {  	s7 =	sld [smem:$0x3FAD]  }
0x2d: {  	s3 =	simm.s32 $0x108;
	s8 =	sld [smem:$0x3FAE]  }
0x2e: {  	s3 =	simm.s32 @!p0 $0x1082;
	s9 =	sld [smem:$0x3FAF]  }
0x2f: {  	lr =	sadd.s32 s0, s3;
	s0 =	sld [smem:$0x3FA6]  }
0x30: {  	s3 =	sld [smem:$0x3FA9]  }
0x31: {  	[smem:$0x3FB2] =	sst s10  }
0x32: {  	s10 =	sld [smem:$0x3FB0];
	_ =	sdelay $0x3  }
0x33: {  	p0 =	seq.s32 s10, $0x1;
	s10 =	sld [smem:$0x3FB2];
	_ =	sdelay $0x3  }
0x34: {  	[smem:$0x3FB2] =	sst s10  }
0x35: {  	s10 =	sld [smem:$0x3FB1];
	_ =	sdelay $0x3  }
0x36: {  	p1 =	seq.s32 s10, $0x1;
	s10 =	sld [smem:$0x3FB2];
	_ =	sdelay $0x3  }
0x37: {  	[smem:$0x3FB2] =	sst s10  }
0x38: {  	s10 =	sld [smem:$0x3FB3]  }
0x39: {  	_ = 	snop;
	(pc) =	sbr.ind lr, $3  }
0x3a: {  	_ = 	snop  }
0x3b: {  	_ = 	snop  }
0x3c: {  	p2 =	seq.s32 s10, $0x1;
	s10 =	sld [smem:$0x3FB2]  }
0x3d: {  	_ =	shalt  }
0x3e: {  	_ =	shalt  }
0x3f: {  	_ =	shalt  }
0x40: {  	_ =	shalt  }
0x41: {  	_ =	shalt  }
0x42: {  	_ =	shalt  }
0x43: {  	_ =	shalt  }
0x44: {  	_ =	shalt  }
0x45: {  	_ =	shalt  }
0x46: {  	_ =	shalt  }
0x47: {  	_ =	shalt  }
0x48: {  	_ =	shalt  }
0x49: {  	_ =	shalt  }
0x4a: {  	_ =	shalt  }
0x4b: {  	_ =	shalt  }
0x4c: {  	_ =	shalt  }
0x4d: {  	_ =	shalt  }
0x4e: {  	_ =	shalt  }
0x4f: {  	_ =	shalt  }
0x50: {  	_ =	shalt  }
0x51: {  	_ =	shalt  }
0x52: {  	_ =	shalt  }
0x53: {  	_ =	shalt  }
0x54: {  	_ =	shalt  }
0x55: {  	_ =	shalt  }
0x56: {  	_ =	shalt  }
0x57: {  	_ =	shalt  }
0x58: {  	_ =	shalt  }
0x59: {  	_ =	shalt  }
0x5a: {  	_ =	shalt  }
0x5b: {  	_ =	shalt  }
0x5c: {  	_ =	shalt  }
0x5d: {  	_ =	shalt  }
0x5e: {  	_ =	shalt  }
0x5f: {  	_ =	shalt  }
0x60: {  	_ =	shalt  }
0x61: {  	_ =	shalt  }
0x62: {  	_ =	shalt  }
0x63: {  	_ =	shalt  }
0x64: {  	_ =	shalt  }
0x65: {  	_ =	shalt  }
0x66: {  	_ =	shalt  }
0x67: {  	_ =	shalt  }
0x68: {  	_ =	shalt  }
0x69: {  	_ =	shalt  }
0x6a: {  	_ =	shalt  }
0x6b: {  	_ =	shalt  }
0x6c: {  	_ =	shalt  }
0x6d: {  	_ =	shalt  }
0x6e: {  	_ =	shalt  }
0x6f: {  	_ =	shalt  }
0x70: {  	_ =	shalt  }
0x71: {  	_ =	shalt  }
0x72: {  	_ =	shalt  }
0x73: {  	_ =	shalt  }
0x74: {  	_ =	shalt  }
0x75: {  	_ =	shalt  }
0x76: {  	_ =	shalt  }
0x77: {  	_ =	shalt  }
0x78: {  	_ =	shalt  }
0x79: {  	_ =	shalt  }
0x7a: {  	_ =	shalt  }
0x7b: {  	_ =	shalt  }
0x7c: {  	_ =	shalt  }
0x7d: {  	_ =	shalt  }
0x7e: {  	_ =	shalt  }
0x7f: {  	_ =	shalt  }
0x80: {  	_ =	shalt  }
0x81: {  	_ =	shalt  }
0x82: {  	_ =	shalt  }
0x83: {  	_ =	shalt  }
0x84: {  	_ =	shalt  }
0x85: {  	_ =	shalt  }
0x86: {  	_ =	shalt  }
0x87: {  	_ =	shalt  }
.Lfunc_end0:
.L_simem_size_0:
called_computation.2_lowered:
.L_overlay_start_0:
0x88: {  	s2 =	sld [smem:$0x3FD9]  }
0x89: {  	s3 =	sld [smem:$0x3FFE];
	_ =	sdelay $0x1  }
0x8a: {  	s1 =	srdreg.scid  }
0x8b: {  	s0 =	sand.u32 $0x1, s1  }
0x8c: {  	s17 =	sshll.u32 s0, $0xA;
	s2 =	sadd.s32 s3, s2  }
0x8d: {  	s2 =	sadd.s32 s2, s17  }
0x8e: {  	[smem:$0x3FBE] =	sst s2  }
0x8f: {  	_ = 	snop  }
0x90: {  	s2 =	sld [smem:$0x3FD0];
	(tm) =	ssettm $0x1  }
0x91: {  	s18 =	sld [smem:$0x3FFB];
	_ =	sdelay $0x3  }
0x92: {  	_ =	strace s18  }
0x93: {  	s3 =	sld [smem:$0x3FFC];
	_ =	sdelay $0x3  }
0x94: {  	_ =	strace s3  }
0x95: {  	s3 =	sld [smem:$0x3FFD];
	_ =	sdelay $0x3  }
0x96: {  	_ =	strace s3  }
0x97: {  	_ =	strace $0x8FFFFFFF  }
0x98: {  	s19 =	sld [smem:$0x3FDB];
	_ =	sdelay $0x1  }
0x99: {  	s4 =	simm.s32 $_scs_section_size  }
0x9a: {  	s5 =	simm.s32 $_size__tile_overlayer_lowered;
	s6 =	simm.s32 $_tile_overlayer_lowered  }
0x9b: {  	s22 =	simm.s32 $0x1BFF;
	s21 =	sshll.u32 s6, $0x1;
	s3 =	sadd.s32 s4, s19  }
0x9c: {  	s7 =	simm.s32 $0x0;
	s20 =	sshll.u32 s5, $0x1;
	s5 =	sadd.s32 s21, s3  }
0x9d: {  	[timem:s7], [sflag:s22] =	dma.local [hbm:s5], s20  }
0x9e: {  	_ =	swait.ge [sflag:s22], s20  }
0x9f: {  	s4 =	ssub.s32 $0x0, s20;
	[sflag:s22] =	ssyncset.done $0x0  }
0xa0: {  	[sflag:s22] =	ssyncadd.s32 s4;
	_ =	sdelay $0x1  }
0xa1: {  	s23 =	simm.s32 $0x1B8B  }
0xa2: {  	_ =	swait.ge [sflag:s23], $0x1  }
0xa3: {  	[sflag:s23] =	ssyncset.done $0x0  }
0xa4: {  	s25 =	simm.s32 $0x1B8E;
	s24 =	sld [smem:$0x3FFE];
	[sflag:s23] =	ssyncadd.s32 $0xFFFFFFFF  }
0xa5: {  	s26 =	simm.s32 $execute0_lowered;
	[smem:$0x3FD2] =	sst s25  }
0xa6: {  	s5 =	sshll.u32 s26, $0x1;
	_ =	strace $0x8000004C;
	[dreg:$0x1] =	wrdreg $0xFFFFFFFF  }
0xa7: {  	s28 =	simm.s32 $_size_execute0_lowered;
	s3 =	sadd.s32 s3, s5;
	[dreg:$0x0] =	wrdreg $0x0  }
0xa8: {  	s5 =	sshll.u32 s28, $0x1;
	[dreg:$0x2] =	wrdreg s3  }
0xa9: {  	[dreg:$0x3] =	wrdreg s5  }
0xaa: {  	[dreg:$0x4] =	wrdreg $0xC0  }
0xab: {  	_ =	task [dreg:s7], $0x5FFFF  }
0xac: {  	[dreg:$0x1] =	wrdreg $0xFFFFFFFF  }
0xad: {  	[dreg:$0x0] =	wrdreg $0x60  }
0xae: {  	[dreg:$0x2] =	wrdreg s24  }
0xaf: {  	[dreg:$0x3] =	wrdreg s2  }
0xb0: {  	[dreg:$0x4] =	wrdreg $0x0  }
0xb1: {  	[dreg:$0x5] =	wrdreg $0x9  }
0xb2: {  	_ =	task.clear_ibuf [dreg:s7], $0x6FFFF;
	_ =	strace $0x9000004C  }
0xb3: {  	s29 =	simm.s32 $0x9;
	_ =	strace $0x8000004E  }
0xb4: {  	_ =	swait.ge [sflag:s29], $0x1  }
0xb5: {  	[sflag:s29] =	ssyncadd.s32 $0xFFFFFFFF  }
0xb6: {  	_ =	strace $0x9000004E  }
0xb7: {  	_ =	sfence  }
0xb8: {  	s30 =	sld [smem:$0x0];
	_ =	sdelay $0x2  }
0xb9: {  	s31 =	sshll.u32 s1, $0xD;
	s1 =	sshrl.u32 s1, $0x2  }
0xba: {  	s3 =	sand.u32 $0x4000, s31;
	s1 =	sadd.s32 s1, s30  }
0xbb: {  	s0 =	sor.u32 s3, s0;
	s1 =	sshll.u32 s1, $0x11  }
0xbc: {  	s0 =	sor.u32 s1, s0  }
0xbd: {  	s0 =	sadd.s32 $0x8F2B, s0  }
0xbe: {  	[sflag:s0] =	ssyncadd.remote.s32 $0x1  }
0xbf: {  	_ =	sfence.sel $0xFFFF  }
0xc0: {  	[dreg:$0x0] =	wrdreg $0xFFFFFFFF;
	(pc) =	sbr.abs _section_cstart, $3  }
0xc1: {  	[dreg:$0x1] =	wrdreg $0xFFFFFFFF  }
0xc2: {  	_ =	task.clear_ibuf [dreg:s7], $0x2FFFF;
	_ =	strace $0x9FFFFFFF  }
0xc3: {  	(tm) =	ssettm $0x7FFFFFFF  }
tec
execute0_lowered:
.L_overlay_start_1:
0x0: {  	(tag) =	ssettag $0x1  }
0x1: {  	s0 =	rddreg [dreg:$0x0]  }
0x2: {  	s1 =	rddreg [dreg:$0x1]  }
0x3: {  	s2 =	rddreg [dreg:$0x2];
	s4 =	simm.s32 $0x0;
	s3 =	srdreg.scid  }
0x4: {  	s18 =	simm.s32 $0x16000;
	s19 =	simm.s32 $0x4;
	s25 =	sand.u32 $0x1, s3  }
0x5: {  	s22 =	simm.s32 $0x80;
	s3 =	stileid.u32;
	s7 =	smul.u32 $0x140000, s25  }
0x6: {  	s23 =	simm.s32 $0x2;
	s24 =	simm.s32 $0x1A000;
	s8 =	smul.u32 $0x14000, s3  }
0x7: {  	[smem:$0x7FF] =	sst s4;
	s5 =	sadd.s32 $0xD000, s0;
	s9 =	smul.u32 $0x2800, s3  }
0x8: {  	s6 =	sadd.s32 $0x3000, s0;
	_ =	strace $0x8000004D;
	s10 =	smul.u32 $0x28000, s25  }
0x9: {  	s26 =	ssub.s32 $0x2, s25;
	s12 =	smul.u32 $0x50000, s3;
	p0 =	seq.s32 s25, $0x1  }
0xa: {  	s25 =	simm.s32 $0x0;
	s11 =	sshrl.u32 s26, $0x1;
	s7 =	sadd.s32 s8, s7  }
0xb: {  	s13 =	ssub.s32 s26, s11;
	s28 =	sshrl.u32 s12, $0x2;
	s30 =	sadd.s32 s5, s9  }
0xc: {  	s7 =	sshrl.u32 s7, $0x3;
	s8 =	sadd.s32 s28, s2;
	[dreg:$0x4] =	wrdreg s30  }
0xd: {  	s13 =	smax.u32 s13, $0x1;
	s0 =	sadd.s32 s7, s0;
	s7 =	sadd.s32 s9, s10  }
0xe: {  	s31 =	sadd.s32 $0x4000, s8;
	s15 =	sadd.s32 $0x8000, s8;
	s16 =	sadd.s32 $0xC000, s8  }
0xf: {  	s17 =	sadd.s32 $0x10000, s8;
	s29 =	sshrl.u32 s7, $0x3;
	s12 =	sadd.s32 $0x35000, s0  }
0x10: {  	v0 =	vimm.f32 $0.0e+00;
	[dreg:$0x5] =	wrdreg s31;
	s10 =	sadd.s32 s1, s29;
	s11 =	sadd.s32 s6, s29  }
.LBB2_1:
.Ltmp0:
0x11: {  	(pc) =	sbr.rel @!p0 .LBB2_2-.Ltmp0, $1  }
0x12: {  	_ =	sdelay $0x3  }
0x13: {  	s4 =	simm.s32 $0x0  }
0x14: {  	s0 =	sshra.s32 s4, $0x2;
	s26 =	sadd.s32 $0x200, s4  }
.LBB2_4:
0x15: {  	p1 =	seq.s32 s26, $0xFE00;
	[tilespmem:s0+$0x16070] =	vst v0  }
0x16: {  	[tilespmem:s0+$0x16000] =	vst v0  }
0x17: {  	[tilespmem:s0+$0x16010] =	vst v0  }
.Ltmp1:
0x18: {  	[tilespmem:s0+$0x16020] =	vst v0;
	(pc) =	sbr.rel @!p1 .LBB2_4-.Ltmp1, $4  }
0x19: {  	[tilespmem:s0+$0x16030] =	vst v0  }
0x1a: {  	[tilespmem:s0+$0x16040] =	vst v0  }
0x1b: {  	[tilespmem:s0+$0x16050] =	vst v0  }
0x1c: {  	[tilespmem:s0+$0x16060] =	vst v0;
	s0 =	sshra.s32 s26, $0x2;
	s26 =	sadd.s32 $0x200, s26  }
0x1d: {  	[tilespmem:s0+$0x16070] =	vst v0  }
0x1e: {  	[tilespmem:s0+$0x16000] =	vst v0  }
0x1f: {  	[tilespmem:s0+$0x16010] =	vst v0  }
0x20: {  	[tilespmem:s0+$0x16020] =	vst v0  }
0x21: {  	[tilespmem:s0+$0x16030] =	vst v0  }
0x22: {  	[tilespmem:s0+$0x16040] =	vst v0  }
0x23: {  	[tilespmem:s0+$0x16050] =	vst v0  }
0x24: {  	[tilespmem:s0+$0x16060] =	vst v0  }
0x25: {  	[spmem:s8] =	stream.linear.scatter [tilespmem:s18], [sflag:$0x4], $0x4000, $0x38;
	[tilespmem:$0x1E000] =	vst v63  }
0x26: {  	_ =	swait.ge [sflag:s19], $0x4000  }
0x27: {  	[sflag:s19] =	ssyncset.done $0x0  }
0x28: {  	s31 =	rddreg [dreg:$0x5];
	[sflag:s19] =	ssyncadd.s32 $0xFFFFC000  }
0x29: {  	[spmem:s31] =	stream.linear.scatter [tilespmem:s18], [sflag:$0x4], $0x4000, $0x38;
	[tilespmem:$0x1E000] =	vst v63  }
0x2a: {  	_ =	swait.ge [sflag:s19], $0x4000  }
0x2b: {  	[sflag:s19] =	ssyncset.done $0x0  }
0x2c: {  	[sflag:s19] =	ssyncadd.s32 $0xFFFFC000  }
0x2d: {  	[spmem:s15] =	stream.linear.scatter [tilespmem:s18], [sflag:$0x4], $0x4000, $0x38;
	[tilespmem:$0x1E000] =	vst v63  }
0x2e: {  	_ =	swait.ge [sflag:s19], $0x4000  }
0x2f: {  	[sflag:s19] =	ssyncset.done $0x0  }
0x30: {  	[sflag:s19] =	ssyncadd.s32 $0xFFFFC000  }
0x31: {  	[spmem:s16] =	stream.linear.scatter [tilespmem:s18], [sflag:$0x4], $0x4000, $0x38;
	[tilespmem:$0x1E000] =	vst v63  }
0x32: {  	_ =	swait.ge [sflag:s19], $0x4000  }
0x33: {  	[sflag:s19] =	ssyncset.done $0x0  }
.Ltmp2:
0x34: {  	[sflag:s19] =	ssyncadd.s32 $0xFFFFC000;
	(pc) =	sbr.rel .LBB2_6-.Ltmp2, $4  }
0x35: {  	[spmem:s17] =	stream.linear.scatter [tilespmem:s18], [sflag:$0x4], $0x4000, $0x38;
	[tilespmem:$0x1E000] =	vst v63  }
0x36: {  	_ =	swait.ge [sflag:s19], $0x4000  }
0x37: {  	[sflag:s19] =	ssyncset.done $0x0  }
0x38: {  	[sflag:s19] =	ssyncadd.s32 $0xFFFFC000  }
.LBB2_2:
0x39: {  	s0 =	sshll.u32 s3, $0x6  }
0x3a: {  	s4 =	sshrl.u32 s8, $0x3;
	s9 =	rddreg [dreg:$0x4];
	s0 =	sor.u32 $0x1C04, s0  }
0x3b: {  	[spmem:s4], [sflag:s0] =	dma.local [hbm:s9], $0x2800  }
0x3c: {  	_ =	swait.ge [sflag:s19], $0x2800  }
0x3d: {  	[sflag:s19] =	ssyncset.done $0x0  }
0x3e: {  	[sflag:s19] =	ssyncadd.s32 $0xFFFFD800  }
.LBB2_6:
0x3f: {  	s26 =	simm.s32 $0x0;
	s0 =	simm.s32 $0x14000  }
0x40: {  	[tilespmem:s0], [sflag:$0x4] =	stream.linear.gather [hbm4b:s10+s26], $0x800, $0x38;
	[tilespmem:$0x1E000] =	vst v63  }
0x41: {  	_ =	swait.ge [sflag:s19], $0x800  }
0x42: {  	[sflag:s19] =	ssyncset.done $0x0  }
0x43: {  	s31 =	simm.s32 $0x15000;
	[sflag:s19] =	ssyncadd.s32 $0xFFFFF800  }
0x44: {  	[tilespmem:s31], [sflag:$0x4] =	stream.linear.gather [hbm4b:s11+s26], $0x800, $0x38;
	[tilespmem:$0x1E000] =	vst v63  }
0x45: {  	_ =	swait.ge [sflag:s19], $0x800  }
0x46: {  	[sflag:s19] =	ssyncset.done $0x0  }
0x47: {  	[sflag:s19] =	ssyncadd.s32 $0xFFFFF800  }
0x48: {  	s28 =	simm.s32 $0x0;
	[bflag:$0x0] =	sbarrier.arrive $0xFFFF  }
.LBB2_7:
0x49: {  	s0 =	smov.u32 s28  }
0x4a: {  	s28 =	sadd.s32 $0x1, s28;
	p1 =	seq.s32 s0, $0x4  }
0x4b: {  	s4 =	sshll.u32 @!p1 s28, $0xB  }
0x4c: {  	s0 =	sshll.u32 @!p1 s0, $0xB;
	s4 =	sadd.s32 @!p1 s7, s4  }
0x4d: {  	s9 =	sand.u32 $0x1, s26;
	s29 =	sand.u32 @!p1 $0x800, s0;
	s0 =	sshrl.u32 @!p1 s4, $0x3  }
0x4e: {  	s31 =	simm.s32 @!p1 $0x0;
	s4 =	sxor.u32 @!p1 $0x14800, s29;
	s30 =	sadd.s32 @!p1 s1, s0  }
0x4f: {  	[tilespmem:s4], [sflag:$0x3] =	stream.linear.gather @!p1 [hbm4b:s30+s31], $0x800, $0x38;
	[tilespmem:$0x1E000] =	vst v63  }
0x50: {  	s0 =	sadd.s32 @!p1 s6, s0;
	s4 =	sxor.u32 @!p1 $0x15800, s29;
	s29 =	simm.s32 @p1 $0x0  }
0x51: {  	[tilespmem:s4], [sflag:$0x3] =	stream.linear.gather @!p1 [hbm4b:s0+s31], $0x800, $0x38;
	[tilespmem:$0x1E000] =	vst v63  }
0x52: {  	s14 =	sadd.s32 $0x1, s9;
	s30 =	sxor.u32 $0x1, s9;
	s4 =	sor.u32 $0x14000, s29  }
0x53: {  	[tilespmem:s18], [sflag:$0x1] =	stream.indirect.gather [hbm4b:s5+s22], $0x80, s4, s22, $0xb8;
	[tilespmem:$0x1E000] =	vst v63  }
0x54: {  	s20 =	sadd.s32 $0x1, s30;
	_ =	swait.ge [sflag:s14], $0x4000  }
0x55: {  	s0 =	sshll.u32 s9, $0xE;
	s9 =	sshll.u32 s30, $0xE;
	[sflag:s14] =	ssyncset.done $0x0  }
0x56: {  	s31 =	sadd.s32 $0x14080, s29;
	s9 =	sadd.s32 $0x16000, s9;
	[sflag:s14] =	ssyncadd.s32 $0xFFFFC000  }
0x57: {  	[tilespmem:s9], [sflag:s20] =	stream.indirect.gather [hbm4b:s5+s22], $0x80, s31, s22, $0xb8;
	[tilespmem:$0x1E000] =	vst v63  }
0x58: {  	s21 =	sor.u32 $0x15000, s29;
	s0 =	sadd.s32 $0x16000, s0  }
0x59: {  	[spmem:s2] =	stream.indirect.scatter.add.f32 [tilespmem:s0], [sflag:$0x4], $0x80, s21, s22, $0xb8;
	[tilespmem:$0x1E000] =	vst v63  }
0x5a: {  	s30 =	sadd.s32 $0x80, s21;
	s4 =	simm.s32 $0x2;
	_ =	swait.ge [sflag:s19], $0x4000  }
0x5b: {  	s31 =	sadd.s32 $0x80, s31;
	s0 =	simm.s32 $0x1;
	[sflag:s19] =	ssyncset.done $0x0  }
.LBB2_8:
0x5c: {  	s9 =	sand.u32 $0x1, s0  }
0x5d: {  	[sflag:s19] =	ssyncadd.s32 $0xFFFFC000;
	s0 =	smov.u32 s4;
	s20 =	sadd.s32 $0x1, s4  }
0x5e: {  	s21 =	sshll.u32 s9, $0xE;
	s14 =	sadd.s32 $0x1, s9;
	s9 =	sxor.u32 $0x1, s9  }
0x5f: {  	p2 =	sne.s32 s4, $0xE;
	_ =	swait.ge [sflag:s14], $0x4000;
	s4 =	sshll.u32 s9, $0xE  }
0x60: {  	[sflag:s14] =	ssyncset.done $0x0;
	s4 =	sadd.s32 $0x16000, s4  }
0x61: {  	s9 =	sadd.s32 $0x1, s9;
	[sflag:s14] =	ssyncadd.s32 $0xFFFFC000  }
0x62: {  	[tilespmem:s4], [sflag:s9] =	stream.indirect.gather [hbm4b:s5+s22], $0x80, s31, s22, $0xb8;
	[tilespmem:$0x1E000] =	vst v63  }
.Ltmp3:
0x63: {  	_ = 	snop;
	(pc) =	sbr.rel @p2 .LBB2_8-.Ltmp3, $4  }
0x64: {  	s4 =	sadd.s32 $0x16000, s21  }
0x65: {  	[spmem:s2] =	stream.indirect.scatter.add.f32 [tilespmem:s4], [sflag:$0x4], $0x80, s30, s22, $0xb8;
	[tilespmem:$0x1E000] =	vst v63  }
0x66: {  	s31 =	sadd.s32 $0x80, s31;
	_ =	swait.ge [sflag:s19], $0x4000  }
0x67: {  	s30 =	sadd.s32 $0x80, s30;
	s4 =	smov.u32 s20;
	[sflag:s19] =	ssyncset.done $0x0  }
0x68: {  	s0 =	sand.u32 $0x1, s0  }
0x69: {  	[sflag:s19] =	ssyncadd.s32 $0xFFFFC000;
	s4 =	sadd.s32 $0x1, s0  }
0x6a: {  	s9 =	sxor.u32 $0x1, s0;
	_ =	swait.ge [sflag:s4], $0x4000  }
0x6b: {  	s0 =	sshll.u32 s0, $0xE;
	s14 =	sshll.u32 s9, $0xE;
	[sflag:s4] =	ssyncset.done $0x0  }
0x6c: {  	s21 =	sadd.s32 $0x1, s9;
	s14 =	sadd.s32 $0x16000, s14;
	[sflag:s4] =	ssyncadd.s32 $0xFFFFC000  }
0x6d: {  	[tilespmem:s14], [sflag:s21] =	stream.indirect.gather [hbm4b:s5+s22], $0x80, s31, s22, $0xb8;
	[tilespmem:$0x1E000] =	vst v63  }
0x6e: {  	s0 =	sadd.s32 $0x16000, s0  }
0x6f: {  	[spmem:s2] =	stream.indirect.scatter.add.f32 [tilespmem:s0], [sflag:$0x4], $0x80, s30, s22, $0xb8;
	[tilespmem:$0x1E000] =	vst v63  }
0x70: {  	_ =	swait.ge [sflag:s19], $0x4000  }
0x71: {  	[sflag:s19] =	ssyncset.done $0x0  }
0x72: {  	[sflag:s19] =	ssyncadd.s32 $0xFFFFC000  }
0x73: {  	_ =	swait.ge [sflag:s23], $0x4000  }
0x74: {  	[sflag:s23] =	ssyncset.done $0x0  }
0x75: {  	s31 =	sadd.s32 $0x15780, s29;
	[sflag:s23] =	ssyncadd.s32 $0xFFFFC000  }
0x76: {  	[spmem:s2] =	stream.indirect.scatter.add.f32 [tilespmem:s24], [sflag:$0x4], $0x80, s31, s22, $0xb8;
	[tilespmem:$0x1E000] =	vst v63  }
0x77: {  	_ =	swait.ge [sflag:s19], $0x4000  }
0x78: {  	[sflag:s19] =	ssyncset.done $0x0  }
0x79: {  	p2 =	sne.s32 @!p1 s28, $0x5;
	s0 =	simm.s32 @!p1 $0x3;
	[sflag:s19] =	ssyncadd.s32 $0xFFFFC000  }
0x7a: {  	p2 =	por p1, !p2;
	_ =	swait.ge @!p1 [sflag:s0], $0x800  }
.Ltmp4:
0x7b: {  	[sflag:s0] =	ssyncset.done @!p1 $0x0;
	(pc) =	sbr.rel @!p2 .LBB2_7-.Ltmp4, $4  }
0x7c: {  	[sflag:s0] =	ssyncadd.s32 @!p1 $0xFFFFF800  }
0x7d: {  	_ =	swait.ge @!p1 [sflag:s0], $0x800  }
0x7e: {  	[sflag:s0] =	ssyncset.done @!p1 $0x0  }
0x7f: {  	[sflag:s0] =	ssyncadd.s32 @!p1 $0xFFFFF800  }
0x80: {  	s25 =	sadd.s32 $0x1, s25  }
0x81: {  	s0 =	sshll.u32 s3, $0x6;
	[bflag:$0x0] =	sbarrier.arrive $0xFFFF;
	p1 =	sne.s32 s25, s13  }
.Ltmp5:
0x82: {  	s4 =	sshrl.u32 s8, $0x3;
	s0 =	sor.u32 $0x1C04, s0;
	(pc) =	sbr.rel @p1 .LBB2_1-.Ltmp5, $4  }
0x83: {  	[hbm:s12], [sflag:s0] =	dma.local [spmem:s4], $0x2800  }
0x84: {  	_ =	swait.ge [sflag:s19], $0x2800  }
0x85: {  	[sflag:s19] =	ssyncset.done $0x0  }
0x86: {  	[sflag:s19] =	ssyncadd.s32 $0xFFFFD800  }
0x87: {  	_ =	sfence.sel $0x180000  }
0x88: {  	[bflag:$0x0] =	sbarrier.arrive $0xFFFF  }
0x89: {  	_ =	strace $0x9000004D  }
0x8a: {  	[bflag:$0x2] =	sbarrier.arrive $0xFFFF  }
0x8b: {  	p0 =	sne.s32 s3, $0x0;
	s0 =	rddreg [dreg:$0x3]  }
0x8c: {  	s0 =	sadd.s32 @!p0 $0x100000, s0  }
0x8d: {  	[sflag:s0] =	ssyncadd.tile.s32 @!p0 $0x1;
	_ =	shalt  }
.Lfunc_end2:
_tile_overlayer_lowered:
.L_overlay_start_2:
0x8e: {  	(tag) =	ssettag $0x2  }
0x8f: {  	s0 =	rddreg [dreg:$0x0];
	s2 =	stileid.u32  }
0x90: {  	s1 =	rddreg [dreg:$0x1];
	p0 =	sne.s32 s2, $0x0  }
0x91: {  	s3 =	rddreg [dreg:$0x2];
	[bflag:$0x3] =	sbarrier.arrive $0xFFFF;
	s2 =	simm.s32 @!p0 $0x1C04  }
0x92: {  	[timem:s3], [sflag:s2] =	dma.local @!p0 [hbm:s0], s1  }
0x93: {  	s0 =	simm.s32 @!p0 $0x4  }
0x94: {  	_ =	swait.ge @!p0 [sflag:s0], s1  }
0x95: {  	s1 =	ssub.s32 @!p0 $0x0, s1;
	[sflag:s0] =	ssyncset.done @!p0 $0x0  }
0x96: {  	[sflag:s0] =	ssyncadd.s32 @!p0 s1  }
0x97: {  	[bflag:$0x3] =	sbarrier.arrive $0xFFFF  }
0x98: {  	_ =	shalt  }

// kernel: kernel.19.cloned.1.call-start
scs
__scs_entry_jumppad:
0x0: {  	(pc) =	sbr.rel $0x88, $3  }
0x1: {  	(tag) =	ssettag $0x0;
	lr =	simm.s32 $0x1  }
0x2: {  	[smem:$0x3F97] =	sst lr;
	_ =	strace $0xD0000000  }
0x3: {  	_ = 	snop  }
0x4: {  	_ = 	snop  }
0x5: {  	_ = 	snop  }
0x6: {  	_ = 	snop  }
0x7: {  	_ = 	snop  }
__scs_overlays_trampoline_lowered:
0x8: {  	[smem:$0x3FA6] =	sst s0  }
0x9: {  	[smem:$0x3FA7] =	sst s1  }
0xa: {  	[smem:$0x3FA8] =	sst s2  }
0xb: {  	[smem:$0x3FA9] =	sst s3  }
0xc: {  	[smem:$0x3FAA] =	sst s4  }
0xd: {  	[smem:$0x3FAB] =	sst s5  }
0xe: {  	[smem:$0x3FAC] =	sst s6  }
0xf: {  	[smem:$0x3FAD] =	sst s7  }
0x10: {  	[smem:$0x3FAE] =	sst s8  }
0x11: {  	[smem:$0x3FAF] =	sst s9;
	s0 =	simm.s32 @!p0 $0x0  }
0x12: {  	s1 =	sld [smem:$0x3F95];
	s0 =	simm.s32 @p0 $0x1  }
0x13: {  	[smem:$0x3FB0] =	sst s0;
	s0 =	simm.s32 @!p1 $0x0  }
0x14: {  	s2 =	sld [smem:$0x3F94];
	s0 =	simm.s32 @p1 $0x1  }
0x15: {  	[smem:$0x3FB1] =	sst s0;
	s0 =	simm.s32 @!p2 $0x0  }
0x16: {  	s3 =	sld [smem:$0x3FDB];
	s0 =	simm.s32 @p2 $0x1  }
0x17: {  	s4 =	simm.s32 $0x1BF5;
	[smem:$0x3FB3] =	sst s0  }
0x18: {  	s0 =	sld [smem:$0x3F96];
	_ =	swait.ge [sflag:s4], $0x0  }
0x19: {  	s7 =	sld [smem:$0x3F97]  }
0x1a: {  	s8 =	sadd.s32 $0xFFFFE003, lr  }
0x1b: {  	s9 =	sadd.s32 $0xFFFFFEF7, lr;
	s5 =	simm.s32 $0xFFFFFFFF;
	p2 =	slt.u32 s8, $0xFFFFF086  }
0x1c: {  	p1 =	slt.u32 s9, $0xF7A;
	s5 =	simm.s32 @!p2 $0x0  }
0x1d: {  	s5 =	simm.s32 @p1 $0x1;
	p0 =	seq.s32 s7, s2  }
0x1e: {  	s7 =	smul.u32 @!p0 $0xF7A, s2;
	p2 =	seq.s32 @!p0 s5, $0x0  }
0x1f: {  	s9 =	smul.u32 $0xF7A, s1;
	s8 =	simm.s32 @!p0 $0x1BF5;
	p2 =	por !p2, p0  }
0x20: {  	[sflag:s8] =	ssyncset.s32 @!p0 $0xFFFFF086;
	s6 =	sadd.s32 @!p0 s3, s7;
	s7 =	simm.s32 @!p0 $0x108  }
0x21: {  	s3 =	sadd.s32 s3, s9;
	s6 =	sadd.s32 @!p0 $0x88, s6;
	s7 =	simm.s32 @p2 $0x1082  }
0x22: {  	[simem:s7], [sflag:s8] =	dma.local @!p0 [hbm:s6], $0xF7A  }
0x23: {  	s9 =	sor.u32 $0xD0000000, s2;
	s6 =	simm.s32 $0x108;
	_ =	swait.ge @!p0 [sflag:s8], $0x0  }
0x24: {  	s3 =	sadd.s32 $0x88, s3;
	s6 =	simm.s32 @!p1 $0x1082;
	[sflag:s4] =	ssyncset.s32 $0xFFFFF086  }
0x25: {  	[simem:s6], [sflag:s4] =	dma.local [hbm:s3], $0xF7A  }
0x26: {  	[smem:$0x3F97] =	sst s1;
	(tag) =	ssettag s2;
	_ =	strace s9  }
0x27: {  	s1 =	sld [smem:$0x3FA7]  }
0x28: {  	s2 =	sld [smem:$0x3FA8]  }
0x29: {  	s4 =	sld [smem:$0x3FAA]  }
0x2a: {  	p0 =	seq.s32 s5, $0x0;
	s5 =	sld [smem:$0x3FAB]  }
0x2b: {  	s6 =	sld [smem:$0x3FAC]  }
0x2c: {  	s7 =	sld [smem:$0x3FAD]  }
0x2d: {  	s3 =	simm.s32 $0x108;
	s8 =	sld [smem:$0x3FAE]  }
0x2e: {  	s3 =	simm.s32 @!p0 $0x1082;
	s9 =	sld [smem:$0x3FAF]  }
0x2f: {  	lr =	sadd.s32 s0, s3;
	s0 =	sld [smem:$0x3FA6]  }
0x30: {  	s3 =	sld [smem:$0x3FA9]  }
0x31: {  	[smem:$0x3FB2] =	sst s10  }
0x32: {  	s10 =	sld [smem:$0x3FB0];
	_ =	sdelay $0x3  }
0x33: {  	p0 =	seq.s32 s10, $0x1;
	s10 =	sld [smem:$0x3FB2];
	_ =	sdelay $0x3  }
0x34: {  	[smem:$0x3FB2] =	sst s10  }
0x35: {  	s10 =	sld [smem:$0x3FB1];
	_ =	sdelay $0x3  }
0x36: {  	p1 =	seq.s32 s10, $0x1;
	s10 =	sld [smem:$0x3FB2];
	_ =	sdelay $0x3  }
0x37: {  	[smem:$0x3FB2] =	sst s10  }
0x38: {  	s10 =	sld [smem:$0x3FB3]  }
0x39: {  	_ = 	snop;
	(pc) =	sbr.ind lr, $3  }
0x3a: {  	_ = 	snop  }
0x3b: {  	_ = 	snop  }
0x3c: {  	p2 =	seq.s32 s10, $0x1;
	s10 =	sld [smem:$0x3FB2]  }
0x3d: {  	_ =	shalt  }
0x3e: {  	_ =	shalt  }
0x3f: {  	_ =	shalt  }
0x40: {  	_ =	shalt  }
0x41: {  	_ =	shalt  }
0x42: {  	_ =	shalt  }
0x43: {  	_ =	shalt  }
0x44: {  	_ =	shalt  }
0x45: {  	_ =	shalt  }
0x46: {  	_ =	shalt  }
0x47: {  	_ =	shalt  }
0x48: {  	_ =	shalt  }
0x49: {  	_ =	shalt  }
0x4a: {  	_ =	shalt  }
0x4b: {  	_ =	shalt  }
0x4c: {  	_ =	shalt  }
0x4d: {  	_ =	shalt  }
0x4e: {  	_ =	shalt  }
0x4f: {  	_ =	shalt  }
0x50: {  	_ =	shalt  }
0x51: {  	_ =	shalt  }
0x52: {  	_ =	shalt  }
0x53: {  	_ =	shalt  }
0x54: {  	_ =	shalt  }
0x55: {  	_ =	shalt  }
0x56: {  	_ =	shalt  }
0x57: {  	_ =	shalt  }
0x58: {  	_ =	shalt  }
0x59: {  	_ =	shalt  }
0x5a: {  	_ =	shalt  }
0x5b: {  	_ =	shalt  }
0x5c: {  	_ =	shalt  }
0x5d: {  	_ =	shalt  }
0x5e: {  	_ =	shalt  }
0x5f: {  	_ =	shalt  }
0x60: {  	_ =	shalt  }
0x61: {  	_ =	shalt  }
0x62: {  	_ =	shalt  }
0x63: {  	_ =	shalt  }
0x64: {  	_ =	shalt  }
0x65: {  	_ =	shalt  }
0x66: {  	_ =	shalt  }
0x67: {  	_ =	shalt  }
0x68: {  	_ =	shalt  }
0x69: {  	_ =	shalt  }
0x6a: {  	_ =	shalt  }
0x6b: {  	_ =	shalt  }
0x6c: {  	_ =	shalt  }
0x6d: {  	_ =	shalt  }
0x6e: {  	_ =	shalt  }
0x6f: {  	_ =	shalt  }
0x70: {  	_ =	shalt  }
0x71: {  	_ =	shalt  }
0x72: {  	_ =	shalt  }
0x73: {  	_ =	shalt  }
0x74: {  	_ =	shalt  }
0x75: {  	_ =	shalt  }
0x76: {  	_ =	shalt  }
0x77: {  	_ =	shalt  }
0x78: {  	_ =	shalt  }
0x79: {  	_ =	shalt  }
0x7a: {  	_ =	shalt  }
0x7b: {  	_ =	shalt  }
0x7c: {  	_ =	shalt  }
0x7d: {  	_ =	shalt  }
0x7e: {  	_ =	shalt  }
0x7f: {  	_ =	shalt  }
0x80: {  	_ =	shalt  }
0x81: {  	_ =	shalt  }
0x82: {  	_ =	shalt  }
0x83: {  	_ =	shalt  }
0x84: {  	_ =	shalt  }
0x85: {  	_ =	shalt  }
0x86: {  	_ =	shalt  }
0x87: {  	_ =	shalt  }
.Lfunc_end0:
.L_simem_size_0:
called_computation.3_lowered:
.L_overlay_start_0:
0x88: {  	s2 =	sld [smem:$0x3FD9]  }
0x89: {  	s3 =	sld [smem:$0x3FFE];
	_ =	sdelay $0x1  }
0x8a: {  	s1 =	srdreg.scid  }
0x8b: {  	s0 =	sand.u32 $0x1, s1  }
0x8c: {  	s17 =	sshll.u32 s0, $0xA;
	s2 =	sadd.s32 s3, s2  }
0x8d: {  	s2 =	sadd.s32 s2, s17  }
0x8e: {  	[smem:$0x3FBE] =	sst s2  }
0x8f: {  	_ = 	snop  }
0x90: {  	s2 =	sld [smem:$0x3FD0];
	(tm) =	ssettm $0x1  }
0x91: {  	s18 =	sld [smem:$0x3FFB];
	_ =	sdelay $0x3  }
0x92: {  	_ =	strace s18  }
0x93: {  	s3 =	sld [smem:$0x3FFC];
	_ =	sdelay $0x3  }
0x94: {  	_ =	strace s3  }
0x95: {  	s3 =	sld [smem:$0x3FFD];
	_ =	sdelay $0x3  }
0x96: {  	_ =	strace s3  }
0x97: {  	_ =	strace $0x8FFFFFFF  }
0x98: {  	s19 =	sld [smem:$0x3FDB];
	_ =	sdelay $0x1  }
0x99: {  	s4 =	simm.s32 $_scs_section_size  }
0x9a: {  	s5 =	simm.s32 $_size__tile_overlayer_lowered;
	s6 =	simm.s32 $_tile_overlayer_lowered  }
0x9b: {  	s22 =	simm.s32 $0x1BFF;
	s21 =	sshll.u32 s6, $0x1;
	s3 =	sadd.s32 s4, s19  }
0x9c: {  	s7 =	simm.s32 $0x0;
	s20 =	sshll.u32 s5, $0x1;
	s5 =	sadd.s32 s21, s3  }
0x9d: {  	[timem:s7], [sflag:s22] =	dma.local [hbm:s5], s20  }
0x9e: {  	_ =	swait.ge [sflag:s22], s20  }
0x9f: {  	s4 =	ssub.s32 $0x0, s20;
	[sflag:s22] =	ssyncset.done $0x0  }
0xa0: {  	[sflag:s22] =	ssyncadd.s32 s4;
	_ =	sdelay $0x1  }
0xa1: {  	s23 =	simm.s32 $0x1B8B  }
0xa2: {  	_ =	swait.ge [sflag:s23], $0x1  }
0xa3: {  	[sflag:s23] =	ssyncset.done $0x0  }
0xa4: {  	s25 =	simm.s32 $0x1B8E;
	s24 =	sld [smem:$0x3FFE];
	[sflag:s23] =	ssyncadd.s32 $0xFFFFFFFF  }
0xa5: {  	s26 =	simm.s32 $execute0_lowered;
	[smem:$0x3FD2] =	sst s25  }
0xa6: {  	s5 =	sshll.u32 s26, $0x1;
	_ =	strace $0x8000004F;
	[dreg:$0x1] =	wrdreg $0xFFFFFFFF  }
0xa7: {  	s28 =	simm.s32 $_size_execute0_lowered;
	s3 =	sadd.s32 s3, s5;
	[dreg:$0x0] =	wrdreg $0x0  }
0xa8: {  	s5 =	sshll.u32 s28, $0x1;
	[dreg:$0x2] =	wrdreg s3  }
0xa9: {  	[dreg:$0x3] =	wrdreg s5  }
0xaa: {  	[dreg:$0x4] =	wrdreg $0xC0  }
0xab: {  	_ =	task [dreg:s7], $0x5FFFF  }
0xac: {  	[dreg:$0x1] =	wrdreg $0xFFFFFFFF  }
0xad: {  	[dreg:$0x0] =	wrdreg $0x60  }
0xae: {  	[dreg:$0x2] =	wrdreg s24  }
0xaf: {  	[dreg:$0x3] =	wrdreg s2  }
0xb0: {  	[dreg:$0x4] =	wrdreg $0x0  }
0xb1: {  	[dreg:$0x5] =	wrdreg $0x9  }
0xb2: {  	_ =	task.clear_ibuf [dreg:s7], $0x6FFFF;
	_ =	strace $0x9000004F  }
0xb3: {  	s29 =	simm.s32 $0x9;
	_ =	strace $0x80000051  }
0xb4: {  	_ =	swait.ge [sflag:s29], $0x1  }
0xb5: {  	[sflag:s29] =	ssyncadd.s32 $0xFFFFFFFF  }
0xb6: {  	_ =	strace $0x90000051  }
0xb7: {  	_ =	sfence  }
0xb8: {  	s30 =	sld [smem:$0x0];
	_ =	sdelay $0x2  }
0xb9: {  	s31 =	sshll.u32 s1, $0xD;
	s1 =	sshrl.u32 s1, $0x2  }
0xba: {  	s3 =	sand.u32 $0x4000, s31;
	s1 =	sadd.s32 s1, s30  }
0xbb: {  	s0 =	sor.u32 s3, s0;
	s1 =	sshll.u32 s1, $0x11  }
0xbc: {  	s0 =	sor.u32 s1, s0  }
0xbd: {  	s0 =	sadd.s32 $0x8F2B, s0  }
0xbe: {  	[sflag:s0] =	ssyncadd.remote.s32 $0x1  }
0xbf: {  	_ =	sfence.sel $0xFFFF  }
0xc0: {  	[dreg:$0x0] =	wrdreg $0xFFFFFFFF;
	(pc) =	sbr.abs _section_cstart, $3  }
0xc1: {  	[dreg:$0x1] =	wrdreg $0xFFFFFFFF  }
0xc2: {  	_ =	task.clear_ibuf [dreg:s7], $0x2FFFF;
	_ =	strace $0x9FFFFFFF  }
0xc3: {  	(tm) =	ssettm $0x7FFFFFFF  }
tec
execute0_lowered:
.L_overlay_start_1:
0x0: {  	(tag) =	ssettag $0x1  }
0x1: {  	s0 =	rddreg [dreg:$0x0]  }
0x2: {  	s1 =	rddreg [dreg:$0x1]  }
0x3: {  	s2 =	rddreg [dreg:$0x2];
	s4 =	simm.s32 $0x0;
	s3 =	srdreg.scid  }
0x4: {  	s18 =	simm.s32 $0x16000;
	s19 =	simm.s32 $0x4;
	s25 =	sand.u32 $0x1, s3  }
0x5: {  	s22 =	simm.s32 $0x80;
	s3 =	stileid.u32;
	s7 =	smul.u32 $0x140000, s25  }
0x6: {  	s23 =	simm.s32 $0x2;
	s24 =	simm.s32 $0x1A000;
	s8 =	smul.u32 $0x14000, s3  }
0x7: {  	[smem:$0x7FF] =	sst s4;
	s5 =	sadd.s32 $0xD000, s0;
	s9 =	smul.u32 $0x2800, s3  }
0x8: {  	s6 =	sadd.s32 $0x3000, s0;
	_ =	strace $0x80000050;
	s10 =	smul.u32 $0x28000, s25  }
0x9: {  	s26 =	ssub.s32 $0x2, s25;
	s12 =	smul.u32 $0x50000, s3;
	p0 =	seq.s32 s25, $0x1  }
0xa: {  	s25 =	simm.s32 $0x0;
	s11 =	sshrl.u32 s26, $0x1;
	s7 =	sadd.s32 s8, s7  }
0xb: {  	s13 =	ssub.s32 s26, s11;
	s28 =	sshrl.u32 s12, $0x2;
	s30 =	sadd.s32 s5, s9  }
0xc: {  	s7 =	sshrl.u32 s7, $0x3;
	s8 =	sadd.s32 s28, s2;
	[dreg:$0x4] =	wrdreg s30  }
0xd: {  	s13 =	smax.u32 s13, $0x1;
	s0 =	sadd.s32 s7, s0;
	s7 =	sadd.s32 s9, s10  }
0xe: {  	s31 =	sadd.s32 $0x4000, s8;
	s15 =	sadd.s32 $0x8000, s8;
	s16 =	sadd.s32 $0xC000, s8  }
0xf: {  	s17 =	sadd.s32 $0x10000, s8;
	s29 =	sshrl.u32 s7, $0x3;
	s12 =	sadd.s32 $0x35000, s0  }
0x10: {  	v0 =	vimm.f32 $0.0e+00;
	[dreg:$0x5] =	wrdreg s31;
	s10 =	sadd.s32 s1, s29;
	s11 =	sadd.s32 s6, s29  }
.LBB2_1:
.Ltmp0:
0x11: {  	(pc) =	sbr.rel @!p0 .LBB2_2-.Ltmp0, $1  }
0x12: {  	_ =	sdelay $0x3  }
0x13: {  	s4 =	simm.s32 $0x0  }
0x14: {  	s0 =	sshra.s32 s4, $0x2;
	s26 =	sadd.s32 $0x200, s4  }
.LBB2_4:
0x15: {  	p1 =	seq.s32 s26, $0xFE00;
	[tilespmem:s0+$0x16070] =	vst v0  }
0x16: {  	[tilespmem:s0+$0x16000] =	vst v0  }
0x17: {  	[tilespmem:s0+$0x16010] =	vst v0  }
.Ltmp1:
0x18: {  	[tilespmem:s0+$0x16020] =	vst v0;
	(pc) =	sbr.rel @!p1 .LBB2_4-.Ltmp1, $4  }
0x19: {  	[tilespmem:s0+$0x16030] =	vst v0  }
0x1a: {  	[tilespmem:s0+$0x16040] =	vst v0  }
0x1b: {  	[tilespmem:s0+$0x16050] =	vst v0  }
0x1c: {  	[tilespmem:s0+$0x16060] =	vst v0;
	s0 =	sshra.s32 s26, $0x2;
	s26 =	sadd.s32 $0x200, s26  }
0x1d: {  	[tilespmem:s0+$0x16070] =	vst v0  }
0x1e: {  	[tilespmem:s0+$0x16000] =	vst v0  }
0x1f: {  	[tilespmem:s0+$0x16010] =	vst v0  }
0x20: {  	[tilespmem:s0+$0x16020] =	vst v0  }
0x21: {  	[tilespmem:s0+$0x16030] =	vst v0  }
0x22: {  	[tilespmem:s0+$0x16040] =	vst v0  }
0x23: {  	[tilespmem:s0+$0x16050] =	vst v0  }
0x24: {  	[tilespmem:s0+$0x16060] =	vst v0  }
0x25: {  	[spmem:s8] =	stream.linear.scatter [tilespmem:s18], [sflag:$0x4], $0x4000, $0x38;
	[tilespmem:$0x1E000] =	vst v63  }
0x26: {  	_ =	swait.ge [sflag:s19], $0x4000  }
0x27: {  	[sflag:s19] =	ssyncset.done $0x0  }
0x28: {  	s31 =	rddreg [dreg:$0x5];
	[sflag:s19] =	ssyncadd.s32 $0xFFFFC000  }
0x29: {  	[spmem:s31] =	stream.linear.scatter [tilespmem:s18], [sflag:$0x4], $0x4000, $0x38;
	[tilespmem:$0x1E000] =	vst v63  }
0x2a: {  	_ =	swait.ge [sflag:s19], $0x4000  }
0x2b: {  	[sflag:s19] =	ssyncset.done $0x0  }
0x2c: {  	[sflag:s19] =	ssyncadd.s32 $0xFFFFC000  }
0x2d: {  	[spmem:s15] =	stream.linear.scatter [tilespmem:s18], [sflag:$0x4], $0x4000, $0x38;
	[tilespmem:$0x1E000] =	vst v63  }
0x2e: {  	_ =	swait.ge [sflag:s19], $0x4000  }
0x2f: {  	[sflag:s19] =	ssyncset.done $0x0  }
0x30: {  	[sflag:s19] =	ssyncadd.s32 $0xFFFFC000  }
0x31: {  	[spmem:s16] =	stream.linear.scatter [tilespmem:s18], [sflag:$0x4], $0x4000, $0x38;
	[tilespmem:$0x1E000] =	vst v63  }
0x32: {  	_ =	swait.ge [sflag:s19], $0x4000  }
0x33: {  	[sflag:s19] =	ssyncset.done $0x0  }
.Ltmp2:
0x34: {  	[sflag:s19] =	ssyncadd.s32 $0xFFFFC000;
	(pc) =	sbr.rel .LBB2_6-.Ltmp2, $4  }
0x35: {  	[spmem:s17] =	stream.linear.scatter [tilespmem:s18], [sflag:$0x4], $0x4000, $0x38;
	[tilespmem:$0x1E000] =	vst v63  }
0x36: {  	_ =	swait.ge [sflag:s19], $0x4000  }
0x37: {  	[sflag:s19] =	ssyncset.done $0x0  }
0x38: {  	[sflag:s19] =	ssyncadd.s32 $0xFFFFC000  }
.LBB2_2:
0x39: {  	s0 =	sshll.u32 s3, $0x6  }
0x3a: {  	s4 =	sshrl.u32 s8, $0x3;
	s9 =	rddreg [dreg:$0x4];
	s0 =	sor.u32 $0x1C04, s0  }
0x3b: {  	[spmem:s4], [sflag:s0] =	dma.local [hbm:s9], $0x2800  }
0x3c: {  	_ =	swait.ge [sflag:s19], $0x2800  }
0x3d: {  	[sflag:s19] =	ssyncset.done $0x0  }
0x3e: {  	[sflag:s19] =	ssyncadd.s32 $0xFFFFD800  }
.LBB2_6:
0x3f: {  	s26 =	simm.s32 $0x0;
	s0 =	simm.s32 $0x14000  }
0x40: {  	[tilespmem:s0], [sflag:$0x4] =	stream.linear.gather [hbm4b:s10+s26], $0x800, $0x38;
	[tilespmem:$0x1E000] =	vst v63  }
0x41: {  	_ =	swait.ge [sflag:s19], $0x800  }
0x42: {  	[sflag:s19] =	ssyncset.done $0x0  }
0x43: {  	s31 =	simm.s32 $0x15000;
	[sflag:s19] =	ssyncadd.s32 $0xFFFFF800  }
0x44: {  	[tilespmem:s31], [sflag:$0x4] =	stream.linear.gather [hbm4b:s11+s26], $0x800, $0x38;
	[tilespmem:$0x1E000] =	vst v63  }
0x45: {  	_ =	swait.ge [sflag:s19], $0x800  }
0x46: {  	[sflag:s19] =	ssyncset.done $0x0  }
0x47: {  	[sflag:s19] =	ssyncadd.s32 $0xFFFFF800  }
0x48: {  	s28 =	simm.s32 $0x0;
	[bflag:$0x0] =	sbarrier.arrive $0xFFFF  }
.LBB2_7:
0x49: {  	s0 =	smov.u32 s28  }
0x4a: {  	s28 =	sadd.s32 $0x1, s28;
	p1 =	seq.s32 s0, $0x4  }
0x4b: {  	s4 =	sshll.u32 @!p1 s28, $0xB  }
0x4c: {  	s0 =	sshll.u32 @!p1 s0, $0xB;
	s4 =	sadd.s32 @!p1 s7, s4  }
0x4d: {  	s9 =	sand.u32 $0x1, s26;
	s29 =	sand.u32 @!p1 $0x800, s0;
	s0 =	sshrl.u32 @!p1 s4, $0x3  }
0x4e: {  	s31 =	simm.s32 @!p1 $0x0;
	s4 =	sxor.u32 @!p1 $0x14800, s29;
	s30 =	sadd.s32 @!p1 s1, s0  }
0x4f: {  	[tilespmem:s4], [sflag:$0x3] =	stream.linear.gather @!p1 [hbm4b:s30+s31], $0x800, $0x38;
	[tilespmem:$0x1E000] =	vst v63  }
0x50: {  	s0 =	sadd.s32 @!p1 s6, s0;
	s4 =	sxor.u32 @!p1 $0x15800, s29;
	s29 =	simm.s32 @p1 $0x0  }
0x51: {  	[tilespmem:s4], [sflag:$0x3] =	stream.linear.gather @!p1 [hbm4b:s0+s31], $0x800, $0x38;
	[tilespmem:$0x1E000] =	vst v63  }
0x52: {  	s14 =	sadd.s32 $0x1, s9;
	s30 =	sxor.u32 $0x1, s9;
	s4 =	sor.u32 $0x14000, s29  }
0x53: {  	[tilespmem:s18], [sflag:$0x1] =	stream.indirect.gather [hbm4b:s5+s22], $0x80, s4, s22, $0xb8;
	[tilespmem:$0x1E000] =	vst v63  }
0x54: {  	s20 =	sadd.s32 $0x1, s30;
	_ =	swait.ge [sflag:s14], $0x4000  }
0x55: {  	s0 =	sshll.u32 s9, $0xE;
	s9 =	sshll.u32 s30, $0xE;
	[sflag:s14] =	ssyncset.done $0x0  }
0x56: {  	s31 =	sadd.s32 $0x14080, s29;
	s9 =	sadd.s32 $0x16000, s9;
	[sflag:s14] =	ssyncadd.s32 $0xFFFFC000  }
0x57: {  	[tilespmem:s9], [sflag:s20] =	stream.indirect.gather [hbm4b:s5+s22], $0x80, s31, s22, $0xb8;
	[tilespmem:$0x1E000] =	vst v63  }
0x58: {  	s21 =	sor.u32 $0x15000, s29;
	s0 =	sadd.s32 $0x16000, s0  }
0x59: {  	[spmem:s2] =	stream.indirect.scatter.add.f32 [tilespmem:s0], [sflag:$0x4], $0x80, s21, s22, $0xb8;
	[tilespmem:$0x1E000] =	vst v63  }
0x5a: {  	s30 =	sadd.s32 $0x80, s21;
	s4 =	simm.s32 $0x2;
	_ =	swait.ge [sflag:s19], $0x4000  }
0x5b: {  	s31 =	sadd.s32 $0x80, s31;
	s0 =	simm.s32 $0x1;
	[sflag:s19] =	ssyncset.done $0x0  }
.LBB2_8:
0x5c: {  	s9 =	sand.u32 $0x1, s0  }
0x5d: {  	[sflag:s19] =	ssyncadd.s32 $0xFFFFC000;
	s0 =	smov.u32 s4;
	s20 =	sadd.s32 $0x1, s4  }
0x5e: {  	s21 =	sshll.u32 s9, $0xE;
	s14 =	sadd.s32 $0x1, s9;
	s9 =	sxor.u32 $0x1, s9  }
0x5f: {  	p2 =	sne.s32 s4, $0xE;
	_ =	swait.ge [sflag:s14], $0x4000;
	s4 =	sshll.u32 s9, $0xE  }
0x60: {  	[sflag:s14] =	ssyncset.done $0x0;
	s4 =	sadd.s32 $0x16000, s4  }
0x61: {  	s9 =	sadd.s32 $0x1, s9;
	[sflag:s14] =	ssyncadd.s32 $0xFFFFC000  }
0x62: {  	[tilespmem:s4], [sflag:s9] =	stream.indirect.gather [hbm4b:s5+s22], $0x80, s31, s22, $0xb8;
	[tilespmem:$0x1E000] =	vst v63  }
.Ltmp3:
0x63: {  	_ = 	snop;
	(pc) =	sbr.rel @p2 .LBB2_8-.Ltmp3, $4  }
0x64: {  	s4 =	sadd.s32 $0x16000, s21  }
0x65: {  	[spmem:s2] =	stream.indirect.scatter.add.f32 [tilespmem:s4], [sflag:$0x4], $0x80, s30, s22, $0xb8;
	[tilespmem:$0x1E000] =	vst v63  }
0x66: {  	s31 =	sadd.s32 $0x80, s31;
	_ =	swait.ge [sflag:s19], $0x4000  }
0x67: {  	s30 =	sadd.s32 $0x80, s30;
	s4 =	smov.u32 s20;
	[sflag:s19] =	ssyncset.done $0x0  }
0x68: {  	s0 =	sand.u32 $0x1, s0  }
0x69: {  	[sflag:s19] =	ssyncadd.s32 $0xFFFFC000;
	s4 =	sadd.s32 $0x1, s0  }
0x6a: {  	s9 =	sxor.u32 $0x1, s0;
	_ =	swait.ge [sflag:s4], $0x4000  }
0x6b: {  	s0 =	sshll.u32 s0, $0xE;
	s14 =	sshll.u32 s9, $0xE;
	[sflag:s4] =	ssyncset.done $0x0  }
0x6c: {  	s21 =	sadd.s32 $0x1, s9;
	s14 =	sadd.s32 $0x16000, s14;
	[sflag:s4] =	ssyncadd.s32 $0xFFFFC000  }
0x6d: {  	[tilespmem:s14], [sflag:s21] =	stream.indirect.gather [hbm4b:s5+s22], $0x80, s31, s22, $0xb8;
	[tilespmem:$0x1E000] =	vst v63  }
0x6e: {  	s0 =	sadd.s32 $0x16000, s0  }
0x6f: {  	[spmem:s2] =	stream.indirect.scatter.add.f32 [tilespmem:s0], [sflag:$0x4], $0x80, s30, s22, $0xb8;
	[tilespmem:$0x1E000] =	vst v63  }
0x70: {  	_ =	swait.ge [sflag:s19], $0x4000  }
0x71: {  	[sflag:s19] =	ssyncset.done $0x0  }
0x72: {  	[sflag:s19] =	ssyncadd.s32 $0xFFFFC000  }
0x73: {  	_ =	swait.ge [sflag:s23], $0x4000  }
0x74: {  	[sflag:s23] =	ssyncset.done $0x0  }
0x75: {  	s31 =	sadd.s32 $0x15780, s29;
	[sflag:s23] =	ssyncadd.s32 $0xFFFFC000  }
0x76: {  	[spmem:s2] =	stream.indirect.scatter.add.f32 [tilespmem:s24], [sflag:$0x4], $0x80, s31, s22, $0xb8;
	[tilespmem:$0x1E000] =	vst v63  }
0x77: {  	_ =	swait.ge [sflag:s19], $0x4000  }
0x78: {  	[sflag:s19] =	ssyncset.done $0x0  }
0x79: {  	p2 =	sne.s32 @!p1 s28, $0x5;
	s0 =	simm.s32 @!p1 $0x3;
	[sflag:s19] =	ssyncadd.s32 $0xFFFFC000  }
0x7a: {  	p2 =	por p1, !p2;
	_ =	swait.ge @!p1 [sflag:s0], $0x800  }
.Ltmp4:
0x7b: {  	[sflag:s0] =	ssyncset.done @!p1 $0x0;
	(pc) =	sbr.rel @!p2 .LBB2_7-.Ltmp4, $4  }
0x7c: {  	[sflag:s0] =	ssyncadd.s32 @!p1 $0xFFFFF800  }
0x7d: {  	_ =	swait.ge @!p1 [sflag:s0], $0x800  }
0x7e: {  	[sflag:s0] =	ssyncset.done @!p1 $0x0  }
0x7f: {  	[sflag:s0] =	ssyncadd.s32 @!p1 $0xFFFFF800  }
0x80: {  	s25 =	sadd.s32 $0x1, s25  }
0x81: {  	s0 =	sshll.u32 s3, $0x6;
	[bflag:$0x0] =	sbarrier.arrive $0xFFFF;
	p1 =	sne.s32 s25, s13  }
.Ltmp5:
0x82: {  	s4 =	sshrl.u32 s8, $0x3;
	s0 =	sor.u32 $0x1C04, s0;
	(pc) =	sbr.rel @p1 .LBB2_1-.Ltmp5, $4  }
0x83: {  	[hbm:s12], [sflag:s0] =	dma.local [spmem:s4], $0x2800  }
0x84: {  	_ =	swait.ge [sflag:s19], $0x2800  }
0x85: {  	[sflag:s19] =	ssyncset.done $0x0  }
0x86: {  	[sflag:s19] =	ssyncadd.s32 $0xFFFFD800  }
0x87: {  	_ =	sfence.sel $0x180000  }
0x88: {  	[bflag:$0x0] =	sbarrier.arrive $0xFFFF  }
0x89: {  	_ =	strace $0x90000050  }
0x8a: {  	[bflag:$0x2] =	sbarrier.arrive $0xFFFF  }
0x8b: {  	p0 =	sne.s32 s3, $0x0;
	s0 =	rddreg [dreg:$0x3]  }
0x8c: {  	s0 =	sadd.s32 @!p0 $0x100000, s0  }
0x8d: {  	[sflag:s0] =	ssyncadd.tile.s32 @!p0 $0x1;
	_ =	shalt  }
.Lfunc_end2:
_tile_overlayer_lowered:
.L_overlay_start_2:
0x8e: {  	(tag) =	ssettag $0x2  }
0x8f: {  	s0 =	rddreg [dreg:$0x0];
	s2 =	stileid.u32  }
0x90: {  	s1 =	rddreg [dreg:$0x1];
	p0 =	sne.s32 s2, $0x0  }
0x91: {  	s3 =	rddreg [dreg:$0x2];
	[bflag:$0x3] =	sbarrier.arrive $0xFFFF;
	s2 =	simm.s32 @!p0 $0x1C04  }
0x92: {  	[timem:s3], [sflag:s2] =	dma.local @!p0 [hbm:s0], s1  }
0x93: {  	s0 =	simm.s32 @!p0 $0x4  }
0x94: {  	_ =	swait.ge @!p0 [sflag:s0], s1  }
0x95: {  	s1 =	ssub.s32 @!p0 $0x0, s1;
	[sflag:s0] =	ssyncset.done @!p0 $0x0  }
0x96: {  	[sflag:s0] =	ssyncadd.s32 @!p0 s1  }
0x97: {  	[bflag:$0x3] =	sbarrier.arrive $0xFFFF  }
0x98: {  	_ =	shalt  }

</sc_bundles>
